<compile_context>
chip_gen: v7x
topology: tpu7x:2x2x1
jax: 0.10.2.dev20260603
libtpu: 0.0.44.dev20260713+nightly
codegen_flags: <defaults>
</compile_context>

<pallas_src>
import functools

import jax
import jax.numpy as jnp
from jax import lax
from jax.experimental import pallas as pl
from jax.experimental.pallas import tpu as pltpu
from jax.experimental.pallas import tpu_sc as plsc

N = 10000
F = 128
S = 64
E = 320000
BN_EPS = 1e-5

NC = 2
NS = 16
NW = NC * NS
K = 128
C = 80
E_PAD = NW * C * K
R = 2
RI = 4
U = 4
G = C // U
N_PAD = 10112
RPT = N_PAD // NS


def _sc_aggregate(h, sd, zeros):
    mesh = plsc.VectorSubcoreMesh(core_axis_name="c", subcore_axis_name="s")

    @functools.partial(
        pl.kernel,
        mesh=mesh,
        out_type=jax.ShapeDtypeStruct((NC, N_PAD, F), jnp.float32),
        scratch_types=[
            pltpu.VMEM((RI, 2, K), jnp.int32),
            pltpu.VMEM((R, K, F), jnp.float32),
            pltpu.VMEM_SHARED((N_PAD, F), jnp.float32),
            [pltpu.SemaphoreType.DMA] * RI,
            [pltpu.SemaphoreType.DMA] * R,
            [pltpu.SemaphoreType.DMA] * R,
            pltpu.SemaphoreType.DMA,
        ],
    )
    def agg(h_hbm, sd_hbm, z_hbm, out_hbm, sd_v, ring, acc_sh, si, sg, ss, sz):
        cid = lax.axis_index("c")
        sid = lax.axis_index("s")
        wid = sid * NC + cid
        row0 = sid * RPT
        zcp = pltpu.async_copy(z_hbm.at[pl.ds(row0, RPT)],
                               acc_sh.at[pl.ds(row0, RPT)], sz)
        for j in range(RI):
            pltpu.async_copy(sd_hbm.at[wid, j], sd_v.at[j], si[j])
        for b in range(R):
            pltpu.make_async_copy(sd_hbm.at[wid, b], sd_v.at[b], si[b]).wait()
            pltpu.async_copy(h_hbm.at[sd_v.at[b, 0]], ring.at[b], sg[b])
        zcp.wait()
        plsc.subcore_barrier()

        def grp(g, carry):
            for u in range(U):
                c = g * U + u
                b = u % R
                ib = u % RI
                pb = (u - 1) % R
                pib = (u - 1) % RI
                pltpu.make_async_copy(h_hbm.at[sd_v.at[ib, 0]], ring.at[b],
                                      sg[b]).wait()
                pltpu.async_copy(ring.at[b], acc_sh.at[sd_v.at[ib, 1]], ss[b],
                                 add=True)

                @pl.when(c >= 1)
                def _():
                    pltpu.make_async_copy(ring.at[pb],
                                          acc_sh.at[sd_v.at[pib, 1]],
                                          ss[pb]).wait()

                    @pl.when(c + 1 < C)
                    def _():
                        pltpu.make_async_copy(sd_hbm.at[wid, c + 1],
                                              sd_v.at[(u + 1) % RI],
                                              si[(u + 1) % RI]).wait()
                        pltpu.async_copy(h_hbm.at[sd_v.at[(u + 1) % RI, 0]],
                                         ring.at[pb], sg[pb])

                    @pl.when(c + 3 < C)
                    def _():
                        pltpu.async_copy(sd_hbm.at[wid, c + 3],
                                         sd_v.at[(u + 3) % RI],
                                         si[(u + 3) % RI])
            return carry

        lax.fori_loop(0, G, grp, 0)
        pltpu.make_async_copy(ring.at[(C - 1) % R],
                              acc_sh.at[sd_v.at[(C - 1) % RI, 1]],
                              ss[(C - 1) % R]).wait()
        plsc.subcore_barrier()
        pltpu.sync_copy(acc_sh.at[pl.ds(row0, RPT)],
                        out_hbm.at[cid, pl.ds(row0, RPT)])

    return agg(h, sd, zeros)


def _mlp_body(h_ref, p_ref, s_ref, w1_ref, b1_ref, w2_ref, b2_ref,
              wo_ref, add_ref, hout_ref, pout_ref):
    z = h_ref[...] * s_ref[...] + (p_ref[0] + p_ref[1])
    z = jnp.dot(z, w1_ref[...], preferred_element_type=jnp.float32) + b1_ref[...]
    z = jnp.maximum(z, 0.0)
    hn = jnp.dot(z, w2_ref[...], preferred_element_type=jnp.float32) + b2_ref[...]
    hn = jnp.maximum(hn, 0.0)
    hout_ref[...] = hn
    pout_ref[...] = jnp.dot(hn, wo_ref[...],
                            preferred_element_type=jnp.float32) + add_ref[...]


_BR = 1000


def _tc_layer(h, pagg, scal_col, w1f, b1f, w2, b2, wo, addin):
    rows3 = lambda i: (0, i, 0)
    rows = lambda i: (i, 0)
    full = lambda i: (0, 0)
    return pl.pallas_call(
        _mlp_body,
        grid=(N // _BR,),
        in_specs=[
            pl.BlockSpec((_BR, F), rows),
            pl.BlockSpec((2, _BR, F), rows3),
            pl.BlockSpec((_BR, 1), rows),
            pl.BlockSpec((F, F), full),
            pl.BlockSpec((1, F), full),
            pl.BlockSpec((F, F), full),
            pl.BlockSpec((1, F), full),
            pl.BlockSpec((F, S), full),
            pl.BlockSpec((_BR, S), rows),
        ],
        out_specs=[
            pl.BlockSpec((_BR, F), rows),
            pl.BlockSpec((_BR, S), rows),
        ],
        out_shape=[
            jax.ShapeDtypeStruct((N, F), jnp.float32),
            jax.ShapeDtypeStruct((N, S), jnp.float32),
        ],
    )(h, pagg, scal_col, w1f, b1f, w2, b2, wo, addin)


def kernel(x, edge_index,
           W1_0, b1_0, gamma_0, beta_0, rmean_0, rvar_0, W2_0, b2_0, eps_0,
           W1_1, b1_1, gamma_1, beta_1, rmean_1, rvar_1, W2_1, b2_1, eps_1,
           W1_2, b1_2, gamma_2, beta_2, rmean_2, rvar_2, W2_2, b2_2, eps_2,
           W_out, b_out):
    layers = [
        (W1_0, b1_0, gamma_0, beta_0, rmean_0, rvar_0, W2_0, b2_0, eps_0),
        (W1_1, b1_1, gamma_1, beta_1, rmean_1, rvar_1, W2_1, b2_1, eps_1),
        (W1_2, b1_2, gamma_2, beta_2, rmean_2, rvar_2, W2_2, b2_2, eps_2),
    ]
    pad = E_PAD - E
    pad_rows = jnp.arange(pad, dtype=jnp.int32) % N
    src_r = jnp.concatenate([edge_index[0], pad_rows]).reshape(NW, C, K)
    dst_r = jnp.concatenate([edge_index[1], pad_rows]).reshape(NW, C, K)
    sd = jnp.stack([src_r, dst_r], axis=2)
    pad_cnt = jnp.zeros((N, 1), jnp.float32).at[pad_rows, 0].add(1.0)
    zeros = jnp.zeros((N_PAD, F), jnp.float32)

    h = x
    pout = jnp.broadcast_to(b_out[None, :], (N, S))
    for l, (W1, b1, gamma, beta, rmean, rvar, W2, b2, eps) in enumerate(layers):
        s = gamma * lax.rsqrt(rvar + BN_EPS)
        w1f = W1 * s[None, :]
        b1f = ((b1 - rmean) * s + beta)[None, :]
        scal_col = (1.0 + eps) - pad_cnt
        wo = lax.dynamic_slice_in_dim(W_out, l * F, F, axis=0)

        pagg = _sc_aggregate(h, sd, zeros)
        h, pout = _tc_layer(h, pagg, scal_col,
                            w1f, b1f, W2, b2[None, :], wo, pout)
    return pout

# --- scband reference (transcript-rebuilt; emitter-appended) ---
"""Pipeline reference for scband-pgin-71425306133016 (READ-ONLY COPY).

The authoritative reference and input builder live on the scoring server;
editing this copy changes nothing except your own understanding.
"""

import jax, jax.numpy as jnp
import numpy as np

NUM_LAYERS = 3
IN = 128
HID = 128
S = 64
N = 10000
E = 320000
BN_EPS = 1e-5


def setup_inputs(seed: int = 0) -> dict:
    key = jax.random.key(seed)
    k_x, k_e = jax.random.split(key, 2)
    inp = {}
    inp["x"] = jax.random.normal(k_x, (N, IN), dtype=jnp.float32)
    inp["edge_index"] = jax.random.randint(k_e, (2, E), 0, N).astype(jnp.int32)
    for l in range(NUM_LAYERS):
        cin = IN if l == 0 else HID
        k1, k2 = jax.random.split(jax.random.fold_in(key, 10 + l), 2)
        inp[f"W1_{l}"] = (jax.random.normal(k1, (cin, HID), dtype=jnp.float32) / np.sqrt(cin)).astype(jnp.float32)
        inp[f"b1_{l}"] = jnp.zeros((HID,), jnp.float32)
        inp[f"gamma_{l}"] = jnp.ones((HID,), jnp.float32)
        inp[f"beta_{l}"] = jnp.zeros((HID,), jnp.float32)
        inp[f"rmean_{l}"] = jnp.zeros((HID,), jnp.float32)
        inp[f"rvar_{l}"] = jnp.ones((HID,), jnp.float32)
        inp[f"W2_{l}"] = (jax.random.normal(k2, (HID, HID), dtype=jnp.float32) / np.sqrt(HID)).astype(jnp.float32)
        inp[f"b2_{l}"] = jnp.zeros((HID,), jnp.float32)
        inp[f"eps_{l}"] = jnp.zeros((), jnp.float32)
    k_o = jax.random.fold_in(key, 99)
    inp["W_out"] = (jax.random.normal(k_o, (HID * NUM_LAYERS, S), dtype=jnp.float32) / np.sqrt(HID * NUM_LAYERS)).astype(jnp.float32)
    inp["b_out"] = jnp.zeros((S,), jnp.float32)
    return inp


def _bn_eval(h, gamma, beta, rmean, rvar):
    return (h - rmean) / jnp.sqrt(rvar + BN_EPS) * gamma + beta


def reference(x, edge_index,
              W1_0, b1_0, gamma_0, beta_0, rmean_0, rvar_0, W2_0, b2_0, eps_0,
              W1_1, b1_1, gamma_1, beta_1, rmean_1, rvar_1, W2_1, b2_1, eps_1,
              W1_2, b1_2, gamma_2, beta_2, rmean_2, rvar_2, W2_2, b2_2, eps_2,
              W_out, b_out):
    # PGIN forward (eval mode: dropout is identity, BatchNorm uses running stats)
    p = {
        "W1_0": W1_0, "b1_0": b1_0, "gamma_0": gamma_0, "beta_0": beta_0,
        "rmean_0": rmean_0, "rvar_0": rvar_0, "W2_0": W2_0, "b2_0": b2_0, "eps_0": eps_0,
        "W1_1": W1_1, "b1_1": b1_1, "gamma_1": gamma_1, "beta_1": beta_1,
        "rmean_1": rmean_1, "rvar_1": rvar_1, "W2_1": W2_1, "b2_1": b2_1, "eps_1": eps_1,
        "W1_2": W1_2, "b1_2": b1_2, "gamma_2": gamma_2, "beta_2": beta_2,
        "rmean_2": rmean_2, "rvar_2": rvar_2, "W2_2": W2_2, "b2_2": b2_2, "eps_2": eps_2,
        "W_out": W_out, "b_out": b_out,
    }
    src = edge_index[0]
    dst = edge_index[1]
    xs = []
    h = x
    for l in range(NUM_LAYERS):
        # MyGINConv: out = nn((1 + eps) * x + sum_{j in N(i)} x_j)
        msg = jnp.take(h, src, axis=0)
        aggr = jnp.zeros_like(h).at[dst].add(msg)
        z = (1.0 + p[f"eps_{l}"]) * h + aggr
        z = z @ p[f"W1_{l}"] + p[f"b1_{l}"]
        z = _bn_eval(z, p[f"gamma_{l}"], p[f"beta_{l}"], p[f"rmean_{l}"], p[f"rvar_{l}"])
        z = jax.nn.relu(z)
        z = z @ p[f"W2_{l}"] + p[f"b2_{l}"]
        z = jax.nn.relu(z)
        h = z
        xs.append(h)
    hcat = jnp.concatenate(xs, axis=1)
    return hcat @ p["W_out"] + p["b_out"]

if __name__ == "__main__":
    import jax
    _d = setup_inputs()
    print(jax.jit(kernel)(*tuple(_d.values())))

</pallas_src>

<mosaic_0001>
#map = affine_map<(d0, d1) -> (0, 0)>
#map1 = affine_map<(d0, d1) -> (0, 0, 0, 0)>
#map2 = affine_map<(d0, d1) -> (0, 0, 0)>
module attributes {stable_mosaic.version = 14 : i64} {
  func.func @agg(%arg0: i32, %arg1: i32, %arg2: memref<10000x128xf32, #tpu.memory_space<hbm>>, %arg3: memref<32x80x2x128xi32, #tpu.memory_space<hbm>>, %arg4: memref<10112x128xf32, #tpu.memory_space<hbm>>, %arg5: memref<2x10112x128xf32, #tpu.memory_space<hbm>>, %arg6: memref<4x2x128xi32, #tpu.memory_space<vmem>>, %arg7: memref<2x128x128xf32, #tpu.memory_space<vmem>>, %arg8: memref<10112x128xf32, #tpu.memory_space<vmem_shared>>, %arg9: memref<!tpu.dma_semaphore, #tpu.memory_space<semaphore_mem>>, %arg10: memref<!tpu.dma_semaphore, #tpu.memory_space<semaphore_mem>>, %arg11: memref<!tpu.dma_semaphore, #tpu.memory_space<semaphore_mem>>, %arg12: memref<!tpu.dma_semaphore, #tpu.memory_space<semaphore_mem>>, %arg13: memref<!tpu.dma_semaphore, #tpu.memory_space<semaphore_mem>>, %arg14: memref<!tpu.dma_semaphore, #tpu.memory_space<semaphore_mem>>, %arg15: memref<!tpu.dma_semaphore, #tpu.memory_space<semaphore_mem>>, %arg16: memref<!tpu.dma_semaphore, #tpu.memory_space<semaphore_mem>>, %arg17: memref<!tpu.dma_semaphore, #tpu.memory_space<semaphore_mem>>) attributes {dimension_semantics = [#tpu.dimension_semantics<core_parallel>, #tpu.dimension_semantics<subcore_parallel>], iteration_bounds = array<i64: 2, 16>, scalar_prefetch = 0 : i64, scratch_operands = 12 : i64, tpu.core_type = #tpu.core_type<sc_vector_subcore>, window_params = [{transform_indices = #map}, {transform_indices = #map1}, {transform_indices = #map}, {transform_indices = #map2}]} {
    %mul3A = arith.constant 2 : i32
    %mul3A_0 = arith.muli %arg1, %mul3A : i32
    %add3A = arith.addi %mul3A_0, %arg0 : i32
    %mul3A_1 = arith.constant 632 : i32
    %mul3A_2 = arith.muli %arg1, %mul3A_1 : i32
    %dma_start3A = arith.constant 0 : i32
    %dma_start3A_3 = tpu.memref_slice %arg8[%mul3A_2, %dma_start3A] : memref<10112x128xf32, #tpu.memory_space<vmem_shared>> -> memref<632x128xf32, #tpu.memory_space<vmem_shared>>
    %dma_start3A_4 = arith.constant 0 : i32
    %dma_start3A_5 = tpu.memref_slice %arg4[%mul3A_2, %dma_start3A_4] : memref<10112x128xf32, #tpu.memory_space<hbm>> -> memref<632x128xf32, #tpu.memory_space<hbm>>
    tpu.enqueue_dma source(%dma_start3A_5 : memref<632x128xf32, #tpu.memory_space<hbm>>) target(%dma_start3A_3 : memref<632x128xf32, #tpu.memory_space<vmem_shared>>) target_semaphore(%arg17 : memref<!tpu.dma_semaphore, #tpu.memory_space<semaphore_mem>>)
    %dma_start3A_6 = arith.constant 0 : i32
    %dma_start3A_7 = arith.constant 0 : i32
    %dma_start3A_8 = arith.constant 0 : i32
    %dma_start3A_9 = arith.constant 0 : i32
    %dma_start3A_10 = tpu.memref_slice %arg6[%dma_start3A_7, %dma_start3A_8, %dma_start3A_9] : memref<4x2x128xi32, #tpu.memory_space<vmem>> -> memref<1x2x128xi32, #tpu.memory_space<vmem>>
    %dma_start3A_11 = tpu.memref_squeeze %dma_start3A_10 : memref<1x2x128xi32, #tpu.memory_space<vmem>> -> memref<2x128xi32, #tpu.memory_space<vmem>>
    %dma_start3A_12 = arith.constant 0 : i32
    %dma_start3A_13 = arith.constant 0 : i32
    %dma_start3A_14 = tpu.memref_slice %arg3[%add3A, %dma_start3A_6, %dma_start3A_12, %dma_start3A_13] : memref<32x80x2x128xi32, #tpu.memory_space<hbm>> -> memref<1x1x2x128xi32, #tpu.memory_space<hbm>>
    %dma_start3A_15 = tpu.memref_squeeze %dma_start3A_14 : memref<1x1x2x128xi32, #tpu.memory_space<hbm>> -> memref<2x128xi32, #tpu.memory_space<hbm>>
    %dma_start3A_16 = arith.constant 0 : i32
    %dma_start3A_17 = arith.constant 0 : i32
    %dma_start3A_18 = tpu.memref_slice %arg6[%dma_start3A_7, %dma_start3A_16, %dma_start3A_17] : memref<4x2x128xi32, #tpu.memory_space<vmem>> -> memref<1x2x128xi32, #tpu.memory_space<vmem>>
    %dma_start3A_19 = tpu.memref_squeeze %dma_start3A_18 : memref<1x2x128xi32, #tpu.memory_space<vmem>> -> memref<2x128xi32, #tpu.memory_space<vmem>>
    %dma_start3A_20 = arith.constant 0 : i32
    %dma_start3A_21 = arith.constant 0 : i32
    %dma_start3A_22 = tpu.memref_slice %arg3[%add3A, %dma_start3A_6, %dma_start3A_20, %dma_start3A_21] : memref<32x80x2x128xi32, #tpu.memory_space<hbm>> -> memref<1x1x2x128xi32, #tpu.memory_space<hbm>>
    %dma_start3A_23 = tpu.memref_squeeze %dma_start3A_22 : memref<1x1x2x128xi32, #tpu.memory_space<hbm>> -> memref<2x128xi32, #tpu.memory_space<hbm>>
    tpu.enqueue_dma source(%dma_start3A_23 : memref<2x128xi32, #tpu.memory_space<hbm>>) target(%dma_start3A_19 : memref<2x128xi32, #tpu.memory_space<vmem>>) target_semaphore(%arg9 : memref<!tpu.dma_semaphore, #tpu.memory_space<semaphore_mem>>)
    %dma_start3A_24 = arith.constant 1 : i32
    %dma_start3A_25 = arith.constant 1 : i32
    %dma_start3A_26 = arith.constant 0 : i32
    %dma_start3A_27 = arith.constant 0 : i32
    %dma_start3A_28 = tpu.memref_slice %arg6[%dma_start3A_25, %dma_start3A_26, %dma_start3A_27] : memref<4x2x128xi32, #tpu.memory_space<vmem>> -> memref<1x2x128xi32, #tpu.memory_space<vmem>>
    %dma_start3A_29 = tpu.memref_squeeze %dma_start3A_28 : memref<1x2x128xi32, #tpu.memory_space<vmem>> -> memref<2x128xi32, #tpu.memory_space<vmem>>
    %dma_start3A_30 = arith.constant 0 : i32
    %dma_start3A_31 = arith.constant 0 : i32
    %dma_start3A_32 = tpu.memref_slice %arg3[%add3A, %dma_start3A_24, %dma_start3A_30, %dma_start3A_31] : memref<32x80x2x128xi32, #tpu.memory_space<hbm>> -> memref<1x1x2x128xi32, #tpu.memory_space<hbm>>
    %dma_start3A_33 = tpu.memref_squeeze %dma_start3A_32 : memref<1x1x2x128xi32, #tpu.memory_space<hbm>> -> memref<2x128xi32, #tpu.memory_space<hbm>>
    %dma_start3A_34 = arith.constant 0 : i32
    %dma_start3A_35 = arith.constant 0 : i32
    %dma_start3A_36 = tpu.memref_slice %arg6[%dma_start3A_25, %dma_start3A_34, %dma_start3A_35] : memref<4x2x128xi32, #tpu.memory_space<vmem>> -> memref<1x2x128xi32, #tpu.memory_space<vmem>>
    %dma_start3A_37 = tpu.memref_squeeze %dma_start3A_36 : memref<1x2x128xi32, #tpu.memory_space<vmem>> -> memref<2x128xi32, #tpu.memory_space<vmem>>
    %dma_start3A_38 = arith.constant 0 : i32
    %dma_start3A_39 = arith.constant 0 : i32
    %dma_start3A_40 = tpu.memref_slice %arg3[%add3A, %dma_start3A_24, %dma_start3A_38, %dma_start3A_39] : memref<32x80x2x128xi32, #tpu.memory_space<hbm>> -> memref<1x1x2x128xi32, #tpu.memory_space<hbm>>
    %dma_start3A_41 = tpu.memref_squeeze %dma_start3A_40 : memref<1x1x2x128xi32, #tpu.memory_space<hbm>> -> memref<2x128xi32, #tpu.memory_space<hbm>>
    tpu.enqueue_dma source(%dma_start3A_41 : memref<2x128xi32, #tpu.memory_space<hbm>>) target(%dma_start3A_37 : memref<2x128xi32, #tpu.memory_space<vmem>>) target_semaphore(%arg10 : memref<!tpu.dma_semaphore, #tpu.memory_space<semaphore_mem>>)
    %dma_start3A_42 = arith.constant 2 : i32
    %dma_start3A_43 = arith.constant 2 : i32
    %dma_start3A_44 = arith.constant 0 : i32
    %dma_start3A_45 = arith.constant 0 : i32
    %dma_start3A_46 = tpu.memref_slice %arg6[%dma_start3A_43, %dma_start3A_44, %dma_start3A_45] : memref<4x2x128xi32, #tpu.memory_space<vmem>> -> memref<1x2x128xi32, #tpu.memory_space<vmem>>
    %dma_start3A_47 = tpu.memref_squeeze %dma_start3A_46 : memref<1x2x128xi32, #tpu.memory_space<vmem>> -> memref<2x128xi32, #tpu.memory_space<vmem>>
    %dma_start3A_48 = arith.constant 0 : i32
    %dma_start3A_49 = arith.constant 0 : i32
    %dma_start3A_50 = tpu.memref_slice %arg3[%add3A, %dma_start3A_42, %dma_start3A_48, %dma_start3A_49] : memref<32x80x2x128xi32, #tpu.memory_space<hbm>> -> memref<1x1x2x128xi32, #tpu.memory_space<hbm>>
    %dma_start3A_51 = tpu.memref_squeeze %dma_start3A_50 : memref<1x1x2x128xi32, #tpu.memory_space<hbm>> -> memref<2x128xi32, #tpu.memory_space<hbm>>
    %dma_start3A_52 = arith.constant 0 : i32
    %dma_start3A_53 = arith.constant 0 : i32
    %dma_start3A_54 = tpu.memref_slice %arg6[%dma_start3A_43, %dma_start3A_52, %dma_start3A_53] : memref<4x2x128xi32, #tpu.memory_space<vmem>> -> memref<1x2x128xi32, #tpu.memory_space<vmem>>
    %dma_start3A_55 = tpu.memref_squeeze %dma_start3A_54 : memref<1x2x128xi32, #tpu.memory_space<vmem>> -> memref<2x128xi32, #tpu.memory_space<vmem>>
    %dma_start3A_56 = arith.constant 0 : i32
    %dma_start3A_57 = arith.constant 0 : i32
    %dma_start3A_58 = tpu.memref_slice %arg3[%add3A, %dma_start3A_42, %dma_start3A_56, %dma_start3A_57] : memref<32x80x2x128xi32, #tpu.memory_space<hbm>> -> memref<1x1x2x128xi32, #tpu.memory_space<hbm>>
    %dma_start3A_59 = tpu.memref_squeeze %dma_start3A_58 : memref<1x1x2x128xi32, #tpu.memory_space<hbm>> -> memref<2x128xi32, #tpu.memory_space<hbm>>
    tpu.enqueue_dma source(%dma_start3A_59 : memref<2x128xi32, #tpu.memory_space<hbm>>) target(%dma_start3A_55 : memref<2x128xi32, #tpu.memory_space<vmem>>) target_semaphore(%arg11 : memref<!tpu.dma_semaphore, #tpu.memory_space<semaphore_mem>>)
    %dma_start3A_60 = arith.constant 3 : i32
    %dma_start3A_61 = arith.constant 3 : i32
    %dma_start3A_62 = arith.constant 0 : i32
    %dma_start3A_63 = arith.constant 0 : i32
    %dma_start3A_64 = tpu.memref_slice %arg6[%dma_start3A_61, %dma_start3A_62, %dma_start3A_63] : memref<4x2x128xi32, #tpu.memory_space<vmem>> -> memref<1x2x128xi32, #tpu.memory_space<vmem>>
    %dma_start3A_65 = tpu.memref_squeeze %dma_start3A_64 : memref<1x2x128xi32, #tpu.memory_space<vmem>> -> memref<2x128xi32, #tpu.memory_space<vmem>>
    %dma_start3A_66 = arith.constant 0 : i32
    %dma_start3A_67 = arith.constant 0 : i32
    %dma_start3A_68 = tpu.memref_slice %arg3[%add3A, %dma_start3A_60, %dma_start3A_66, %dma_start3A_67] : memref<32x80x2x128xi32, #tpu.memory_space<hbm>> -> memref<1x1x2x128xi32, #tpu.memory_space<hbm>>
    %dma_start3A_69 = tpu.memref_squeeze %dma_start3A_68 : memref<1x1x2x128xi32, #tpu.memory_space<hbm>> -> memref<2x128xi32, #tpu.memory_space<hbm>>
    %dma_start3A_70 = arith.constant 0 : i32
    %dma_start3A_71 = arith.constant 0 : i32
    %dma_start3A_72 = tpu.memref_slice %arg6[%dma_start3A_61, %dma_start3A_70, %dma_start3A_71] : memref<4x2x128xi32, #tpu.memory_space<vmem>> -> memref<1x2x128xi32, #tpu.memory_space<vmem>>
    %dma_start3A_73 = tpu.memref_squeeze %dma_start3A_72 : memref<1x2x128xi32, #tpu.memory_space<vmem>> -> memref<2x128xi32, #tpu.memory_space<vmem>>
    %dma_start3A_74 = arith.constant 0 : i32
    %dma_start3A_75 = arith.constant 0 : i32
    %dma_start3A_76 = tpu.memref_slice %arg3[%add3A, %dma_start3A_60, %dma_start3A_74, %dma_start3A_75] : memref<32x80x2x128xi32, #tpu.memory_space<hbm>> -> memref<1x1x2x128xi32, #tpu.memory_space<hbm>>
    %dma_start3A_77 = tpu.memref_squeeze %dma_start3A_76 : memref<1x1x2x128xi32, #tpu.memory_space<hbm>> -> memref<2x128xi32, #tpu.memory_space<hbm>>
    tpu.enqueue_dma source(%dma_start3A_77 : memref<2x128xi32, #tpu.memory_space<hbm>>) target(%dma_start3A_73 : memref<2x128xi32, #tpu.memory_space<vmem>>) target_semaphore(%arg12 : memref<!tpu.dma_semaphore, #tpu.memory_space<semaphore_mem>>)
    %dma_wait3A = arith.constant 0 : i32
    %dma_wait3A_78 = arith.constant 0 : i32
    %dma_wait3A_79 = arith.constant 0 : i32
    %dma_wait3A_80 = arith.constant 0 : i32
    %dma_wait3A_81 = tpu.memref_slice %arg6[%dma_wait3A_78, %dma_wait3A_79, %dma_wait3A_80] : memref<4x2x128xi32, #tpu.memory_space<vmem>> -> memref<1x2x128xi32, #tpu.memory_space<vmem>>
    %dma_wait3A_82 = tpu.memref_squeeze %dma_wait3A_81 : memref<1x2x128xi32, #tpu.memory_space<vmem>> -> memref<2x128xi32, #tpu.memory_space<vmem>>
    %dma_wait3A_83 = arith.constant 0 : i32
    %dma_wait3A_84 = arith.constant 0 : i32
    %dma_wait3A_85 = tpu.memref_slice %arg3[%add3A, %dma_wait3A, %dma_wait3A_83, %dma_wait3A_84] : memref<32x80x2x128xi32, #tpu.memory_space<hbm>> -> memref<1x1x2x128xi32, #tpu.memory_space<hbm>>
    %dma_wait3A_86 = tpu.memref_squeeze %dma_wait3A_85 : memref<1x1x2x128xi32, #tpu.memory_space<hbm>> -> memref<2x128xi32, #tpu.memory_space<hbm>>
    %dma_wait3A_87 = arith.constant 0 : i32
    %dma_wait3A_88 = arith.constant 0 : i32
    %dma_wait3A_89 = tpu.memref_slice %arg6[%dma_wait3A_78, %dma_wait3A_87, %dma_wait3A_88] : memref<4x2x128xi32, #tpu.memory_space<vmem>> -> memref<1x2x128xi32, #tpu.memory_space<vmem>>
    %dma_wait3A_90 = tpu.memref_squeeze %dma_wait3A_89 : memref<1x2x128xi32, #tpu.memory_space<vmem>> -> memref<2x128xi32, #tpu.memory_space<vmem>>
    %dma_wait3A_91 = arith.constant 0 : i32
    %dma_wait3A_92 = arith.constant 0 : i32
    %dma_wait3A_93 = tpu.memref_slice %arg3[%add3A, %dma_wait3A, %dma_wait3A_91, %dma_wait3A_92] : memref<32x80x2x128xi32, #tpu.memory_space<hbm>> -> memref<1x1x2x128xi32, #tpu.memory_space<hbm>>
    %dma_wait3A_94 = tpu.memref_squeeze %dma_wait3A_93 : memref<1x1x2x128xi32, #tpu.memory_space<hbm>> -> memref<2x128xi32, #tpu.memory_space<hbm>>
    tpu.wait_dma2 semaphore(%arg9 : memref<!tpu.dma_semaphore, #tpu.memory_space<semaphore_mem>>) src(%dma_wait3A_94 : memref<2x128xi32, #tpu.memory_space<hbm>>) dst(%dma_wait3A_90 : memref<2x128xi32, #tpu.memory_space<vmem>>)
    %dma_start3A_95 = arith.constant 0 : i32
    %dma_start3A_96 = arith.constant 0 : i32
    %dma_start3A_97 = arith.constant 0 : i32
    %dma_start3A_98 = arith.constant 0 : i32
    %dma_start3A_99 = arith.constant 0 : i32
    %dma_start3A_100 = tpu.memref_slice %arg7[%dma_start3A_97, %dma_start3A_98, %dma_start3A_99] : memref<2x128x128xf32, #tpu.memory_space<vmem>> -> memref<1x128x128xf32, #tpu.memory_space<vmem>>
    %dma_start3A_101 = tpu.memref_squeeze %dma_start3A_100 : memref<1x128x128xf32, #tpu.memory_space<vmem>> -> memref<128x128xf32, #tpu.memory_space<vmem>>
    %dma_start3A_102 = arith.constant 0 : i32
    %dma_start3A_103 = tpu.memref_slice %arg6[%dma_start3A_95, %dma_start3A_96, %dma_start3A_102] : memref<4x2x128xi32, #tpu.memory_space<vmem>> -> memref<1x1x128xi32, #tpu.memory_space<vmem>>
    %dma_start3A_104 = tpu.memref_squeeze %dma_start3A_103 : memref<1x1x128xi32, #tpu.memory_space<vmem>> -> memref<128xi32, #tpu.memory_space<vmem>>
    %dma_start3A_105 = arith.constant 0 : i32
    %dma_start3A_106 = arith.constant 0 : i32
    %dma_start3A_107 = tpu.memref_slice %arg2[%dma_start3A_105, %dma_start3A_106] : memref<10000x128xf32, #tpu.memory_space<hbm>> -> memref<10000x128xf32, #tpu.memory_space<hbm>>
    tpu.enqueue_indirect_dma source(%dma_start3A_107 : memref<10000x128xf32, #tpu.memory_space<hbm>>) target(%dma_start3A_101 : memref<128x128xf32, #tpu.memory_space<vmem>>) offsets(%dma_start3A_104 : memref<128xi32, #tpu.memory_space<vmem>>) semaphore(%arg13 : memref<!tpu.dma_semaphore, #tpu.memory_space<semaphore_mem>>)
    %dma_wait3A_108 = arith.constant 1 : i32
    %dma_wait3A_109 = arith.constant 1 : i32
    %dma_wait3A_110 = arith.constant 0 : i32
    %dma_wait3A_111 = arith.constant 0 : i32
    %dma_wait3A_112 = tpu.memref_slice %arg6[%dma_wait3A_109, %dma_wait3A_110, %dma_wait3A_111] : memref<4x2x128xi32, #tpu.memory_space<vmem>> -> memref<1x2x128xi32, #tpu.memory_space<vmem>>
    %dma_wait3A_113 = tpu.memref_squeeze %dma_wait3A_112 : memref<1x2x128xi32, #tpu.memory_space<vmem>> -> memref<2x128xi32, #tpu.memory_space<vmem>>
    %dma_wait3A_114 = arith.constant 0 : i32
    %dma_wait3A_115 = arith.constant 0 : i32
    %dma_wait3A_116 = tpu.memref_slice %arg3[%add3A, %dma_wait3A_108, %dma_wait3A_114, %dma_wait3A_115] : memref<32x80x2x128xi32, #tpu.memory_space<hbm>> -> memref<1x1x2x128xi32, #tpu.memory_space<hbm>>
    %dma_wait3A_117 = tpu.memref_squeeze %dma_wait3A_116 : memref<1x1x2x128xi32, #tpu.memory_space<hbm>> -> memref<2x128xi32, #tpu.memory_space<hbm>>
    %dma_wait3A_118 = arith.constant 0 : i32
    %dma_wait3A_119 = arith.constant 0 : i32
    %dma_wait3A_120 = tpu.memref_slice %arg6[%dma_wait3A_109, %dma_wait3A_118, %dma_wait3A_119] : memref<4x2x128xi32, #tpu.memory_space<vmem>> -> memref<1x2x128xi32, #tpu.memory_space<vmem>>
    %dma_wait3A_121 = tpu.memref_squeeze %dma_wait3A_120 : memref<1x2x128xi32, #tpu.memory_space<vmem>> -> memref<2x128xi32, #tpu.memory_space<vmem>>
    %dma_wait3A_122 = arith.constant 0 : i32
    %dma_wait3A_123 = arith.constant 0 : i32
    %dma_wait3A_124 = tpu.memref_slice %arg3[%add3A, %dma_wait3A_108, %dma_wait3A_122, %dma_wait3A_123] : memref<32x80x2x128xi32, #tpu.memory_space<hbm>> -> memref<1x1x2x128xi32, #tpu.memory_space<hbm>>
    %dma_wait3A_125 = tpu.memref_squeeze %dma_wait3A_124 : memref<1x1x2x128xi32, #tpu.memory_space<hbm>> -> memref<2x128xi32, #tpu.memory_space<hbm>>
    tpu.wait_dma2 semaphore(%arg10 : memref<!tpu.dma_semaphore, #tpu.memory_space<semaphore_mem>>) src(%dma_wait3A_125 : memref<2x128xi32, #tpu.memory_space<hbm>>) dst(%dma_wait3A_121 : memref<2x128xi32, #tpu.memory_space<vmem>>)
    %dma_start3A_126 = arith.constant 1 : i32
    %dma_start3A_127 = arith.constant 0 : i32
    %dma_start3A_128 = arith.constant 1 : i32
    %dma_start3A_129 = arith.constant 0 : i32
    %dma_start3A_130 = arith.constant 0 : i32
    %dma_start3A_131 = tpu.memref_slice %arg7[%dma_start3A_128, %dma_start3A_129, %dma_start3A_130] : memref<2x128x128xf32, #tpu.memory_space<vmem>> -> memref<1x128x128xf32, #tpu.memory_space<vmem>>
    %dma_start3A_132 = tpu.memref_squeeze %dma_start3A_131 : memref<1x128x128xf32, #tpu.memory_space<vmem>> -> memref<128x128xf32, #tpu.memory_space<vmem>>
    %dma_start3A_133 = arith.constant 0 : i32
    %dma_start3A_134 = tpu.memref_slice %arg6[%dma_start3A_126, %dma_start3A_127, %dma_start3A_133] : memref<4x2x128xi32, #tpu.memory_space<vmem>> -> memref<1x1x128xi32, #tpu.memory_space<vmem>>
    %dma_start3A_135 = tpu.memref_squeeze %dma_start3A_134 : memref<1x1x128xi32, #tpu.memory_space<vmem>> -> memref<128xi32, #tpu.memory_space<vmem>>
    %dma_start3A_136 = arith.constant 0 : i32
    %dma_start3A_137 = arith.constant 0 : i32
    %dma_start3A_138 = tpu.memref_slice %arg2[%dma_start3A_136, %dma_start3A_137] : memref<10000x128xf32, #tpu.memory_space<hbm>> -> memref<10000x128xf32, #tpu.memory_space<hbm>>
    tpu.enqueue_indirect_dma source(%dma_start3A_138 : memref<10000x128xf32, #tpu.memory_space<hbm>>) target(%dma_start3A_132 : memref<128x128xf32, #tpu.memory_space<vmem>>) offsets(%dma_start3A_135 : memref<128xi32, #tpu.memory_space<vmem>>) semaphore(%arg14 : memref<!tpu.dma_semaphore, #tpu.memory_space<semaphore_mem>>)
    %dma_wait3A_139 = arith.constant 0 : i32
    %dma_wait3A_140 = tpu.memref_slice %arg8[%mul3A_2, %dma_wait3A_139] : memref<10112x128xf32, #tpu.memory_space<vmem_shared>> -> memref<632x128xf32, #tpu.memory_space<vmem_shared>>
    %dma_wait3A_141 = arith.constant 0 : i32
    %dma_wait3A_142 = tpu.memref_slice %arg4[%mul3A_2, %dma_wait3A_141] : memref<10112x128xf32, #tpu.memory_space<hbm>> -> memref<632x128xf32, #tpu.memory_space<hbm>>
    tpu.wait_dma2 semaphore(%arg17 : memref<!tpu.dma_semaphore, #tpu.memory_space<semaphore_mem>>) src(%dma_wait3A_142 : memref<632x128xf32, #tpu.memory_space<hbm>>) dst(%dma_wait3A_140 : memref<632x128xf32, #tpu.memory_space<vmem_shared>>)
    %barrier3A = arith.constant 0 : index
    tpu.barrier barrier_id(%barrier3A)
    %scan3A = arith.constant 0 : i32
    %scan3A_143 = arith.constant 0 : i32
    %scan3A_144 = arith.constant 20 : i32
    %scan3A_145 = arith.addi %scan3A_143, %scan3A_144 : i32
    %scan3A_146 = arith.constant 1 : i32
    scf.for %scan3A_162 = %scan3A_143 to %scan3A_145 step %scan3A_146  : i32 {
      %mul3A_163 = arith.constant 4 : i32
      %mul3A_164 = arith.muli %scan3A_162, %mul3A_163 : i32
      %add3A_165 = arith.constant 0 : i32
      %add3A_166 = arith.addi %mul3A_164, %add3A_165 : i32
      %dma_wait3A_167 = arith.constant 0 : i32
      %dma_wait3A_168 = arith.constant 0 : i32
      %dma_wait3A_169 = arith.constant 0 : i32
      %dma_wait3A_170 = arith.constant 0 : i32
      %dma_wait3A_171 = arith.constant 0 : i32
      %dma_wait3A_172 = tpu.memref_slice %arg7[%dma_wait3A_169, %dma_wait3A_170, %dma_wait3A_171] : memref<2x128x128xf32, #tpu.memory_space<vmem>> -> memref<1x128x128xf32, #tpu.memory_space<vmem>>
      %dma_wait3A_173 = tpu.memref_squeeze %dma_wait3A_172 : memref<1x128x128xf32, #tpu.memory_space<vmem>> -> memref<128x128xf32, #tpu.memory_space<vmem>>
      %dma_wait3A_174 = arith.constant 0 : i32
      %dma_wait3A_175 = tpu.memref_slice %arg6[%dma_wait3A_167, %dma_wait3A_168, %dma_wait3A_174] : memref<4x2x128xi32, #tpu.memory_space<vmem>> -> memref<1x1x128xi32, #tpu.memory_space<vmem>>
      %dma_wait3A_176 = tpu.memref_squeeze %dma_wait3A_175 : memref<1x1x128xi32, #tpu.memory_space<vmem>> -> memref<128xi32, #tpu.memory_space<vmem>>
      %dma_wait3A_177 = arith.constant 0 : i32
      %dma_wait3A_178 = arith.constant 0 : i32
      %dma_wait3A_179 = tpu.memref_slice %arg2[%dma_wait3A_177, %dma_wait3A_178] : memref<10000x128xf32, #tpu.memory_space<hbm>> -> memref<10000x128xf32, #tpu.memory_space<hbm>>
      tpu.wait_indirect_dma semaphore(%arg13 : memref<!tpu.dma_semaphore, #tpu.memory_space<semaphore_mem>>) src(%dma_wait3A_179 : memref<10000x128xf32, #tpu.memory_space<hbm>>) dst(%dma_wait3A_173 : memref<128x128xf32, #tpu.memory_space<vmem>>)
      %dma_start3A_180 = arith.constant 0 : i32
      %dma_start3A_181 = arith.constant 0 : i32
      %dma_start3A_182 = arith.constant 1 : i32
      %dma_start3A_183 = arith.constant 0 : i32
      %dma_start3A_184 = arith.constant 0 : i32
      %dma_start3A_185 = tpu.memref_slice %arg7[%dma_start3A_180, %dma_start3A_183, %dma_start3A_184] : memref<2x128x128xf32, #tpu.memory_space<vmem>> -> memref<1x128x128xf32, #tpu.memory_space<vmem>>
      %dma_start3A_186 = tpu.memref_squeeze %dma_start3A_185 : memref<1x128x128xf32, #tpu.memory_space<vmem>> -> memref<128x128xf32, #tpu.memory_space<vmem>>
      %dma_start3A_187 = arith.constant 0 : i32
      %dma_start3A_188 = tpu.memref_slice %arg6[%dma_start3A_181, %dma_start3A_182, %dma_start3A_187] : memref<4x2x128xi32, #tpu.memory_space<vmem>> -> memref<1x1x128xi32, #tpu.memory_space<vmem>>
      %dma_start3A_189 = tpu.memref_squeeze %dma_start3A_188 : memref<1x1x128xi32, #tpu.memory_space<vmem>> -> memref<128xi32, #tpu.memory_space<vmem>>
      %dma_start3A_190 = arith.constant 0 : i32
      %dma_start3A_191 = arith.constant 0 : i32
      %dma_start3A_192 = tpu.memref_slice %arg8[%dma_start3A_190, %dma_start3A_191] : memref<10112x128xf32, #tpu.memory_space<vmem_shared>> -> memref<10112x128xf32, #tpu.memory_space<vmem_shared>>
      tpu.enqueue_indirect_dma source(%dma_start3A_186 : memref<128x128xf32, #tpu.memory_space<vmem>>) target(%dma_start3A_192 : memref<10112x128xf32, #tpu.memory_space<vmem_shared>>) offsets(%dma_start3A_189 : memref<128xi32, #tpu.memory_space<vmem>>) semaphore(%arg15 : memref<!tpu.dma_semaphore, #tpu.memory_space<semaphore_mem>>) {add = true}
      %ge3A = arith.constant 1 : i32
      %ge3A_193 = arith.cmpi sge, %add3A_166, %ge3A : i32
      %convert_element_type3A = arith.extui %ge3A_193 : i1 to i32
      %cond3A = arith.constant 0 : i32
      %cond3A_194 = arith.cmpi ne, %convert_element_type3A, %cond3A : i32
      scf.if %cond3A_194 {
        %dma_wait3A_300 = arith.constant 1 : i32
        %dma_wait3A_301 = arith.constant 3 : i32
        %dma_wait3A_302 = arith.constant 1 : i32
        %dma_wait3A_303 = arith.constant 0 : i32
        %dma_wait3A_304 = arith.constant 0 : i32
        %dma_wait3A_305 = tpu.memref_slice %arg7[%dma_wait3A_300, %dma_wait3A_303, %dma_wait3A_304] : memref<2x128x128xf32, #tpu.memory_space<vmem>> -> memref<1x128x128xf32, #tpu.memory_space<vmem>>
        %dma_wait3A_306 = tpu.memref_squeeze %dma_wait3A_305 : memref<1x128x128xf32, #tpu.memory_space<vmem>> -> memref<128x128xf32, #tpu.memory_space<vmem>>
        %dma_wait3A_307 = arith.constant 0 : i32
        %dma_wait3A_308 = tpu.memref_slice %arg6[%dma_wait3A_301, %dma_wait3A_302, %dma_wait3A_307] : memref<4x2x128xi32, #tpu.memory_space<vmem>> -> memref<1x1x128xi32, #tpu.memory_space<vmem>>
        %dma_wait3A_309 = tpu.memref_squeeze %dma_wait3A_308 : memref<1x1x128xi32, #tpu.memory_space<vmem>> -> memref<128xi32, #tpu.memory_space<vmem>>
        %dma_wait3A_310 = arith.constant 0 : i32
        %dma_wait3A_311 = arith.constant 0 : i32
        %dma_wait3A_312 = tpu.memref_slice %arg8[%dma_wait3A_310, %dma_wait3A_311] : memref<10112x128xf32, #tpu.memory_space<vmem_shared>> -> memref<10112x128xf32, #tpu.memory_space<vmem_shared>>
        tpu.wait_indirect_dma semaphore(%arg16 : memref<!tpu.dma_semaphore, #tpu.memory_space<semaphore_mem>>) src(%dma_wait3A_306 : memref<128x128xf32, #tpu.memory_space<vmem>>) dst(%dma_wait3A_312 : memref<10112x128xf32, #tpu.memory_space<vmem_shared>>)
        %add3A_313 = arith.constant 1 : i32
        %add3A_314 = arith.addi %add3A_166, %add3A_313 : i32
        %lt3A = arith.constant 80 : i32
        %lt3A_315 = arith.cmpi slt, %add3A_314, %lt3A : i32
        %convert_element_type3A_316 = arith.extui %lt3A_315 : i1 to i32
        %cond3A_317 = arith.constant 0 : i32
        %cond3A_318 = arith.cmpi ne, %convert_element_type3A_316, %cond3A_317 : i32
        scf.if %cond3A_318 {
          %add3A_326 = arith.constant 1 : i32
          %add3A_327 = arith.addi %add3A_166, %add3A_326 : i32
          %dma_wait3A_328 = arith.constant 1 : i32
          %dma_wait3A_329 = arith.constant 0 : i32
          %dma_wait3A_330 = arith.constant 0 : i32
          %dma_wait3A_331 = tpu.memref_slice %arg6[%dma_wait3A_328, %dma_wait3A_329, %dma_wait3A_330] : memref<4x2x128xi32, #tpu.memory_space<vmem>> -> memref<1x2x128xi32, #tpu.memory_space<vmem>>
          %dma_wait3A_332 = tpu.memref_squeeze %dma_wait3A_331 : memref<1x2x128xi32, #tpu.memory_space<vmem>> -> memref<2x128xi32, #tpu.memory_space<vmem>>
          %dma_wait3A_333 = arith.constant 0 : i32
          %dma_wait3A_334 = arith.constant 0 : i32
          %dma_wait3A_335 = tpu.memref_slice %arg3[%add3A, %add3A_327, %dma_wait3A_333, %dma_wait3A_334] : memref<32x80x2x128xi32, #tpu.memory_space<hbm>> -> memref<1x1x2x128xi32, #tpu.memory_space<hbm>>
          %dma_wait3A_336 = tpu.memref_squeeze %dma_wait3A_335 : memref<1x1x2x128xi32, #tpu.memory_space<hbm>> -> memref<2x128xi32, #tpu.memory_space<hbm>>
          %dma_wait3A_337 = arith.constant 0 : i32
          %dma_wait3A_338 = arith.constant 0 : i32
          %dma_wait3A_339 = tpu.memref_slice %arg6[%dma_wait3A_328, %dma_wait3A_337, %dma_wait3A_338] : memref<4x2x128xi32, #tpu.memory_space<vmem>> -> memref<1x2x128xi32, #tpu.memory_space<vmem>>
          %dma_wait3A_340 = tpu.memref_squeeze %dma_wait3A_339 : memref<1x2x128xi32, #tpu.memory_space<vmem>> -> memref<2x128xi32, #tpu.memory_space<vmem>>
          %dma_wait3A_341 = arith.constant 0 : i32
          %dma_wait3A_342 = arith.constant 0 : i32
          %dma_wait3A_343 = tpu.memref_slice %arg3[%add3A, %add3A_327, %dma_wait3A_341, %dma_wait3A_342] : memref<32x80x2x128xi32, #tpu.memory_space<hbm>> -> memref<1x1x2x128xi32, #tpu.memory_space<hbm>>
          %dma_wait3A_344 = tpu.memref_squeeze %dma_wait3A_343 : memref<1x1x2x128xi32, #tpu.memory_space<hbm>> -> memref<2x128xi32, #tpu.memory_space<hbm>>
          tpu.wait_dma2 semaphore(%arg10 : memref<!tpu.dma_semaphore, #tpu.memory_space<semaphore_mem>>) src(%dma_wait3A_344 : memref<2x128xi32, #tpu.memory_space<hbm>>) dst(%dma_wait3A_340 : memref<2x128xi32, #tpu.memory_space<vmem>>)
          %dma_start3A_345 = arith.constant 1 : i32
          %dma_start3A_346 = arith.constant 0 : i32
          %dma_start3A_347 = arith.constant 1 : i32
          %dma_start3A_348 = arith.constant 0 : i32
          %dma_start3A_349 = arith.constant 0 : i32
          %dma_start3A_350 = tpu.memref_slice %arg7[%dma_start3A_347, %dma_start3A_348, %dma_start3A_349] : memref<2x128x128xf32, #tpu.memory_space<vmem>> -> memref<1x128x128xf32, #tpu.memory_space<vmem>>
          %dma_start3A_351 = tpu.memref_squeeze %dma_start3A_350 : memref<1x128x128xf32, #tpu.memory_space<vmem>> -> memref<128x128xf32, #tpu.memory_space<vmem>>
          %dma_start3A_352 = arith.constant 0 : i32
          %dma_start3A_353 = tpu.memref_slice %arg6[%dma_start3A_345, %dma_start3A_346, %dma_start3A_352] : memref<4x2x128xi32, #tpu.memory_space<vmem>> -> memref<1x1x128xi32, #tpu.memory_space<vmem>>
          %dma_start3A_354 = tpu.memref_squeeze %dma_start3A_353 : memref<1x1x128xi32, #tpu.memory_space<vmem>> -> memref<128xi32, #tpu.memory_space<vmem>>
          %dma_start3A_355 = arith.constant 0 : i32
          %dma_start3A_356 = arith.constant 0 : i32
          %dma_start3A_357 = tpu.memref_slice %arg2[%dma_start3A_355, %dma_start3A_356] : memref<10000x128xf32, #tpu.memory_space<hbm>> -> memref<10000x128xf32, #tpu.memory_space<hbm>>
          tpu.enqueue_indirect_dma source(%dma_start3A_357 : memref<10000x128xf32, #tpu.memory_space<hbm>>) target(%dma_start3A_351 : memref<128x128xf32, #tpu.memory_space<vmem>>) offsets(%dma_start3A_354 : memref<128xi32, #tpu.memory_space<vmem>>) semaphore(%arg14 : memref<!tpu.dma_semaphore, #tpu.memory_space<semaphore_mem>>)
        } else {
        }
        %add3A_319 = arith.constant 3 : i32
        %add3A_320 = arith.addi %add3A_166, %add3A_319 : i32
        %lt3A_321 = arith.constant 80 : i32
        %lt3A_322 = arith.cmpi slt, %add3A_320, %lt3A_321 : i32
        %convert_element_type3A_323 = arith.extui %lt3A_322 : i1 to i32
        %cond3A_324 = arith.constant 0 : i32
        %cond3A_325 = arith.cmpi ne, %convert_element_type3A_323, %cond3A_324 : i32
        scf.if %cond3A_325 {
          %add3A_326 = arith.constant 3 : i32
          %add3A_327 = arith.addi %add3A_166, %add3A_326 : i32
          %dma_start3A_328 = arith.constant 3 : i32
          %dma_start3A_329 = arith.constant 0 : i32
          %dma_start3A_330 = arith.constant 0 : i32
          %dma_start3A_331 = tpu.memref_slice %arg6[%dma_start3A_328, %dma_start3A_329, %dma_start3A_330] : memref<4x2x128xi32, #tpu.memory_space<vmem>> -> memref<1x2x128xi32, #tpu.memory_space<vmem>>
          %dma_start3A_332 = tpu.memref_squeeze %dma_start3A_331 : memref<1x2x128xi32, #tpu.memory_space<vmem>> -> memref<2x128xi32, #tpu.memory_space<vmem>>
          %dma_start3A_333 = arith.constant 0 : i32
          %dma_start3A_334 = arith.constant 0 : i32
          %dma_start3A_335 = tpu.memref_slice %arg3[%add3A, %add3A_327, %dma_start3A_333, %dma_start3A_334] : memref<32x80x2x128xi32, #tpu.memory_space<hbm>> -> memref<1x1x2x128xi32, #tpu.memory_space<hbm>>
          %dma_start3A_336 = tpu.memref_squeeze %dma_start3A_335 : memref<1x1x2x128xi32, #tpu.memory_space<hbm>> -> memref<2x128xi32, #tpu.memory_space<hbm>>
          %dma_start3A_337 = arith.constant 0 : i32
          %dma_start3A_338 = arith.constant 0 : i32
          %dma_start3A_339 = tpu.memref_slice %arg6[%dma_start3A_328, %dma_start3A_337, %dma_start3A_338] : memref<4x2x128xi32, #tpu.memory_space<vmem>> -> memref<1x2x128xi32, #tpu.memory_space<vmem>>
          %dma_start3A_340 = tpu.memref_squeeze %dma_start3A_339 : memref<1x2x128xi32, #tpu.memory_space<vmem>> -> memref<2x128xi32, #tpu.memory_space<vmem>>
          %dma_start3A_341 = arith.constant 0 : i32
          %dma_start3A_342 = arith.constant 0 : i32
          %dma_start3A_343 = tpu.memref_slice %arg3[%add3A, %add3A_327, %dma_start3A_341, %dma_start3A_342] : memref<32x80x2x128xi32, #tpu.memory_space<hbm>> -> memref<1x1x2x128xi32, #tpu.memory_space<hbm>>
          %dma_start3A_344 = tpu.memref_squeeze %dma_start3A_343 : memref<1x1x2x128xi32, #tpu.memory_space<hbm>> -> memref<2x128xi32, #tpu.memory_space<hbm>>
          tpu.enqueue_dma source(%dma_start3A_344 : memref<2x128xi32, #tpu.memory_space<hbm>>) target(%dma_start3A_340 : memref<2x128xi32, #tpu.memory_space<vmem>>) target_semaphore(%arg12 : memref<!tpu.dma_semaphore, #tpu.memory_space<semaphore_mem>>)
        } else {
        }
      } else {
      }
      %mul3A_195 = arith.constant 4 : i32
      %mul3A_196 = arith.muli %scan3A_162, %mul3A_195 : i32
      %add3A_197 = arith.constant 1 : i32
      %add3A_198 = arith.addi %mul3A_196, %add3A_197 : i32
      %dma_wait3A_199 = arith.constant 1 : i32
      %dma_wait3A_200 = arith.constant 0 : i32
      %dma_wait3A_201 = arith.constant 1 : i32
      %dma_wait3A_202 = arith.constant 0 : i32
      %dma_wait3A_203 = arith.constant 0 : i32
      %dma_wait3A_204 = tpu.memref_slice %arg7[%dma_wait3A_201, %dma_wait3A_202, %dma_wait3A_203] : memref<2x128x128xf32, #tpu.memory_space<vmem>> -> memref<1x128x128xf32, #tpu.memory_space<vmem>>
      %dma_wait3A_205 = tpu.memref_squeeze %dma_wait3A_204 : memref<1x128x128xf32, #tpu.memory_space<vmem>> -> memref<128x128xf32, #tpu.memory_space<vmem>>
      %dma_wait3A_206 = arith.constant 0 : i32
      %dma_wait3A_207 = tpu.memref_slice %arg6[%dma_wait3A_199, %dma_wait3A_200, %dma_wait3A_206] : memref<4x2x128xi32, #tpu.memory_space<vmem>> -> memref<1x1x128xi32, #tpu.memory_space<vmem>>
      %dma_wait3A_208 = tpu.memref_squeeze %dma_wait3A_207 : memref<1x1x128xi32, #tpu.memory_space<vmem>> -> memref<128xi32, #tpu.memory_space<vmem>>
      %dma_wait3A_209 = arith.constant 0 : i32
      %dma_wait3A_210 = arith.constant 0 : i32
      %dma_wait3A_211 = tpu.memref_slice %arg2[%dma_wait3A_209, %dma_wait3A_210] : memref<10000x128xf32, #tpu.memory_space<hbm>> -> memref<10000x128xf32, #tpu.memory_space<hbm>>
      tpu.wait_indirect_dma semaphore(%arg14 : memref<!tpu.dma_semaphore, #tpu.memory_space<semaphore_mem>>) src(%dma_wait3A_211 : memref<10000x128xf32, #tpu.memory_space<hbm>>) dst(%dma_wait3A_205 : memref<128x128xf32, #tpu.memory_space<vmem>>)
      %dma_start3A_212 = arith.constant 1 : i32
      %dma_start3A_213 = arith.constant 1 : i32
      %dma_start3A_214 = arith.constant 1 : i32
      %dma_start3A_215 = arith.constant 0 : i32
      %dma_start3A_216 = arith.constant 0 : i32
      %dma_start3A_217 = tpu.memref_slice %arg7[%dma_start3A_212, %dma_start3A_215, %dma_start3A_216] : memref<2x128x128xf32, #tpu.memory_space<vmem>> -> memref<1x128x128xf32, #tpu.memory_space<vmem>>
      %dma_start3A_218 = tpu.memref_squeeze %dma_start3A_217 : memref<1x128x128xf32, #tpu.memory_space<vmem>> -> memref<128x128xf32, #tpu.memory_space<vmem>>
      %dma_start3A_219 = arith.constant 0 : i32
      %dma_start3A_220 = tpu.memref_slice %arg6[%dma_start3A_213, %dma_start3A_214, %dma_start3A_219] : memref<4x2x128xi32, #tpu.memory_space<vmem>> -> memref<1x1x128xi32, #tpu.memory_space<vmem>>
      %dma_start3A_221 = tpu.memref_squeeze %dma_start3A_220 : memref<1x1x128xi32, #tpu.memory_space<vmem>> -> memref<128xi32, #tpu.memory_space<vmem>>
      %dma_start3A_222 = arith.constant 0 : i32
      %dma_start3A_223 = arith.constant 0 : i32
      %dma_start3A_224 = tpu.memref_slice %arg8[%dma_start3A_222, %dma_start3A_223] : memref<10112x128xf32, #tpu.memory_space<vmem_shared>> -> memref<10112x128xf32, #tpu.memory_space<vmem_shared>>
      tpu.enqueue_indirect_dma source(%dma_start3A_218 : memref<128x128xf32, #tpu.memory_space<vmem>>) target(%dma_start3A_224 : memref<10112x128xf32, #tpu.memory_space<vmem_shared>>) offsets(%dma_start3A_221 : memref<128xi32, #tpu.memory_space<vmem>>) semaphore(%arg16 : memref<!tpu.dma_semaphore, #tpu.memory_space<semaphore_mem>>) {add = true}
      %ge3A_225 = arith.constant 1 : i32
      %ge3A_226 = arith.cmpi sge, %add3A_198, %ge3A_225 : i32
      %convert_element_type3A_227 = arith.extui %ge3A_226 : i1 to i32
      %cond3A_228 = arith.constant 0 : i32
      %cond3A_229 = arith.cmpi ne, %convert_element_type3A_227, %cond3A_228 : i32
      scf.if %cond3A_229 {
        %dma_wait3A_300 = arith.constant 0 : i32
        %dma_wait3A_301 = arith.constant 0 : i32
        %dma_wait3A_302 = arith.constant 1 : i32
        %dma_wait3A_303 = arith.constant 0 : i32
        %dma_wait3A_304 = arith.constant 0 : i32
        %dma_wait3A_305 = tpu.memref_slice %arg7[%dma_wait3A_300, %dma_wait3A_303, %dma_wait3A_304] : memref<2x128x128xf32, #tpu.memory_space<vmem>> -> memref<1x128x128xf32, #tpu.memory_space<vmem>>
        %dma_wait3A_306 = tpu.memref_squeeze %dma_wait3A_305 : memref<1x128x128xf32, #tpu.memory_space<vmem>> -> memref<128x128xf32, #tpu.memory_space<vmem>>
        %dma_wait3A_307 = arith.constant 0 : i32
        %dma_wait3A_308 = tpu.memref_slice %arg6[%dma_wait3A_301, %dma_wait3A_302, %dma_wait3A_307] : memref<4x2x128xi32, #tpu.memory_space<vmem>> -> memref<1x1x128xi32, #tpu.memory_space<vmem>>
        %dma_wait3A_309 = tpu.memref_squeeze %dma_wait3A_308 : memref<1x1x128xi32, #tpu.memory_space<vmem>> -> memref<128xi32, #tpu.memory_space<vmem>>
        %dma_wait3A_310 = arith.constant 0 : i32
        %dma_wait3A_311 = arith.constant 0 : i32
        %dma_wait3A_312 = tpu.memref_slice %arg8[%dma_wait3A_310, %dma_wait3A_311] : memref<10112x128xf32, #tpu.memory_space<vmem_shared>> -> memref<10112x128xf32, #tpu.memory_space<vmem_shared>>
        tpu.wait_indirect_dma semaphore(%arg15 : memref<!tpu.dma_semaphore, #tpu.memory_space<semaphore_mem>>) src(%dma_wait3A_306 : memref<128x128xf32, #tpu.memory_space<vmem>>) dst(%dma_wait3A_312 : memref<10112x128xf32, #tpu.memory_space<vmem_shared>>)
        %add3A_313 = arith.constant 1 : i32
        %add3A_314 = arith.addi %add3A_198, %add3A_313 : i32
        %lt3A = arith.constant 80 : i32
        %lt3A_315 = arith.cmpi slt, %add3A_314, %lt3A : i32
        %convert_element_type3A_316 = arith.extui %lt3A_315 : i1 to i32
        %cond3A_317 = arith.constant 0 : i32
        %cond3A_318 = arith.cmpi ne, %convert_element_type3A_316, %cond3A_317 : i32
        scf.if %cond3A_318 {
          %add3A_326 = arith.constant 1 : i32
          %add3A_327 = arith.addi %add3A_198, %add3A_326 : i32
          %dma_wait3A_328 = arith.constant 2 : i32
          %dma_wait3A_329 = arith.constant 0 : i32
          %dma_wait3A_330 = arith.constant 0 : i32
          %dma_wait3A_331 = tpu.memref_slice %arg6[%dma_wait3A_328, %dma_wait3A_329, %dma_wait3A_330] : memref<4x2x128xi32, #tpu.memory_space<vmem>> -> memref<1x2x128xi32, #tpu.memory_space<vmem>>
          %dma_wait3A_332 = tpu.memref_squeeze %dma_wait3A_331 : memref<1x2x128xi32, #tpu.memory_space<vmem>> -> memref<2x128xi32, #tpu.memory_space<vmem>>
          %dma_wait3A_333 = arith.constant 0 : i32
          %dma_wait3A_334 = arith.constant 0 : i32
          %dma_wait3A_335 = tpu.memref_slice %arg3[%add3A, %add3A_327, %dma_wait3A_333, %dma_wait3A_334] : memref<32x80x2x128xi32, #tpu.memory_space<hbm>> -> memref<1x1x2x128xi32, #tpu.memory_space<hbm>>
          %dma_wait3A_336 = tpu.memref_squeeze %dma_wait3A_335 : memref<1x1x2x128xi32, #tpu.memory_space<hbm>> -> memref<2x128xi32, #tpu.memory_space<hbm>>
          %dma_wait3A_337 = arith.constant 0 : i32
          %dma_wait3A_338 = arith.constant 0 : i32
          %dma_wait3A_339 = tpu.memref_slice %arg6[%dma_wait3A_328, %dma_wait3A_337, %dma_wait3A_338] : memref<4x2x128xi32, #tpu.memory_space<vmem>> -> memref<1x2x128xi32, #tpu.memory_space<vmem>>
          %dma_wait3A_340 = tpu.memref_squeeze %dma_wait3A_339 : memref<1x2x128xi32, #tpu.memory_space<vmem>> -> memref<2x128xi32, #tpu.memory_space<vmem>>
          %dma_wait3A_341 = arith.constant 0 : i32
          %dma_wait3A_342 = arith.constant 0 : i32
          %dma_wait3A_343 = tpu.memref_slice %arg3[%add3A, %add3A_327, %dma_wait3A_341, %dma_wait3A_342] : memref<32x80x2x128xi32, #tpu.memory_space<hbm>> -> memref<1x1x2x128xi32, #tpu.memory_space<hbm>>
          %dma_wait3A_344 = tpu.memref_squeeze %dma_wait3A_343 : memref<1x1x2x128xi32, #tpu.memory_space<hbm>> -> memref<2x128xi32, #tpu.memory_space<hbm>>
          tpu.wait_dma2 semaphore(%arg11 : memref<!tpu.dma_semaphore, #tpu.memory_space<semaphore_mem>>) src(%dma_wait3A_344 : memref<2x128xi32, #tpu.memory_space<hbm>>) dst(%dma_wait3A_340 : memref<2x128xi32, #tpu.memory_space<vmem>>)
          %dma_start3A_345 = arith.constant 2 : i32
          %dma_start3A_346 = arith.constant 0 : i32
          %dma_start3A_347 = arith.constant 0 : i32
          %dma_start3A_348 = arith.constant 0 : i32
          %dma_start3A_349 = arith.constant 0 : i32
          %dma_start3A_350 = tpu.memref_slice %arg7[%dma_start3A_347, %dma_start3A_348, %dma_start3A_349] : memref<2x128x128xf32, #tpu.memory_space<vmem>> -> memref<1x128x128xf32, #tpu.memory_space<vmem>>
          %dma_start3A_351 = tpu.memref_squeeze %dma_start3A_350 : memref<1x128x128xf32, #tpu.memory_space<vmem>> -> memref<128x128xf32, #tpu.memory_space<vmem>>
          %dma_start3A_352 = arith.constant 0 : i32
          %dma_start3A_353 = tpu.memref_slice %arg6[%dma_start3A_345, %dma_start3A_346, %dma_start3A_352] : memref<4x2x128xi32, #tpu.memory_space<vmem>> -> memref<1x1x128xi32, #tpu.memory_space<vmem>>
          %dma_start3A_354 = tpu.memref_squeeze %dma_start3A_353 : memref<1x1x128xi32, #tpu.memory_space<vmem>> -> memref<128xi32, #tpu.memory_space<vmem>>
          %dma_start3A_355 = arith.constant 0 : i32
          %dma_start3A_356 = arith.constant 0 : i32
          %dma_start3A_357 = tpu.memref_slice %arg2[%dma_start3A_355, %dma_start3A_356] : memref<10000x128xf32, #tpu.memory_space<hbm>> -> memref<10000x128xf32, #tpu.memory_space<hbm>>
          tpu.enqueue_indirect_dma source(%dma_start3A_357 : memref<10000x128xf32, #tpu.memory_space<hbm>>) target(%dma_start3A_351 : memref<128x128xf32, #tpu.memory_space<vmem>>) offsets(%dma_start3A_354 : memref<128xi32, #tpu.memory_space<vmem>>) semaphore(%arg13 : memref<!tpu.dma_semaphore, #tpu.memory_space<semaphore_mem>>)
        } else {
        }
        %add3A_319 = arith.constant 3 : i32
        %add3A_320 = arith.addi %add3A_198, %add3A_319 : i32
        %lt3A_321 = arith.constant 80 : i32
        %lt3A_322 = arith.cmpi slt, %add3A_320, %lt3A_321 : i32
        %convert_element_type3A_323 = arith.extui %lt3A_322 : i1 to i32
        %cond3A_324 = arith.constant 0 : i32
        %cond3A_325 = arith.cmpi ne, %convert_element_type3A_323, %cond3A_324 : i32
        scf.if %cond3A_325 {
          %add3A_326 = arith.constant 3 : i32
          %add3A_327 = arith.addi %add3A_198, %add3A_326 : i32
          %dma_start3A_328 = arith.constant 0 : i32
          %dma_start3A_329 = arith.constant 0 : i32
          %dma_start3A_330 = arith.constant 0 : i32
          %dma_start3A_331 = tpu.memref_slice %arg6[%dma_start3A_328, %dma_start3A_329, %dma_start3A_330] : memref<4x2x128xi32, #tpu.memory_space<vmem>> -> memref<1x2x128xi32, #tpu.memory_space<vmem>>
          %dma_start3A_332 = tpu.memref_squeeze %dma_start3A_331 : memref<1x2x128xi32, #tpu.memory_space<vmem>> -> memref<2x128xi32, #tpu.memory_space<vmem>>
          %dma_start3A_333 = arith.constant 0 : i32
          %dma_start3A_334 = arith.constant 0 : i32
          %dma_start3A_335 = tpu.memref_slice %arg3[%add3A, %add3A_327, %dma_start3A_333, %dma_start3A_334] : memref<32x80x2x128xi32, #tpu.memory_space<hbm>> -> memref<1x1x2x128xi32, #tpu.memory_space<hbm>>
          %dma_start3A_336 = tpu.memref_squeeze %dma_start3A_335 : memref<1x1x2x128xi32, #tpu.memory_space<hbm>> -> memref<2x128xi32, #tpu.memory_space<hbm>>
          %dma_start3A_337 = arith.constant 0 : i32
          %dma_start3A_338 = arith.constant 0 : i32
          %dma_start3A_339 = tpu.memref_slice %arg6[%dma_start3A_328, %dma_start3A_337, %dma_start3A_338] : memref<4x2x128xi32, #tpu.memory_space<vmem>> -> memref<1x2x128xi32, #tpu.memory_space<vmem>>
          %dma_start3A_340 = tpu.memref_squeeze %dma_start3A_339 : memref<1x2x128xi32, #tpu.memory_space<vmem>> -> memref<2x128xi32, #tpu.memory_space<vmem>>
          %dma_start3A_341 = arith.constant 0 : i32
          %dma_start3A_342 = arith.constant 0 : i32
          %dma_start3A_343 = tpu.memref_slice %arg3[%add3A, %add3A_327, %dma_start3A_341, %dma_start3A_342] : memref<32x80x2x128xi32, #tpu.memory_space<hbm>> -> memref<1x1x2x128xi32, #tpu.memory_space<hbm>>
          %dma_start3A_344 = tpu.memref_squeeze %dma_start3A_343 : memref<1x1x2x128xi32, #tpu.memory_space<hbm>> -> memref<2x128xi32, #tpu.memory_space<hbm>>
          tpu.enqueue_dma source(%dma_start3A_344 : memref<2x128xi32, #tpu.memory_space<hbm>>) target(%dma_start3A_340 : memref<2x128xi32, #tpu.memory_space<vmem>>) target_semaphore(%arg9 : memref<!tpu.dma_semaphore, #tpu.memory_space<semaphore_mem>>)
        } else {
        }
      } else {
      }
      %mul3A_230 = arith.constant 4 : i32
      %mul3A_231 = arith.muli %scan3A_162, %mul3A_230 : i32
      %add3A_232 = arith.constant 2 : i32
      %add3A_233 = arith.addi %mul3A_231, %add3A_232 : i32
      %dma_wait3A_234 = arith.constant 2 : i32
      %dma_wait3A_235 = arith.constant 0 : i32
      %dma_wait3A_236 = arith.constant 0 : i32
      %dma_wait3A_237 = arith.constant 0 : i32
      %dma_wait3A_238 = arith.constant 0 : i32
      %dma_wait3A_239 = tpu.memref_slice %arg7[%dma_wait3A_236, %dma_wait3A_237, %dma_wait3A_238] : memref<2x128x128xf32, #tpu.memory_space<vmem>> -> memref<1x128x128xf32, #tpu.memory_space<vmem>>
      %dma_wait3A_240 = tpu.memref_squeeze %dma_wait3A_239 : memref<1x128x128xf32, #tpu.memory_space<vmem>> -> memref<128x128xf32, #tpu.memory_space<vmem>>
      %dma_wait3A_241 = arith.constant 0 : i32
      %dma_wait3A_242 = tpu.memref_slice %arg6[%dma_wait3A_234, %dma_wait3A_235, %dma_wait3A_241] : memref<4x2x128xi32, #tpu.memory_space<vmem>> -> memref<1x1x128xi32, #tpu.memory_space<vmem>>
      %dma_wait3A_243 = tpu.memref_squeeze %dma_wait3A_242 : memref<1x1x128xi32, #tpu.memory_space<vmem>> -> memref<128xi32, #tpu.memory_space<vmem>>
      %dma_wait3A_244 = arith.constant 0 : i32
      %dma_wait3A_245 = arith.constant 0 : i32
      %dma_wait3A_246 = tpu.memref_slice %arg2[%dma_wait3A_244, %dma_wait3A_245] : memref<10000x128xf32, #tpu.memory_space<hbm>> -> memref<10000x128xf32, #tpu.memory_space<hbm>>
      tpu.wait_indirect_dma semaphore(%arg13 : memref<!tpu.dma_semaphore, #tpu.memory_space<semaphore_mem>>) src(%dma_wait3A_246 : memref<10000x128xf32, #tpu.memory_space<hbm>>) dst(%dma_wait3A_240 : memref<128x128xf32, #tpu.memory_space<vmem>>)
      %dma_start3A_247 = arith.constant 0 : i32
      %dma_start3A_248 = arith.constant 2 : i32
      %dma_start3A_249 = arith.constant 1 : i32
      %dma_start3A_250 = arith.constant 0 : i32
      %dma_start3A_251 = arith.constant 0 : i32
      %dma_start3A_252 = tpu.memref_slice %arg7[%dma_start3A_247, %dma_start3A_250, %dma_start3A_251] : memref<2x128x128xf32, #tpu.memory_space<vmem>> -> memref<1x128x128xf32, #tpu.memory_space<vmem>>
      %dma_start3A_253 = tpu.memref_squeeze %dma_start3A_252 : memref<1x128x128xf32, #tpu.memory_space<vmem>> -> memref<128x128xf32, #tpu.memory_space<vmem>>
      %dma_start3A_254 = arith.constant 0 : i32
      %dma_start3A_255 = tpu.memref_slice %arg6[%dma_start3A_248, %dma_start3A_249, %dma_start3A_254] : memref<4x2x128xi32, #tpu.memory_space<vmem>> -> memref<1x1x128xi32, #tpu.memory_space<vmem>>
      %dma_start3A_256 = tpu.memref_squeeze %dma_start3A_255 : memref<1x1x128xi32, #tpu.memory_space<vmem>> -> memref<128xi32, #tpu.memory_space<vmem>>
      %dma_start3A_257 = arith.constant 0 : i32
      %dma_start3A_258 = arith.constant 0 : i32
      %dma_start3A_259 = tpu.memref_slice %arg8[%dma_start3A_257, %dma_start3A_258] : memref<10112x128xf32, #tpu.memory_space<vmem_shared>> -> memref<10112x128xf32, #tpu.memory_space<vmem_shared>>
      tpu.enqueue_indirect_dma source(%dma_start3A_253 : memref<128x128xf32, #tpu.memory_space<vmem>>) target(%dma_start3A_259 : memref<10112x128xf32, #tpu.memory_space<vmem_shared>>) offsets(%dma_start3A_256 : memref<128xi32, #tpu.memory_space<vmem>>) semaphore(%arg15 : memref<!tpu.dma_semaphore, #tpu.memory_space<semaphore_mem>>) {add = true}
      %ge3A_260 = arith.constant 1 : i32
      %ge3A_261 = arith.cmpi sge, %add3A_233, %ge3A_260 : i32
      %convert_element_type3A_262 = arith.extui %ge3A_261 : i1 to i32
      %cond3A_263 = arith.constant 0 : i32
      %cond3A_264 = arith.cmpi ne, %convert_element_type3A_262, %cond3A_263 : i32
      scf.if %cond3A_264 {
        %dma_wait3A_300 = arith.constant 1 : i32
        %dma_wait3A_301 = arith.constant 1 : i32
        %dma_wait3A_302 = arith.constant 1 : i32
        %dma_wait3A_303 = arith.constant 0 : i32
        %dma_wait3A_304 = arith.constant 0 : i32
        %dma_wait3A_305 = tpu.memref_slice %arg7[%dma_wait3A_300, %dma_wait3A_303, %dma_wait3A_304] : memref<2x128x128xf32, #tpu.memory_space<vmem>> -> memref<1x128x128xf32, #tpu.memory_space<vmem>>
        %dma_wait3A_306 = tpu.memref_squeeze %dma_wait3A_305 : memref<1x128x128xf32, #tpu.memory_space<vmem>> -> memref<128x128xf32, #tpu.memory_space<vmem>>
        %dma_wait3A_307 = arith.constant 0 : i32
        %dma_wait3A_308 = tpu.memref_slice %arg6[%dma_wait3A_301, %dma_wait3A_302, %dma_wait3A_307] : memref<4x2x128xi32, #tpu.memory_space<vmem>> -> memref<1x1x128xi32, #tpu.memory_space<vmem>>
        %dma_wait3A_309 = tpu.memref_squeeze %dma_wait3A_308 : memref<1x1x128xi32, #tpu.memory_space<vmem>> -> memref<128xi32, #tpu.memory_space<vmem>>
        %dma_wait3A_310 = arith.constant 0 : i32
        %dma_wait3A_311 = arith.constant 0 : i32
        %dma_wait3A_312 = tpu.memref_slice %arg8[%dma_wait3A_310, %dma_wait3A_311] : memref<10112x128xf32, #tpu.memory_space<vmem_shared>> -> memref<10112x128xf32, #tpu.memory_space<vmem_shared>>
        tpu.wait_indirect_dma semaphore(%arg16 : memref<!tpu.dma_semaphore, #tpu.memory_space<semaphore_mem>>) src(%dma_wait3A_306 : memref<128x128xf32, #tpu.memory_space<vmem>>) dst(%dma_wait3A_312 : memref<10112x128xf32, #tpu.memory_space<vmem_shared>>)
        %add3A_313 = arith.constant 1 : i32
        %add3A_314 = arith.addi %add3A_233, %add3A_313 : i32
        %lt3A = arith.constant 80 : i32
        %lt3A_315 = arith.cmpi slt, %add3A_314, %lt3A : i32
        %convert_element_type3A_316 = arith.extui %lt3A_315 : i1 to i32
        %cond3A_317 = arith.constant 0 : i32
        %cond3A_318 = arith.cmpi ne, %convert_element_type3A_316, %cond3A_317 : i32
        scf.if %cond3A_318 {
          %add3A_326 = arith.constant 1 : i32
          %add3A_327 = arith.addi %add3A_233, %add3A_326 : i32
          %dma_wait3A_328 = arith.constant 3 : i32
          %dma_wait3A_329 = arith.constant 0 : i32
          %dma_wait3A_330 = arith.constant 0 : i32
          %dma_wait3A_331 = tpu.memref_slice %arg6[%dma_wait3A_328, %dma_wait3A_329, %dma_wait3A_330] : memref<4x2x128xi32, #tpu.memory_space<vmem>> -> memref<1x2x128xi32, #tpu.memory_space<vmem>>
          %dma_wait3A_332 = tpu.memref_squeeze %dma_wait3A_331 : memref<1x2x128xi32, #tpu.memory_space<vmem>> -> memref<2x128xi32, #tpu.memory_space<vmem>>
          %dma_wait3A_333 = arith.constant 0 : i32
          %dma_wait3A_334 = arith.constant 0 : i32
          %dma_wait3A_335 = tpu.memref_slice %arg3[%add3A, %add3A_327, %dma_wait3A_333, %dma_wait3A_334] : memref<32x80x2x128xi32, #tpu.memory_space<hbm>> -> memref<1x1x2x128xi32, #tpu.memory_space<hbm>>
          %dma_wait3A_336 = tpu.memref_squeeze %dma_wait3A_335 : memref<1x1x2x128xi32, #tpu.memory_space<hbm>> -> memref<2x128xi32, #tpu.memory_space<hbm>>
          %dma_wait3A_337 = arith.constant 0 : i32
          %dma_wait3A_338 = arith.constant 0 : i32
          %dma_wait3A_339 = tpu.memref_slice %arg6[%dma_wait3A_328, %dma_wait3A_337, %dma_wait3A_338] : memref<4x2x128xi32, #tpu.memory_space<vmem>> -> memref<1x2x128xi32, #tpu.memory_space<vmem>>
          %dma_wait3A_340 = tpu.memref_squeeze %dma_wait3A_339 : memref<1x2x128xi32, #tpu.memory_space<vmem>> -> memref<2x128xi32, #tpu.memory_space<vmem>>
          %dma_wait3A_341 = arith.constant 0 : i32
          %dma_wait3A_342 = arith.constant 0 : i32
          %dma_wait3A_343 = tpu.memref_slice %arg3[%add3A, %add3A_327, %dma_wait3A_341, %dma_wait3A_342] : memref<32x80x2x128xi32, #tpu.memory_space<hbm>> -> memref<1x1x2x128xi32, #tpu.memory_space<hbm>>
          %dma_wait3A_344 = tpu.memref_squeeze %dma_wait3A_343 : memref<1x1x2x128xi32, #tpu.memory_space<hbm>> -> memref<2x128xi32, #tpu.memory_space<hbm>>
          tpu.wait_dma2 semaphore(%arg12 : memref<!tpu.dma_semaphore, #tpu.memory_space<semaphore_mem>>) src(%dma_wait3A_344 : memref<2x128xi32, #tpu.memory_space<hbm>>) dst(%dma_wait3A_340 : memref<2x128xi32, #tpu.memory_space<vmem>>)
          %dma_start3A_345 = arith.constant 3 : i32
          %dma_start3A_346 = arith.constant 0 : i32
          %dma_start3A_347 = arith.constant 1 : i32
          %dma_start3A_348 = arith.constant 0 : i32
          %dma_start3A_349 = arith.constant 0 : i32
          %dma_start3A_350 = tpu.memref_slice %arg7[%dma_start3A_347, %dma_start3A_348, %dma_start3A_349] : memref<2x128x128xf32, #tpu.memory_space<vmem>> -> memref<1x128x128xf32, #tpu.memory_space<vmem>>
          %dma_start3A_351 = tpu.memref_squeeze %dma_start3A_350 : memref<1x128x128xf32, #tpu.memory_space<vmem>> -> memref<128x128xf32, #tpu.memory_space<vmem>>
          %dma_start3A_352 = arith.constant 0 : i32
          %dma_start3A_353 = tpu.memref_slice %arg6[%dma_start3A_345, %dma_start3A_346, %dma_start3A_352] : memref<4x2x128xi32, #tpu.memory_space<vmem>> -> memref<1x1x128xi32, #tpu.memory_space<vmem>>
          %dma_start3A_354 = tpu.memref_squeeze %dma_start3A_353 : memref<1x1x128xi32, #tpu.memory_space<vmem>> -> memref<128xi32, #tpu.memory_space<vmem>>
          %dma_start3A_355 = arith.constant 0 : i32
          %dma_start3A_356 = arith.constant 0 : i32
          %dma_start3A_357 = tpu.memref_slice %arg2[%dma_start3A_355, %dma_start3A_356] : memref<10000x128xf32, #tpu.memory_space<hbm>> -> memref<10000x128xf32, #tpu.memory_space<hbm>>
          tpu.enqueue_indirect_dma source(%dma_start3A_357 : memref<10000x128xf32, #tpu.memory_space<hbm>>) target(%dma_start3A_351 : memref<128x128xf32, #tpu.memory_space<vmem>>) offsets(%dma_start3A_354 : memref<128xi32, #tpu.memory_space<vmem>>) semaphore(%arg14 : memref<!tpu.dma_semaphore, #tpu.memory_space<semaphore_mem>>)
        } else {
        }
        %add3A_319 = arith.constant 3 : i32
        %add3A_320 = arith.addi %add3A_233, %add3A_319 : i32
        %lt3A_321 = arith.constant 80 : i32
        %lt3A_322 = arith.cmpi slt, %add3A_320, %lt3A_321 : i32
        %convert_element_type3A_323 = arith.extui %lt3A_322 : i1 to i32
        %cond3A_324 = arith.constant 0 : i32
        %cond3A_325 = arith.cmpi ne, %convert_element_type3A_323, %cond3A_324 : i32
        scf.if %cond3A_325 {
          %add3A_326 = arith.constant 3 : i32
          %add3A_327 = arith.addi %add3A_233, %add3A_326 : i32
          %dma_start3A_328 = arith.constant 1 : i32
          %dma_start3A_329 = arith.constant 0 : i32
          %dma_start3A_330 = arith.constant 0 : i32
          %dma_start3A_331 = tpu.memref_slice %arg6[%dma_start3A_328, %dma_start3A_329, %dma_start3A_330] : memref<4x2x128xi32, #tpu.memory_space<vmem>> -> memref<1x2x128xi32, #tpu.memory_space<vmem>>
          %dma_start3A_332 = tpu.memref_squeeze %dma_start3A_331 : memref<1x2x128xi32, #tpu.memory_space<vmem>> -> memref<2x128xi32, #tpu.memory_space<vmem>>
          %dma_start3A_333 = arith.constant 0 : i32
          %dma_start3A_334 = arith.constant 0 : i32
          %dma_start3A_335 = tpu.memref_slice %arg3[%add3A, %add3A_327, %dma_start3A_333, %dma_start3A_334] : memref<32x80x2x128xi32, #tpu.memory_space<hbm>> -> memref<1x1x2x128xi32, #tpu.memory_space<hbm>>
          %dma_start3A_336 = tpu.memref_squeeze %dma_start3A_335 : memref<1x1x2x128xi32, #tpu.memory_space<hbm>> -> memref<2x128xi32, #tpu.memory_space<hbm>>
          %dma_start3A_337 = arith.constant 0 : i32
          %dma_start3A_338 = arith.constant 0 : i32
          %dma_start3A_339 = tpu.memref_slice %arg6[%dma_start3A_328, %dma_start3A_337, %dma_start3A_338] : memref<4x2x128xi32, #tpu.memory_space<vmem>> -> memref<1x2x128xi32, #tpu.memory_space<vmem>>
          %dma_start3A_340 = tpu.memref_squeeze %dma_start3A_339 : memref<1x2x128xi32, #tpu.memory_space<vmem>> -> memref<2x128xi32, #tpu.memory_space<vmem>>
          %dma_start3A_341 = arith.constant 0 : i32
          %dma_start3A_342 = arith.constant 0 : i32
          %dma_start3A_343 = tpu.memref_slice %arg3[%add3A, %add3A_327, %dma_start3A_341, %dma_start3A_342] : memref<32x80x2x128xi32, #tpu.memory_space<hbm>> -> memref<1x1x2x128xi32, #tpu.memory_space<hbm>>
          %dma_start3A_344 = tpu.memref_squeeze %dma_start3A_343 : memref<1x1x2x128xi32, #tpu.memory_space<hbm>> -> memref<2x128xi32, #tpu.memory_space<hbm>>
          tpu.enqueue_dma source(%dma_start3A_344 : memref<2x128xi32, #tpu.memory_space<hbm>>) target(%dma_start3A_340 : memref<2x128xi32, #tpu.memory_space<vmem>>) target_semaphore(%arg10 : memref<!tpu.dma_semaphore, #tpu.memory_space<semaphore_mem>>)
        } else {
        }
      } else {
      }
      %mul3A_265 = arith.constant 4 : i32
      %mul3A_266 = arith.muli %scan3A_162, %mul3A_265 : i32
      %add3A_267 = arith.constant 3 : i32
      %add3A_268 = arith.addi %mul3A_266, %add3A_267 : i32
      %dma_wait3A_269 = arith.constant 3 : i32
      %dma_wait3A_270 = arith.constant 0 : i32
      %dma_wait3A_271 = arith.constant 1 : i32
      %dma_wait3A_272 = arith.constant 0 : i32
      %dma_wait3A_273 = arith.constant 0 : i32
      %dma_wait3A_274 = tpu.memref_slice %arg7[%dma_wait3A_271, %dma_wait3A_272, %dma_wait3A_273] : memref<2x128x128xf32, #tpu.memory_space<vmem>> -> memref<1x128x128xf32, #tpu.memory_space<vmem>>
      %dma_wait3A_275 = tpu.memref_squeeze %dma_wait3A_274 : memref<1x128x128xf32, #tpu.memory_space<vmem>> -> memref<128x128xf32, #tpu.memory_space<vmem>>
      %dma_wait3A_276 = arith.constant 0 : i32
      %dma_wait3A_277 = tpu.memref_slice %arg6[%dma_wait3A_269, %dma_wait3A_270, %dma_wait3A_276] : memref<4x2x128xi32, #tpu.memory_space<vmem>> -> memref<1x1x128xi32, #tpu.memory_space<vmem>>
      %dma_wait3A_278 = tpu.memref_squeeze %dma_wait3A_277 : memref<1x1x128xi32, #tpu.memory_space<vmem>> -> memref<128xi32, #tpu.memory_space<vmem>>
      %dma_wait3A_279 = arith.constant 0 : i32
      %dma_wait3A_280 = arith.constant 0 : i32
      %dma_wait3A_281 = tpu.memref_slice %arg2[%dma_wait3A_279, %dma_wait3A_280] : memref<10000x128xf32, #tpu.memory_space<hbm>> -> memref<10000x128xf32, #tpu.memory_space<hbm>>
      tpu.wait_indirect_dma semaphore(%arg14 : memref<!tpu.dma_semaphore, #tpu.memory_space<semaphore_mem>>) src(%dma_wait3A_281 : memref<10000x128xf32, #tpu.memory_space<hbm>>) dst(%dma_wait3A_275 : memref<128x128xf32, #tpu.memory_space<vmem>>)
      %dma_start3A_282 = arith.constant 1 : i32
      %dma_start3A_283 = arith.constant 3 : i32
      %dma_start3A_284 = arith.constant 1 : i32
      %dma_start3A_285 = arith.constant 0 : i32
      %dma_start3A_286 = arith.constant 0 : i32
      %dma_start3A_287 = tpu.memref_slice %arg7[%dma_start3A_282, %dma_start3A_285, %dma_start3A_286] : memref<2x128x128xf32, #tpu.memory_space<vmem>> -> memref<1x128x128xf32, #tpu.memory_space<vmem>>
      %dma_start3A_288 = tpu.memref_squeeze %dma_start3A_287 : memref<1x128x128xf32, #tpu.memory_space<vmem>> -> memref<128x128xf32, #tpu.memory_space<vmem>>
      %dma_start3A_289 = arith.constant 0 : i32
      %dma_start3A_290 = tpu.memref_slice %arg6[%dma_start3A_283, %dma_start3A_284, %dma_start3A_289] : memref<4x2x128xi32, #tpu.memory_space<vmem>> -> memref<1x1x128xi32, #tpu.memory_space<vmem>>
      %dma_start3A_291 = tpu.memref_squeeze %dma_start3A_290 : memref<1x1x128xi32, #tpu.memory_space<vmem>> -> memref<128xi32, #tpu.memory_space<vmem>>
      %dma_start3A_292 = arith.constant 0 : i32
      %dma_start3A_293 = arith.constant 0 : i32
      %dma_start3A_294 = tpu.memref_slice %arg8[%dma_start3A_292, %dma_start3A_293] : memref<10112x128xf32, #tpu.memory_space<vmem_shared>> -> memref<10112x128xf32, #tpu.memory_space<vmem_shared>>
      tpu.enqueue_indirect_dma source(%dma_start3A_288 : memref<128x128xf32, #tpu.memory_space<vmem>>) target(%dma_start3A_294 : memref<10112x128xf32, #tpu.memory_space<vmem_shared>>) offsets(%dma_start3A_291 : memref<128xi32, #tpu.memory_space<vmem>>) semaphore(%arg16 : memref<!tpu.dma_semaphore, #tpu.memory_space<semaphore_mem>>) {add = true}
      %ge3A_295 = arith.constant 1 : i32
      %ge3A_296 = arith.cmpi sge, %add3A_268, %ge3A_295 : i32
      %convert_element_type3A_297 = arith.extui %ge3A_296 : i1 to i32
      %cond3A_298 = arith.constant 0 : i32
      %cond3A_299 = arith.cmpi ne, %convert_element_type3A_297, %cond3A_298 : i32
      scf.if %cond3A_299 {
        %dma_wait3A_300 = arith.constant 0 : i32
        %dma_wait3A_301 = arith.constant 2 : i32
        %dma_wait3A_302 = arith.constant 1 : i32
        %dma_wait3A_303 = arith.constant 0 : i32
        %dma_wait3A_304 = arith.constant 0 : i32
        %dma_wait3A_305 = tpu.memref_slice %arg7[%dma_wait3A_300, %dma_wait3A_303, %dma_wait3A_304] : memref<2x128x128xf32, #tpu.memory_space<vmem>> -> memref<1x128x128xf32, #tpu.memory_space<vmem>>
        %dma_wait3A_306 = tpu.memref_squeeze %dma_wait3A_305 : memref<1x128x128xf32, #tpu.memory_space<vmem>> -> memref<128x128xf32, #tpu.memory_space<vmem>>
        %dma_wait3A_307 = arith.constant 0 : i32
        %dma_wait3A_308 = tpu.memref_slice %arg6[%dma_wait3A_301, %dma_wait3A_302, %dma_wait3A_307] : memref<4x2x128xi32, #tpu.memory_space<vmem>> -> memref<1x1x128xi32, #tpu.memory_space<vmem>>
        %dma_wait3A_309 = tpu.memref_squeeze %dma_wait3A_308 : memref<1x1x128xi32, #tpu.memory_space<vmem>> -> memref<128xi32, #tpu.memory_space<vmem>>
        %dma_wait3A_310 = arith.constant 0 : i32
        %dma_wait3A_311 = arith.constant 0 : i32
        %dma_wait3A_312 = tpu.memref_slice %arg8[%dma_wait3A_310, %dma_wait3A_311] : memref<10112x128xf32, #tpu.memory_space<vmem_shared>> -> memref<10112x128xf32, #tpu.memory_space<vmem_shared>>
        tpu.wait_indirect_dma semaphore(%arg15 : memref<!tpu.dma_semaphore, #tpu.memory_space<semaphore_mem>>) src(%dma_wait3A_306 : memref<128x128xf32, #tpu.memory_space<vmem>>) dst(%dma_wait3A_312 : memref<10112x128xf32, #tpu.memory_space<vmem_shared>>)
        %add3A_313 = arith.constant 1 : i32
        %add3A_314 = arith.addi %add3A_268, %add3A_313 : i32
        %lt3A = arith.constant 80 : i32
        %lt3A_315 = arith.cmpi slt, %add3A_314, %lt3A : i32
        %convert_element_type3A_316 = arith.extui %lt3A_315 : i1 to i32
        %cond3A_317 = arith.constant 0 : i32
        %cond3A_318 = arith.cmpi ne, %convert_element_type3A_316, %cond3A_317 : i32
        scf.if %cond3A_318 {
          %add3A_326 = arith.constant 1 : i32
          %add3A_327 = arith.addi %add3A_268, %add3A_326 : i32
          %dma_wait3A_328 = arith.constant 0 : i32
          %dma_wait3A_329 = arith.constant 0 : i32
          %dma_wait3A_330 = arith.constant 0 : i32
          %dma_wait3A_331 = tpu.memref_slice %arg6[%dma_wait3A_328, %dma_wait3A_329, %dma_wait3A_330] : memref<4x2x128xi32, #tpu.memory_space<vmem>> -> memref<1x2x128xi32, #tpu.memory_space<vmem>>
          %dma_wait3A_332 = tpu.memref_squeeze %dma_wait3A_331 : memref<1x2x128xi32, #tpu.memory_space<vmem>> -> memref<2x128xi32, #tpu.memory_space<vmem>>
          %dma_wait3A_333 = arith.constant 0 : i32
          %dma_wait3A_334 = arith.constant 0 : i32
          %dma_wait3A_335 = tpu.memref_slice %arg3[%add3A, %add3A_327, %dma_wait3A_333, %dma_wait3A_334] : memref<32x80x2x128xi32, #tpu.memory_space<hbm>> -> memref<1x1x2x128xi32, #tpu.memory_space<hbm>>
          %dma_wait3A_336 = tpu.memref_squeeze %dma_wait3A_335 : memref<1x1x2x128xi32, #tpu.memory_space<hbm>> -> memref<2x128xi32, #tpu.memory_space<hbm>>
          %dma_wait3A_337 = arith.constant 0 : i32
          %dma_wait3A_338 = arith.constant 0 : i32
          %dma_wait3A_339 = tpu.memref_slice %arg6[%dma_wait3A_328, %dma_wait3A_337, %dma_wait3A_338] : memref<4x2x128xi32, #tpu.memory_space<vmem>> -> memref<1x2x128xi32, #tpu.memory_space<vmem>>
          %dma_wait3A_340 = tpu.memref_squeeze %dma_wait3A_339 : memref<1x2x128xi32, #tpu.memory_space<vmem>> -> memref<2x128xi32, #tpu.memory_space<vmem>>
          %dma_wait3A_341 = arith.constant 0 : i32
          %dma_wait3A_342 = arith.constant 0 : i32
          %dma_wait3A_343 = tpu.memref_slice %arg3[%add3A, %add3A_327, %dma_wait3A_341, %dma_wait3A_342] : memref<32x80x2x128xi32, #tpu.memory_space<hbm>> -> memref<1x1x2x128xi32, #tpu.memory_space<hbm>>
          %dma_wait3A_344 = tpu.memref_squeeze %dma_wait3A_343 : memref<1x1x2x128xi32, #tpu.memory_space<hbm>> -> memref<2x128xi32, #tpu.memory_space<hbm>>
          tpu.wait_dma2 semaphore(%arg9 : memref<!tpu.dma_semaphore, #tpu.memory_space<semaphore_mem>>) src(%dma_wait3A_344 : memref<2x128xi32, #tpu.memory_space<hbm>>) dst(%dma_wait3A_340 : memref<2x128xi32, #tpu.memory_space<vmem>>)
          %dma_start3A_345 = arith.constant 0 : i32
          %dma_start3A_346 = arith.constant 0 : i32
          %dma_start3A_347 = arith.constant 0 : i32
          %dma_start3A_348 = arith.constant 0 : i32
          %dma_start3A_349 = arith.constant 0 : i32
          %dma_start3A_350 = tpu.memref_slice %arg7[%dma_start3A_347, %dma_start3A_348, %dma_start3A_349] : memref<2x128x128xf32, #tpu.memory_space<vmem>> -> memref<1x128x128xf32, #tpu.memory_space<vmem>>
          %dma_start3A_351 = tpu.memref_squeeze %dma_start3A_350 : memref<1x128x128xf32, #tpu.memory_space<vmem>> -> memref<128x128xf32, #tpu.memory_space<vmem>>
          %dma_start3A_352 = arith.constant 0 : i32
          %dma_start3A_353 = tpu.memref_slice %arg6[%dma_start3A_345, %dma_start3A_346, %dma_start3A_352] : memref<4x2x128xi32, #tpu.memory_space<vmem>> -> memref<1x1x128xi32, #tpu.memory_space<vmem>>
          %dma_start3A_354 = tpu.memref_squeeze %dma_start3A_353 : memref<1x1x128xi32, #tpu.memory_space<vmem>> -> memref<128xi32, #tpu.memory_space<vmem>>
          %dma_start3A_355 = arith.constant 0 : i32
          %dma_start3A_356 = arith.constant 0 : i32
          %dma_start3A_357 = tpu.memref_slice %arg2[%dma_start3A_355, %dma_start3A_356] : memref<10000x128xf32, #tpu.memory_space<hbm>> -> memref<10000x128xf32, #tpu.memory_space<hbm>>
          tpu.enqueue_indirect_dma source(%dma_start3A_357 : memref<10000x128xf32, #tpu.memory_space<hbm>>) target(%dma_start3A_351 : memref<128x128xf32, #tpu.memory_space<vmem>>) offsets(%dma_start3A_354 : memref<128xi32, #tpu.memory_space<vmem>>) semaphore(%arg13 : memref<!tpu.dma_semaphore, #tpu.memory_space<semaphore_mem>>)
        } else {
        }
        %add3A_319 = arith.constant 3 : i32
        %add3A_320 = arith.addi %add3A_268, %add3A_319 : i32
        %lt3A_321 = arith.constant 80 : i32
        %lt3A_322 = arith.cmpi slt, %add3A_320, %lt3A_321 : i32
        %convert_element_type3A_323 = arith.extui %lt3A_322 : i1 to i32
        %cond3A_324 = arith.constant 0 : i32
        %cond3A_325 = arith.cmpi ne, %convert_element_type3A_323, %cond3A_324 : i32
        scf.if %cond3A_325 {
          %add3A_326 = arith.constant 3 : i32
          %add3A_327 = arith.addi %add3A_268, %add3A_326 : i32
          %dma_start3A_328 = arith.constant 2 : i32
          %dma_start3A_329 = arith.constant 0 : i32
          %dma_start3A_330 = arith.constant 0 : i32
          %dma_start3A_331 = tpu.memref_slice %arg6[%dma_start3A_328, %dma_start3A_329, %dma_start3A_330] : memref<4x2x128xi32, #tpu.memory_space<vmem>> -> memref<1x2x128xi32, #tpu.memory_space<vmem>>
          %dma_start3A_332 = tpu.memref_squeeze %dma_start3A_331 : memref<1x2x128xi32, #tpu.memory_space<vmem>> -> memref<2x128xi32, #tpu.memory_space<vmem>>
          %dma_start3A_333 = arith.constant 0 : i32
          %dma_start3A_334 = arith.constant 0 : i32
          %dma_start3A_335 = tpu.memref_slice %arg3[%add3A, %add3A_327, %dma_start3A_333, %dma_start3A_334] : memref<32x80x2x128xi32, #tpu.memory_space<hbm>> -> memref<1x1x2x128xi32, #tpu.memory_space<hbm>>
          %dma_start3A_336 = tpu.memref_squeeze %dma_start3A_335 : memref<1x1x2x128xi32, #tpu.memory_space<hbm>> -> memref<2x128xi32, #tpu.memory_space<hbm>>
          %dma_start3A_337 = arith.constant 0 : i32
          %dma_start3A_338 = arith.constant 0 : i32
          %dma_start3A_339 = tpu.memref_slice %arg6[%dma_start3A_328, %dma_start3A_337, %dma_start3A_338] : memref<4x2x128xi32, #tpu.memory_space<vmem>> -> memref<1x2x128xi32, #tpu.memory_space<vmem>>
          %dma_start3A_340 = tpu.memref_squeeze %dma_start3A_339 : memref<1x2x128xi32, #tpu.memory_space<vmem>> -> memref<2x128xi32, #tpu.memory_space<vmem>>
          %dma_start3A_341 = arith.constant 0 : i32
          %dma_start3A_342 = arith.constant 0 : i32
          %dma_start3A_343 = tpu.memref_slice %arg3[%add3A, %add3A_327, %dma_start3A_341, %dma_start3A_342] : memref<32x80x2x128xi32, #tpu.memory_space<hbm>> -> memref<1x1x2x128xi32, #tpu.memory_space<hbm>>
          %dma_start3A_344 = tpu.memref_squeeze %dma_start3A_343 : memref<1x1x2x128xi32, #tpu.memory_space<hbm>> -> memref<2x128xi32, #tpu.memory_space<hbm>>
          tpu.enqueue_dma source(%dma_start3A_344 : memref<2x128xi32, #tpu.memory_space<hbm>>) target(%dma_start3A_340 : memref<2x128xi32, #tpu.memory_space<vmem>>) target_semaphore(%arg11 : memref<!tpu.dma_semaphore, #tpu.memory_space<semaphore_mem>>)
        } else {
        }
      } else {
      }
    }
    %scan3A_147 = arith.constant 20 : i32
    %dma_wait3A_148 = arith.constant 1 : i32
    %dma_wait3A_149 = arith.constant 3 : i32
    %dma_wait3A_150 = arith.constant 1 : i32
    %dma_wait3A_151 = arith.constant 0 : i32
    %dma_wait3A_152 = arith.constant 0 : i32
    %dma_wait3A_153 = tpu.memref_slice %arg7[%dma_wait3A_148, %dma_wait3A_151, %dma_wait3A_152] : memref<2x128x128xf32, #tpu.memory_space<vmem>> -> memref<1x128x128xf32, #tpu.memory_space<vmem>>
    %dma_wait3A_154 = tpu.memref_squeeze %dma_wait3A_153 : memref<1x128x128xf32, #tpu.memory_space<vmem>> -> memref<128x128xf32, #tpu.memory_space<vmem>>
    %dma_wait3A_155 = arith.constant 0 : i32
    %dma_wait3A_156 = tpu.memref_slice %arg6[%dma_wait3A_149, %dma_wait3A_150, %dma_wait3A_155] : memref<4x2x128xi32, #tpu.memory_space<vmem>> -> memref<1x1x128xi32, #tpu.memory_space<vmem>>
    %dma_wait3A_157 = tpu.memref_squeeze %dma_wait3A_156 : memref<1x1x128xi32, #tpu.memory_space<vmem>> -> memref<128xi32, #tpu.memory_space<vmem>>
    %dma_wait3A_158 = arith.constant 0 : i32
    %dma_wait3A_159 = arith.constant 0 : i32
    %dma_wait3A_160 = tpu.memref_slice %arg8[%dma_wait3A_158, %dma_wait3A_159] : memref<10112x128xf32, #tpu.memory_space<vmem_shared>> -> memref<10112x128xf32, #tpu.memory_space<vmem_shared>>
    tpu.wait_indirect_dma semaphore(%arg16 : memref<!tpu.dma_semaphore, #tpu.memory_space<semaphore_mem>>) src(%dma_wait3A_154 : memref<128x128xf32, #tpu.memory_space<vmem>>) dst(%dma_wait3A_160 : memref<10112x128xf32, #tpu.memory_space<vmem_shared>>)
    %barrier3A_161 = arith.constant 0 : index
    tpu.barrier barrier_id(%barrier3A_161)
    "tpu.region"() ({
      %run_scoped3A = tpu.sem_alloc : memref<!tpu.dma_semaphore, #tpu.memory_space<semaphore_mem>>
      %dma_start3A_162 = arith.constant 0 : i32
      %dma_start3A_163 = tpu.memref_slice %arg5[%arg0, %mul3A_2, %dma_start3A_162] : memref<2x10112x128xf32, #tpu.memory_space<hbm>> -> memref<1x632x128xf32, #tpu.memory_space<hbm>>
      %dma_start3A_164 = tpu.memref_squeeze %dma_start3A_163 : memref<1x632x128xf32, #tpu.memory_space<hbm>> -> memref<632x128xf32, #tpu.memory_space<hbm>>
      %dma_start3A_165 = arith.constant 0 : i32
      %dma_start3A_166 = tpu.memref_slice %arg8[%mul3A_2, %dma_start3A_165] : memref<10112x128xf32, #tpu.memory_space<vmem_shared>> -> memref<632x128xf32, #tpu.memory_space<vmem_shared>>
      tpu.enqueue_dma source(%dma_start3A_166 : memref<632x128xf32, #tpu.memory_space<vmem_shared>>) target(%dma_start3A_164 : memref<632x128xf32, #tpu.memory_space<hbm>>) target_semaphore(%run_scoped3A : memref<!tpu.dma_semaphore, #tpu.memory_space<semaphore_mem>>)
      %dma_wait3A_167 = arith.constant 0 : i32
      %dma_wait3A_168 = tpu.memref_slice %arg5[%arg0, %mul3A_2, %dma_wait3A_167] : memref<2x10112x128xf32, #tpu.memory_space<hbm>> -> memref<1x632x128xf32, #tpu.memory_space<hbm>>
      %dma_wait3A_169 = tpu.memref_squeeze %dma_wait3A_168 : memref<1x632x128xf32, #tpu.memory_space<hbm>> -> memref<632x128xf32, #tpu.memory_space<hbm>>
      %dma_wait3A_170 = arith.constant 0 : i32
      %dma_wait3A_171 = tpu.memref_slice %arg8[%mul3A_2, %dma_wait3A_170] : memref<10112x128xf32, #tpu.memory_space<vmem_shared>> -> memref<632x128xf32, #tpu.memory_space<vmem_shared>>
      tpu.wait_dma2 semaphore(%run_scoped3A : memref<!tpu.dma_semaphore, #tpu.memory_space<semaphore_mem>>) src(%dma_wait3A_171 : memref<632x128xf32, #tpu.memory_space<vmem_shared>>) dst(%dma_wait3A_169 : memref<632x128xf32, #tpu.memory_space<hbm>>)
      tpu.yield
    }) : () -> ()
    return
  }
}

#map = affine_map<(d0, d1) -> (0, 0)>
#map1 = affine_map<(d0, d1) -> (0, 0, 0, 0)>
#map2 = affine_map<(d0, d1) -> (0, 0, 0)>
module attributes {stable_mosaic.version = 14 : i64} {
  func.func @agg(%arg0: i32, %arg1: i32, %arg2: memref<10000x128xf32, #tpu.memory_space<hbm>>, %arg3: memref<32x80x2x128xi32, #tpu.memory_space<hbm>>, %arg4: memref<10112x128xf32, #tpu.memory_space<hbm>>, %arg5: memref<2x10112x128xf32, #tpu.memory_space<hbm>>, %arg6: memref<4x2x128xi32, #tpu.memory_space<vmem>>, %arg7: memref<2x128x128xf32, #tpu.memory_space<vmem>>, %arg8: memref<10112x128xf32, #tpu.memory_space<vmem_shared>>, %arg9: memref<!tpu.dma_semaphore, #tpu.memory_space<semaphore_mem>>, %arg10: memref<!tpu.dma_semaphore, #tpu.memory_space<semaphore_mem>>, %arg11: memref<!tpu.dma_semaphore, #tpu.memory_space<semaphore_mem>>, %arg12: memref<!tpu.dma_semaphore, #tpu.memory_space<semaphore_mem>>, %arg13: memref<!tpu.dma_semaphore, #tpu.memory_space<semaphore_mem>>, %arg14: memref<!tpu.dma_semaphore, #tpu.memory_space<semaphore_mem>>, %arg15: memref<!tpu.dma_semaphore, #tpu.memory_space<semaphore_mem>>, %arg16: memref<!tpu.dma_semaphore, #tpu.memory_space<semaphore_mem>>, %arg17: memref<!tpu.dma_semaphore, #tpu.memory_space<semaphore_mem>>) attributes {dimension_semantics = [#tpu.dimension_semantics<core_parallel>, #tpu.dimension_semantics<subcore_parallel>], iteration_bounds = array<i64: 2, 16>, scalar_prefetch = 0 : i64, scratch_operands = 12 : i64, tpu.core_type = #tpu.core_type<sc_vector_subcore>, window_params = [{transform_indices = #map}, {transform_indices = #map1}, {transform_indices = #map}, {transform_indices = #map2}]} {
    %mul3A = arith.constant 2 : i32
    %mul3A_0 = arith.muli %arg1, %mul3A : i32
    %add3A = arith.addi %mul3A_0, %arg0 : i32
    %mul3A_1 = arith.constant 632 : i32
    %mul3A_2 = arith.muli %arg1, %mul3A_1 : i32
    %dma_start3A = arith.constant 0 : i32
    %dma_start3A_3 = tpu.memref_slice %arg8[%mul3A_2, %dma_start3A] : memref<10112x128xf32, #tpu.memory_space<vmem_shared>> -> memref<632x128xf32, #tpu.memory_space<vmem_shared>>
    %dma_start3A_4 = arith.constant 0 : i32
    %dma_start3A_5 = tpu.memref_slice %arg4[%mul3A_2, %dma_start3A_4] : memref<10112x128xf32, #tpu.memory_space<hbm>> -> memref<632x128xf32, #tpu.memory_space<hbm>>
    tpu.enqueue_dma source(%dma_start3A_5 : memref<632x128xf32, #tpu.memory_space<hbm>>) target(%dma_start3A_3 : memref<632x128xf32, #tpu.memory_space<vmem_shared>>) target_semaphore(%arg17 : memref<!tpu.dma_semaphore, #tpu.memory_space<semaphore_mem>>)
    %dma_start3A_6 = arith.constant 0 : i32
    %dma_start3A_7 = arith.constant 0 : i32
    %dma_start3A_8 = arith.constant 0 : i32
    %dma_start3A_9 = arith.constant 0 : i32
    %dma_start3A_10 = tpu.memref_slice %arg6[%dma_start3A_7, %dma_start3A_8, %dma_start3A_9] : memref<4x2x128xi32, #tpu.memory_space<vmem>> -> memref<1x2x128xi32, #tpu.memory_space<vmem>>
    %dma_start3A_11 = tpu.memref_squeeze %dma_start3A_10 : memref<1x2x128xi32, #tpu.memory_space<vmem>> -> memref<2x128xi32, #tpu.memory_space<vmem>>
    %dma_start3A_12 = arith.constant 0 : i32
    %dma_start3A_13 = arith.constant 0 : i32
    %dma_start3A_14 = tpu.memref_slice %arg3[%add3A, %dma_start3A_6, %dma_start3A_12, %dma_start3A_13] : memref<32x80x2x128xi32, #tpu.memory_space<hbm>> -> memref<1x1x2x128xi32, #tpu.memory_space<hbm>>
    %dma_start3A_15 = tpu.memref_squeeze %dma_start3A_14 : memref<1x1x2x128xi32, #tpu.memory_space<hbm>> -> memref<2x128xi32, #tpu.memory_space<hbm>>
    %dma_start3A_16 = arith.constant 0 : i32
    %dma_start3A_17 = arith.constant 0 : i32
    %dma_start3A_18 = tpu.memref_slice %arg6[%dma_start3A_7, %dma_start3A_16, %dma_start3A_17] : memref<4x2x128xi32, #tpu.memory_space<vmem>> -> memref<1x2x128xi32, #tpu.memory_space<vmem>>
    %dma_start3A_19 = tpu.memref_squeeze %dma_start3A_18 : memref<1x2x128xi32, #tpu.memory_space<vmem>> -> memref<2x128xi32, #tpu.memory_space<vmem>>
    %dma_start3A_20 = arith.constant 0 : i32
    %dma_start3A_21 = arith.constant 0 : i32
    %dma_start3A_22 = tpu.memref_slice %arg3[%add3A, %dma_start3A_6, %dma_start3A_20, %dma_start3A_21] : memref<32x80x2x128xi32, #tpu.memory_space<hbm>> -> memref<1x1x2x128xi32, #tpu.memory_space<hbm>>
    %dma_start3A_23 = tpu.memref_squeeze %dma_start3A_22 : memref<1x1x2x128xi32, #tpu.memory_space<hbm>> -> memref<2x128xi32, #tpu.memory_space<hbm>>
    tpu.enqueue_dma source(%dma_start3A_23 : memref<2x128xi32, #tpu.memory_space<hbm>>) target(%dma_start3A_19 : memref<2x128xi32, #tpu.memory_space<vmem>>) target_semaphore(%arg9 : memref<!tpu.dma_semaphore, #tpu.memory_space<semaphore_mem>>)
    %dma_start3A_24 = arith.constant 1 : i32
    %dma_start3A_25 = arith.constant 1 : i32
    %dma_start3A_26 = arith.constant 0 : i32
    %dma_start3A_27 = arith.constant 0 : i32
    %dma_start3A_28 = tpu.memref_slice %arg6[%dma_start3A_25, %dma_start3A_26, %dma_start3A_27] : memref<4x2x128xi32, #tpu.memory_space<vmem>> -> memref<1x2x128xi32, #tpu.memory_space<vmem>>
    %dma_start3A_29 = tpu.memref_squeeze %dma_start3A_28 : memref<1x2x128xi32, #tpu.memory_space<vmem>> -> memref<2x128xi32, #tpu.memory_space<vmem>>
    %dma_start3A_30 = arith.constant 0 : i32
    %dma_start3A_31 = arith.constant 0 : i32
    %dma_start3A_32 = tpu.memref_slice %arg3[%add3A, %dma_start3A_24, %dma_start3A_30, %dma_start3A_31] : memref<32x80x2x128xi32, #tpu.memory_space<hbm>> -> memref<1x1x2x128xi32, #tpu.memory_space<hbm>>
    %dma_start3A_33 = tpu.memref_squeeze %dma_start3A_32 : memref<1x1x2x128xi32, #tpu.memory_space<hbm>> -> memref<2x128xi32, #tpu.memory_space<hbm>>
    %dma_start3A_34 = arith.constant 0 : i32
    %dma_start3A_35 = arith.constant 0 : i32
    %dma_start3A_36 = tpu.memref_slice %arg6[%dma_start3A_25, %dma_start3A_34, %dma_start3A_35] : memref<4x2x128xi32, #tpu.memory_space<vmem>> -> memref<1x2x128xi32, #tpu.memory_space<vmem>>
    %dma_start3A_37 = tpu.memref_squeeze %dma_start3A_36 : memref<1x2x128xi32, #tpu.memory_space<vmem>> -> memref<2x128xi32, #tpu.memory_space<vmem>>
    %dma_start3A_38 = arith.constant 0 : i32
    %dma_start3A_39 = arith.constant 0 : i32
    %dma_start3A_40 = tpu.memref_slice %arg3[%add3A, %dma_start3A_24, %dma_start3A_38, %dma_start3A_39] : memref<32x80x2x128xi32, #tpu.memory_space<hbm>> -> memref<1x1x2x128xi32, #tpu.memory_space<hbm>>
    %dma_start3A_41 = tpu.memref_squeeze %dma_start3A_40 : memref<1x1x2x128xi32, #tpu.memory_space<hbm>> -> memref<2x128xi32, #tpu.memory_space<hbm>>
    tpu.enqueue_dma source(%dma_start3A_41 : memref<2x128xi32, #tpu.memory_space<hbm>>) target(%dma_start3A_37 : memref<2x128xi32, #tpu.memory_space<vmem>>) target_semaphore(%arg10 : memref<!tpu.dma_semaphore, #tpu.memory_space<semaphore_mem>>)
    %dma_start3A_42 = arith.constant 2 : i32
    %dma_start3A_43 = arith.constant 2 : i32
    %dma_start3A_44 = arith.constant 0 : i32
    %dma_start3A_45 = arith.constant 0 : i32
    %dma_start3A_46 = tpu.memref_slice %arg6[%dma_start3A_43, %dma_start3A_44, %dma_start3A_45] : memref<4x2x128xi32, #tpu.memory_space<vmem>> -> memref<1x2x128xi32, #tpu.memory_space<vmem>>
    %dma_start3A_47 = tpu.memref_squeeze %dma_start3A_46 : memref<1x2x128xi32, #tpu.memory_space<vmem>> -> memref<2x128xi32, #tpu.memory_space<vmem>>
    %dma_start3A_48 = arith.constant 0 : i32
    %dma_start3A_49 = arith.constant 0 : i32
    %dma_start3A_50 = tpu.memref_slice %arg3[%add3A, %dma_start3A_42, %dma_start3A_48, %dma_start3A_49] : memref<32x80x2x128xi32, #tpu.memory_space<hbm>> -> memref<1x1x2x128xi32, #tpu.memory_space<hbm>>
    %dma_start3A_51 = tpu.memref_squeeze %dma_start3A_50 : memref<1x1x2x128xi32, #tpu.memory_space<hbm>> -> memref<2x128xi32, #tpu.memory_space<hbm>>
    %dma_start3A_52 = arith.constant 0 : i32
    %dma_start3A_53 = arith.constant 0 : i32
    %dma_start3A_54 = tpu.memref_slice %arg6[%dma_start3A_43, %dma_start3A_52, %dma_start3A_53] : memref<4x2x128xi32, #tpu.memory_space<vmem>> -> memref<1x2x128xi32, #tpu.memory_space<vmem>>
    %dma_start3A_55 = tpu.memref_squeeze %dma_start3A_54 : memref<1x2x128xi32, #tpu.memory_space<vmem>> -> memref<2x128xi32, #tpu.memory_space<vmem>>
    %dma_start3A_56 = arith.constant 0 : i32
    %dma_start3A_57 = arith.constant 0 : i32
    %dma_start3A_58 = tpu.memref_slice %arg3[%add3A, %dma_start3A_42, %dma_start3A_56, %dma_start3A_57] : memref<32x80x2x128xi32, #tpu.memory_space<hbm>> -> memref<1x1x2x128xi32, #tpu.memory_space<hbm>>
    %dma_start3A_59 = tpu.memref_squeeze %dma_start3A_58 : memref<1x1x2x128xi32, #tpu.memory_space<hbm>> -> memref<2x128xi32, #tpu.memory_space<hbm>>
    tpu.enqueue_dma source(%dma_start3A_59 : memref<2x128xi32, #tpu.memory_space<hbm>>) target(%dma_start3A_55 : memref<2x128xi32, #tpu.memory_space<vmem>>) target_semaphore(%arg11 : memref<!tpu.dma_semaphore, #tpu.memory_space<semaphore_mem>>)
    %dma_start3A_60 = arith.constant 3 : i32
    %dma_start3A_61 = arith.constant 3 : i32
    %dma_start3A_62 = arith.constant 0 : i32
    %dma_start3A_63 = arith.constant 0 : i32
    %dma_start3A_64 = tpu.memref_slice %arg6[%dma_start3A_61, %dma_start3A_62, %dma_start3A_63] : memref<4x2x128xi32, #tpu.memory_space<vmem>> -> memref<1x2x128xi32, #tpu.memory_space<vmem>>
    %dma_start3A_65 = tpu.memref_squeeze %dma_start3A_64 : memref<1x2x128xi32, #tpu.memory_space<vmem>> -> memref<2x128xi32, #tpu.memory_space<vmem>>
    %dma_start3A_66 = arith.constant 0 : i32
    %dma_start3A_67 = arith.constant 0 : i32
    %dma_start3A_68 = tpu.memref_slice %arg3[%add3A, %dma_start3A_60, %dma_start3A_66, %dma_start3A_67] : memref<32x80x2x128xi32, #tpu.memory_space<hbm>> -> memref<1x1x2x128xi32, #tpu.memory_space<hbm>>
    %dma_start3A_69 = tpu.memref_squeeze %dma_start3A_68 : memref<1x1x2x128xi32, #tpu.memory_space<hbm>> -> memref<2x128xi32, #tpu.memory_space<hbm>>
    %dma_start3A_70 = arith.constant 0 : i32
    %dma_start3A_71 = arith.constant 0 : i32
    %dma_start3A_72 = tpu.memref_slice %arg6[%dma_start3A_61, %dma_start3A_70, %dma_start3A_71] : memref<4x2x128xi32, #tpu.memory_space<vmem>> -> memref<1x2x128xi32, #tpu.memory_space<vmem>>
    %dma_start3A_73 = tpu.memref_squeeze %dma_start3A_72 : memref<1x2x128xi32, #tpu.memory_space<vmem>> -> memref<2x128xi32, #tpu.memory_space<vmem>>
    %dma_start3A_74 = arith.constant 0 : i32
    %dma_start3A_75 = arith.constant 0 : i32
    %dma_start3A_76 = tpu.memref_slice %arg3[%add3A, %dma_start3A_60, %dma_start3A_74, %dma_start3A_75] : memref<32x80x2x128xi32, #tpu.memory_space<hbm>> -> memref<1x1x2x128xi32, #tpu.memory_space<hbm>>
    %dma_start3A_77 = tpu.memref_squeeze %dma_start3A_76 : memref<1x1x2x128xi32, #tpu.memory_space<hbm>> -> memref<2x128xi32, #tpu.memory_space<hbm>>
    tpu.enqueue_dma source(%dma_start3A_77 : memref<2x128xi32, #tpu.memory_space<hbm>>) target(%dma_start3A_73 : memref<2x128xi32, #tpu.memory_space<vmem>>) target_semaphore(%arg12 : memref<!tpu.dma_semaphore, #tpu.memory_space<semaphore_mem>>)
    %dma_wait3A = arith.constant 0 : i32
    %dma_wait3A_78 = arith.constant 0 : i32
    %dma_wait3A_79 = arith.constant 0 : i32
    %dma_wait3A_80 = arith.constant 0 : i32
    %dma_wait3A_81 = tpu.memref_slice %arg6[%dma_wait3A_78, %dma_wait3A_79, %dma_wait3A_80] : memref<4x2x128xi32, #tpu.memory_space<vmem>> -> memref<1x2x128xi32, #tpu.memory_space<vmem>>
    %dma_wait3A_82 = tpu.memref_squeeze %dma_wait3A_81 : memref<1x2x128xi32, #tpu.memory_space<vmem>> -> memref<2x128xi32, #tpu.memory_space<vmem>>
    %dma_wait3A_83 = arith.constant 0 : i32
    %dma_wait3A_84 = arith.constant 0 : i32
    %dma_wait3A_85 = tpu.memref_slice %arg3[%add3A, %dma_wait3A, %dma_wait3A_83, %dma_wait3A_84] : memref<32x80x2x128xi32, #tpu.memory_space<hbm>> -> memref<1x1x2x128xi32, #tpu.memory_space<hbm>>
    %dma_wait3A_86 = tpu.memref_squeeze %dma_wait3A_85 : memref<1x1x2x128xi32, #tpu.memory_space<hbm>> -> memref<2x128xi32, #tpu.memory_space<hbm>>
    %dma_wait3A_87 = arith.constant 0 : i32
    %dma_wait3A_88 = arith.constant 0 : i32
    %dma_wait3A_89 = tpu.memref_slice %arg6[%dma_wait3A_78, %dma_wait3A_87, %dma_wait3A_88] : memref<4x2x128xi32, #tpu.memory_space<vmem>> -> memref<1x2x128xi32, #tpu.memory_space<vmem>>
    %dma_wait3A_90 = tpu.memref_squeeze %dma_wait3A_89 : memref<1x2x128xi32, #tpu.memory_space<vmem>> -> memref<2x128xi32, #tpu.memory_space<vmem>>
    %dma_wait3A_91 = arith.constant 0 : i32
    %dma_wait3A_92 = arith.constant 0 : i32
    %dma_wait3A_93 = tpu.memref_slice %arg3[%add3A, %dma_wait3A, %dma_wait3A_91, %dma_wait3A_92] : memref<32x80x2x128xi32, #tpu.memory_space<hbm>> -> memref<1x1x2x128xi32, #tpu.memory_space<hbm>>
    %dma_wait3A_94 = tpu.memref_squeeze %dma_wait3A_93 : memref<1x1x2x128xi32, #tpu.memory_space<hbm>> -> memref<2x128xi32, #tpu.memory_space<hbm>>
    tpu.wait_dma2 semaphore(%arg9 : memref<!tpu.dma_semaphore, #tpu.memory_space<semaphore_mem>>) src(%dma_wait3A_94 : memref<2x128xi32, #tpu.memory_space<hbm>>) dst(%dma_wait3A_90 : memref<2x128xi32, #tpu.memory_space<vmem>>)
    %dma_start3A_95 = arith.constant 0 : i32
    %dma_start3A_96 = arith.constant 0 : i32
    %dma_start3A_97 = arith.constant 0 : i32
    %dma_start3A_98 = arith.constant 0 : i32
    %dma_start3A_99 = arith.constant 0 : i32
    %dma_start3A_100 = tpu.memref_slice %arg7[%dma_start3A_97, %dma_start3A_98, %dma_start3A_99] : memref<2x128x128xf32, #tpu.memory_space<vmem>> -> memref<1x128x128xf32, #tpu.memory_space<vmem>>
    %dma_start3A_101 = tpu.memref_squeeze %dma_start3A_100 : memref<1x128x128xf32, #tpu.memory_space<vmem>> -> memref<128x128xf32, #tpu.memory_space<vmem>>
    %dma_start3A_102 = arith.constant 0 : i32
    %dma_start3A_103 = tpu.memref_slice %arg6[%dma_start3A_95, %dma_start3A_96, %dma_start3A_102] : memref<4x2x128xi32, #tpu.memory_space<vmem>> -> memref<1x1x128xi32, #tpu.memory_space<vmem>>
    %dma_start3A_104 = tpu.memref_squeeze %dma_start3A_103 : memref<1x1x128xi32, #tpu.memory_space<vmem>> -> memref<128xi32, #tpu.memory_space<vmem>>
    %dma_start3A_105 = arith.constant 0 : i32
    %dma_start3A_106 = arith.constant 0 : i32
    %dma_start3A_107 = tpu.memref_slice %arg2[%dma_start3A_105, %dma_start3A_106] : memref<10000x128xf32, #tpu.memory_space<hbm>> -> memref<10000x128xf32, #tpu.memory_space<hbm>>
    tpu.enqueue_indirect_dma source(%dma_start3A_107 : memref<10000x128xf32, #tpu.memory_space<hbm>>) target(%dma_start3A_101 : memref<128x128xf32, #tpu.memory_space<vmem>>) offsets(%dma_start3A_104 : memref<128xi32, #tpu.memory_space<vmem>>) semaphore(%arg13 : memref<!tpu.dma_semaphore, #tpu.memory_space<semaphore_mem>>)
    %dma_wait3A_108 = arith.constant 1 : i32
    %dma_wait3A_109 = arith.constant 1 : i32
    %dma_wait3A_110 = arith.constant 0 : i32
    %dma_wait3A_111 = arith.constant 0 : i32
    %dma_wait3A_112 = tpu.memref_slice %arg6[%dma_wait3A_109, %dma_wait3A_110, %dma_wait3A_111] : memref<4x2x128xi32, #tpu.memory_space<vmem>> -> memref<1x2x128xi32, #tpu.memory_space<vmem>>
    %dma_wait3A_113 = tpu.memref_squeeze %dma_wait3A_112 : memref<1x2x128xi32, #tpu.memory_space<vmem>> -> memref<2x128xi32, #tpu.memory_space<vmem>>
    %dma_wait3A_114 = arith.constant 0 : i32
    %dma_wait3A_115 = arith.constant 0 : i32
    %dma_wait3A_116 = tpu.memref_slice %arg3[%add3A, %dma_wait3A_108, %dma_wait3A_114, %dma_wait3A_115] : memref<32x80x2x128xi32, #tpu.memory_space<hbm>> -> memref<1x1x2x128xi32, #tpu.memory_space<hbm>>
    %dma_wait3A_117 = tpu.memref_squeeze %dma_wait3A_116 : memref<1x1x2x128xi32, #tpu.memory_space<hbm>> -> memref<2x128xi32, #tpu.memory_space<hbm>>
    %dma_wait3A_118 = arith.constant 0 : i32
    %dma_wait3A_119 = arith.constant 0 : i32
    %dma_wait3A_120 = tpu.memref_slice %arg6[%dma_wait3A_109, %dma_wait3A_118, %dma_wait3A_119] : memref<4x2x128xi32, #tpu.memory_space<vmem>> -> memref<1x2x128xi32, #tpu.memory_space<vmem>>
    %dma_wait3A_121 = tpu.memref_squeeze %dma_wait3A_120 : memref<1x2x128xi32, #tpu.memory_space<vmem>> -> memref<2x128xi32, #tpu.memory_space<vmem>>
    %dma_wait3A_122 = arith.constant 0 : i32
    %dma_wait3A_123 = arith.constant 0 : i32
    %dma_wait3A_124 = tpu.memref_slice %arg3[%add3A, %dma_wait3A_108, %dma_wait3A_122, %dma_wait3A_123] : memref<32x80x2x128xi32, #tpu.memory_space<hbm>> -> memref<1x1x2x128xi32, #tpu.memory_space<hbm>>
    %dma_wait3A_125 = tpu.memref_squeeze %dma_wait3A_124 : memref<1x1x2x128xi32, #tpu.memory_space<hbm>> -> memref<2x128xi32, #tpu.memory_space<hbm>>
    tpu.wait_dma2 semaphore(%arg10 : memref<!tpu.dma_semaphore, #tpu.memory_space<semaphore_mem>>) src(%dma_wait3A_125 : memref<2x128xi32, #tpu.memory_space<hbm>>) dst(%dma_wait3A_121 : memref<2x128xi32, #tpu.memory_space<vmem>>)
    %dma_start3A_126 = arith.constant 1 : i32
    %dma_start3A_127 = arith.constant 0 : i32
    %dma_start3A_128 = arith.constant 1 : i32
    %dma_start3A_129 = arith.constant 0 : i32
    %dma_start3A_130 = arith.constant 0 : i32
    %dma_start3A_131 = tpu.memref_slice %arg7[%dma_start3A_128, %dma_start3A_129, %dma_start3A_130] : memref<2x128x128xf32, #tpu.memory_space<vmem>> -> memref<1x128x128xf32, #tpu.memory_space<vmem>>
    %dma_start3A_132 = tpu.memref_squeeze %dma_start3A_131 : memref<1x128x128xf32, #tpu.memory_space<vmem>> -> memref<128x128xf32, #tpu.memory_space<vmem>>
    %dma_start3A_133 = arith.constant 0 : i32
    %dma_start3A_134 = tpu.memref_slice %arg6[%dma_start3A_126, %dma_start3A_127, %dma_start3A_133] : memref<4x2x128xi32, #tpu.memory_space<vmem>> -> memref<1x1x128xi32, #tpu.memory_space<vmem>>
    %dma_start3A_135 = tpu.memref_squeeze %dma_start3A_134 : memref<1x1x128xi32, #tpu.memory_space<vmem>> -> memref<128xi32, #tpu.memory_space<vmem>>
    %dma_start3A_136 = arith.constant 0 : i32
    %dma_start3A_137 = arith.constant 0 : i32
    %dma_start3A_138 = tpu.memref_slice %arg2[%dma_start3A_136, %dma_start3A_137] : memref<10000x128xf32, #tpu.memory_space<hbm>> -> memref<10000x128xf32, #tpu.memory_space<hbm>>
    tpu.enqueue_indirect_dma source(%dma_start3A_138 : memref<10000x128xf32, #tpu.memory_space<hbm>>) target(%dma_start3A_132 : memref<128x128xf32, #tpu.memory_space<vmem>>) offsets(%dma_start3A_135 : memref<128xi32, #tpu.memory_space<vmem>>) semaphore(%arg14 : memref<!tpu.dma_semaphore, #tpu.memory_space<semaphore_mem>>)
    %dma_wait3A_139 = arith.constant 0 : i32
    %dma_wait3A_140 = tpu.memref_slice %arg8[%mul3A_2, %dma_wait3A_139] : memref<10112x128xf32, #tpu.memory_space<vmem_shared>> -> memref<632x128xf32, #tpu.memory_space<vmem_shared>>
    %dma_wait3A_141 = arith.constant 0 : i32
    %dma_wait3A_142 = tpu.memref_slice %arg4[%mul3A_2, %dma_wait3A_141] : memref<10112x128xf32, #tpu.memory_space<hbm>> -> memref<632x128xf32, #tpu.memory_space<hbm>>
    tpu.wait_dma2 semaphore(%arg17 : memref<!tpu.dma_semaphore, #tpu.memory_space<semaphore_mem>>) src(%dma_wait3A_142 : memref<632x128xf32, #tpu.memory_space<hbm>>) dst(%dma_wait3A_140 : memref<632x128xf32, #tpu.memory_space<vmem_shared>>)
    %barrier3A = arith.constant 0 : index
    tpu.barrier barrier_id(%barrier3A)
    %scan3A = arith.constant 0 : i32
    %scan3A_143 = arith.constant 0 : i32
    %scan3A_144 = arith.constant 20 : i32
    %scan3A_145 = arith.addi %scan3A_143, %scan3A_144 : i32
    %scan3A_146 = arith.constant 1 : i32
    scf.for %scan3A_162 = %scan3A_143 to %scan3A_145 step %scan3A_146  : i32 {
      %mul3A_163 = arith.constant 4 : i32
      %mul3A_164 = arith.muli %scan3A_162, %mul3A_163 : i32
      %add3A_165 = arith.constant 0 : i32
      %add3A_166 = arith.addi %mul3A_164, %add3A_165 : i32
      %dma_wait3A_167 = arith.constant 0 : i32
      %dma_wait3A_168 = arith.constant 0 : i32
      %dma_wait3A_169 = arith.constant 0 : i32
      %dma_wait3A_170 = arith.constant 0 : i32
      %dma_wait3A_171 = arith.constant 0 : i32
      %dma_wait3A_172 = tpu.memref_slice %arg7[%dma_wait3A_169, %dma_wait3A_170, %dma_wait3A_171] : memref<2x128x128xf32, #tpu.memory_space<vmem>> -> memref<1x128x128xf32, #tpu.memory_space<vmem>>
      %dma_wait3A_173 = tpu.memref_squeeze %dma_wait3A_172 : memref<1x128x128xf32, #tpu.memory_space<vmem>> -> memref<128x128xf32, #tpu.memory_space<vmem>>
      %dma_wait3A_174 = arith.constant 0 : i32
      %dma_wait3A_175 = tpu.memref_slice %arg6[%dma_wait3A_167, %dma_wait3A_168, %dma_wait3A_174] : memref<4x2x128xi32, #tpu.memory_space<vmem>> -> memref<1x1x128xi32, #tpu.memory_space<vmem>>
      %dma_wait3A_176 = tpu.memref_squeeze %dma_wait3A_175 : memref<1x1x128xi32, #tpu.memory_space<vmem>> -> memref<128xi32, #tpu.memory_space<vmem>>
      %dma_wait3A_177 = arith.constant 0 : i32
      %dma_wait3A_178 = arith.constant 0 : i32
      %dma_wait3A_179 = tpu.memref_slice %arg2[%dma_wait3A_177, %dma_wait3A_178] : memref<10000x128xf32, #tpu.memory_space<hbm>> -> memref<10000x128xf32, #tpu.memory_space<hbm>>
      tpu.wait_indirect_dma semaphore(%arg13 : memref<!tpu.dma_semaphore, #tpu.memory_space<semaphore_mem>>) src(%dma_wait3A_179 : memref<10000x128xf32, #tpu.memory_space<hbm>>) dst(%dma_wait3A_173 : memref<128x128xf32, #tpu.memory_space<vmem>>)
      %dma_start3A_180 = arith.constant 0 : i32
      %dma_start3A_181 = arith.constant 0 : i32
      %dma_start3A_182 = arith.constant 1 : i32
      %dma_start3A_183 = arith.constant 0 : i32
      %dma_start3A_184 = arith.constant 0 : i32
      %dma_start3A_185 = tpu.memref_slice %arg7[%dma_start3A_180, %dma_start3A_183, %dma_start3A_184] : memref<2x128x128xf32, #tpu.memory_space<vmem>> -> memref<1x128x128xf32, #tpu.memory_space<vmem>>
      %dma_start3A_186 = tpu.memref_squeeze %dma_start3A_185 : memref<1x128x128xf32, #tpu.memory_space<vmem>> -> memref<128x128xf32, #tpu.memory_space<vmem>>
      %dma_start3A_187 = arith.constant 0 : i32
      %dma_start3A_188 = tpu.memref_slice %arg6[%dma_start3A_181, %dma_start3A_182, %dma_start3A_187] : memref<4x2x128xi32, #tpu.memory_space<vmem>> -> memref<1x1x128xi32, #tpu.memory_space<vmem>>
      %dma_start3A_189 = tpu.memref_squeeze %dma_start3A_188 : memref<1x1x128xi32, #tpu.memory_space<vmem>> -> memref<128xi32, #tpu.memory_space<vmem>>
      %dma_start3A_190 = arith.constant 0 : i32
      %dma_start3A_191 = arith.constant 0 : i32
      %dma_start3A_192 = tpu.memref_slice %arg8[%dma_start3A_190, %dma_start3A_191] : memref<10112x128xf32, #tpu.memory_space<vmem_shared>> -> memref<10112x128xf32, #tpu.memory_space<vmem_shared>>
      tpu.enqueue_indirect_dma source(%dma_start3A_186 : memref<128x128xf32, #tpu.memory_space<vmem>>) target(%dma_start3A_192 : memref<10112x128xf32, #tpu.memory_space<vmem_shared>>) offsets(%dma_start3A_189 : memref<128xi32, #tpu.memory_space<vmem>>) semaphore(%arg15 : memref<!tpu.dma_semaphore, #tpu.memory_space<semaphore_mem>>) {add = true}
      %ge3A = arith.constant 1 : i32
      %ge3A_193 = arith.cmpi sge, %add3A_166, %ge3A : i32
      %convert_element_type3A = arith.extui %ge3A_193 : i1 to i32
      %cond3A = arith.constant 0 : i32
      %cond3A_194 = arith.cmpi ne, %convert_element_type3A, %cond3A : i32
      scf.if %cond3A_194 {
        %dma_wait3A_300 = arith.constant 1 : i32
        %dma_wait3A_301 = arith.constant 3 : i32
        %dma_wait3A_302 = arith.constant 1 : i32
        %dma_wait3A_303 = arith.constant 0 : i32
        %dma_wait3A_304 = arith.constant 0 : i32
        %dma_wait3A_305 = tpu.memref_slice %arg7[%dma_wait3A_300, %dma_wait3A_303, %dma_wait3A_304] : memref<2x128x128xf32, #tpu.memory_space<vmem>> -> memref<1x128x128xf32, #tpu.memory_space<vmem>>
        %dma_wait3A_306 = tpu.memref_squeeze %dma_wait3A_305 : memref<1x128x128xf32, #tpu.memory_space<vmem>> -> memref<128x128xf32, #tpu.memory_space<vmem>>
        %dma_wait3A_307 = arith.constant 0 : i32
        %dma_wait3A_308 = tpu.memref_slice %arg6[%dma_wait3A_301, %dma_wait3A_302, %dma_wait3A_307] : memref<4x2x128xi32, #tpu.memory_space<vmem>> -> memref<1x1x128xi32, #tpu.memory_space<vmem>>
        %dma_wait3A_309 = tpu.memref_squeeze %dma_wait3A_308 : memref<1x1x128xi32, #tpu.memory_space<vmem>> -> memref<128xi32, #tpu.memory_space<vmem>>
        %dma_wait3A_310 = arith.constant 0 : i32
        %dma_wait3A_311 = arith.constant 0 : i32
        %dma_wait3A_312 = tpu.memref_slice %arg8[%dma_wait3A_310, %dma_wait3A_311] : memref<10112x128xf32, #tpu.memory_space<vmem_shared>> -> memref<10112x128xf32, #tpu.memory_space<vmem_shared>>
        tpu.wait_indirect_dma semaphore(%arg16 : memref<!tpu.dma_semaphore, #tpu.memory_space<semaphore_mem>>) src(%dma_wait3A_306 : memref<128x128xf32, #tpu.memory_space<vmem>>) dst(%dma_wait3A_312 : memref<10112x128xf32, #tpu.memory_space<vmem_shared>>)
        %add3A_313 = arith.constant 1 : i32
        %add3A_314 = arith.addi %add3A_166, %add3A_313 : i32
        %lt3A = arith.constant 80 : i32
        %lt3A_315 = arith.cmpi slt, %add3A_314, %lt3A : i32
        %convert_element_type3A_316 = arith.extui %lt3A_315 : i1 to i32
        %cond3A_317 = arith.constant 0 : i32
        %cond3A_318 = arith.cmpi ne, %convert_element_type3A_316, %cond3A_317 : i32
        scf.if %cond3A_318 {
          %add3A_326 = arith.constant 1 : i32
          %add3A_327 = arith.addi %add3A_166, %add3A_326 : i32
          %dma_wait3A_328 = arith.constant 1 : i32
          %dma_wait3A_329 = arith.constant 0 : i32
          %dma_wait3A_330 = arith.constant 0 : i32
          %dma_wait3A_331 = tpu.memref_slice %arg6[%dma_wait3A_328, %dma_wait3A_329, %dma_wait3A_330] : memref<4x2x128xi32, #tpu.memory_space<vmem>> -> memref<1x2x128xi32, #tpu.memory_space<vmem>>
          %dma_wait3A_332 = tpu.memref_squeeze %dma_wait3A_331 : memref<1x2x128xi32, #tpu.memory_space<vmem>> -> memref<2x128xi32, #tpu.memory_space<vmem>>
          %dma_wait3A_333 = arith.constant 0 : i32
          %dma_wait3A_334 = arith.constant 0 : i32
          %dma_wait3A_335 = tpu.memref_slice %arg3[%add3A, %add3A_327, %dma_wait3A_333, %dma_wait3A_334] : memref<32x80x2x128xi32, #tpu.memory_space<hbm>> -> memref<1x1x2x128xi32, #tpu.memory_space<hbm>>
          %dma_wait3A_336 = tpu.memref_squeeze %dma_wait3A_335 : memref<1x1x2x128xi32, #tpu.memory_space<hbm>> -> memref<2x128xi32, #tpu.memory_space<hbm>>
          %dma_wait3A_337 = arith.constant 0 : i32
          %dma_wait3A_338 = arith.constant 0 : i32
          %dma_wait3A_339 = tpu.memref_slice %arg6[%dma_wait3A_328, %dma_wait3A_337, %dma_wait3A_338] : memref<4x2x128xi32, #tpu.memory_space<vmem>> -> memref<1x2x128xi32, #tpu.memory_space<vmem>>
          %dma_wait3A_340 = tpu.memref_squeeze %dma_wait3A_339 : memref<1x2x128xi32, #tpu.memory_space<vmem>> -> memref<2x128xi32, #tpu.memory_space<vmem>>
          %dma_wait3A_341 = arith.constant 0 : i32
          %dma_wait3A_342 = arith.constant 0 : i32
          %dma_wait3A_343 = tpu.memref_slice %arg3[%add3A, %add3A_327, %dma_wait3A_341, %dma_wait3A_342] : memref<32x80x2x128xi32, #tpu.memory_space<hbm>> -> memref<1x1x2x128xi32, #tpu.memory_space<hbm>>
          %dma_wait3A_344 = tpu.memref_squeeze %dma_wait3A_343 : memref<1x1x2x128xi32, #tpu.memory_space<hbm>> -> memref<2x128xi32, #tpu.memory_space<hbm>>
          tpu.wait_dma2 semaphore(%arg10 : memref<!tpu.dma_semaphore, #tpu.memory_space<semaphore_mem>>) src(%dma_wait3A_344 : memref<2x128xi32, #tpu.memory_space<hbm>>) dst(%dma_wait3A_340 : memref<2x128xi32, #tpu.memory_space<vmem>>)
          %dma_start3A_345 = arith.constant 1 : i32
          %dma_start3A_346 = arith.constant 0 : i32
          %dma_start3A_347 = arith.constant 1 : i32
          %dma_start3A_348 = arith.constant 0 : i32
          %dma_start3A_349 = arith.constant 0 : i32
          %dma_start3A_350 = tpu.memref_slice %arg7[%dma_start3A_347, %dma_start3A_348, %dma_start3A_349] : memref<2x128x128xf32, #tpu.memory_space<vmem>> -> memref<1x128x128xf32, #tpu.memory_space<vmem>>
          %dma_start3A_351 = tpu.memref_squeeze %dma_start3A_350 : memref<1x128x128xf32, #tpu.memory_space<vmem>> -> memref<128x128xf32, #tpu.memory_space<vmem>>
          %dma_start3A_352 = arith.constant 0 : i32
          %dma_start3A_353 = tpu.memref_slice %arg6[%dma_start3A_345, %dma_start3A_346, %dma_start3A_352] : memref<4x2x128xi32, #tpu.memory_space<vmem>> -> memref<1x1x128xi32, #tpu.memory_space<vmem>>
          %dma_start3A_354 = tpu.memref_squeeze %dma_start3A_353 : memref<1x1x128xi32, #tpu.memory_space<vmem>> -> memref<128xi32, #tpu.memory_space<vmem>>
          %dma_start3A_355 = arith.constant 0 : i32
          %dma_start3A_356 = arith.constant 0 : i32
          %dma_start3A_357 = tpu.memref_slice %arg2[%dma_start3A_355, %dma_start3A_356] : memref<10000x128xf32, #tpu.memory_space<hbm>> -> memref<10000x128xf32, #tpu.memory_space<hbm>>
          tpu.enqueue_indirect_dma source(%dma_start3A_357 : memref<10000x128xf32, #tpu.memory_space<hbm>>) target(%dma_start3A_351 : memref<128x128xf32, #tpu.memory_space<vmem>>) offsets(%dma_start3A_354 : memref<128xi32, #tpu.memory_space<vmem>>) semaphore(%arg14 : memref<!tpu.dma_semaphore, #tpu.memory_space<semaphore_mem>>)
        } else {
        }
        %add3A_319 = arith.constant 3 : i32
        %add3A_320 = arith.addi %add3A_166, %add3A_319 : i32
        %lt3A_321 = arith.constant 80 : i32
        %lt3A_322 = arith.cmpi slt, %add3A_320, %lt3A_321 : i32
        %convert_element_type3A_323 = arith.extui %lt3A_322 : i1 to i32
        %cond3A_324 = arith.constant 0 : i32
        %cond3A_325 = arith.cmpi ne, %convert_element_type3A_323, %cond3A_324 : i32
        scf.if %cond3A_325 {
          %add3A_326 = arith.constant 3 : i32
          %add3A_327 = arith.addi %add3A_166, %add3A_326 : i32
          %dma_start3A_328 = arith.constant 3 : i32
          %dma_start3A_329 = arith.constant 0 : i32
          %dma_start3A_330 = arith.constant 0 : i32
          %dma_start3A_331 = tpu.memref_slice %arg6[%dma_start3A_328, %dma_start3A_329, %dma_start3A_330] : memref<4x2x128xi32, #tpu.memory_space<vmem>> -> memref<1x2x128xi32, #tpu.memory_space<vmem>>
          %dma_start3A_332 = tpu.memref_squeeze %dma_start3A_331 : memref<1x2x128xi32, #tpu.memory_space<vmem>> -> memref<2x128xi32, #tpu.memory_space<vmem>>
          %dma_start3A_333 = arith.constant 0 : i32
          %dma_start3A_334 = arith.constant 0 : i32
          %dma_start3A_335 = tpu.memref_slice %arg3[%add3A, %add3A_327, %dma_start3A_333, %dma_start3A_334] : memref<32x80x2x128xi32, #tpu.memory_space<hbm>> -> memref<1x1x2x128xi32, #tpu.memory_space<hbm>>
          %dma_start3A_336 = tpu.memref_squeeze %dma_start3A_335 : memref<1x1x2x128xi32, #tpu.memory_space<hbm>> -> memref<2x128xi32, #tpu.memory_space<hbm>>
          %dma_start3A_337 = arith.constant 0 : i32
          %dma_start3A_338 = arith.constant 0 : i32
          %dma_start3A_339 = tpu.memref_slice %arg6[%dma_start3A_328, %dma_start3A_337, %dma_start3A_338] : memref<4x2x128xi32, #tpu.memory_space<vmem>> -> memref<1x2x128xi32, #tpu.memory_space<vmem>>
          %dma_start3A_340 = tpu.memref_squeeze %dma_start3A_339 : memref<1x2x128xi32, #tpu.memory_space<vmem>> -> memref<2x128xi32, #tpu.memory_space<vmem>>
          %dma_start3A_341 = arith.constant 0 : i32
          %dma_start3A_342 = arith.constant 0 : i32
          %dma_start3A_343 = tpu.memref_slice %arg3[%add3A, %add3A_327, %dma_start3A_341, %dma_start3A_342] : memref<32x80x2x128xi32, #tpu.memory_space<hbm>> -> memref<1x1x2x128xi32, #tpu.memory_space<hbm>>
          %dma_start3A_344 = tpu.memref_squeeze %dma_start3A_343 : memref<1x1x2x128xi32, #tpu.memory_space<hbm>> -> memref<2x128xi32, #tpu.memory_space<hbm>>
          tpu.enqueue_dma source(%dma_start3A_344 : memref<2x128xi32, #tpu.memory_space<hbm>>) target(%dma_start3A_340 : memref<2x128xi32, #tpu.memory_space<vmem>>) target_semaphore(%arg12 : memref<!tpu.dma_semaphore, #tpu.memory_space<semaphore_mem>>)
        } else {
        }
      } else {
      }
      %mul3A_195 = arith.constant 4 : i32
      %mul3A_196 = arith.muli %scan3A_162, %mul3A_195 : i32
      %add3A_197 = arith.constant 1 : i32
      %add3A_198 = arith.addi %mul3A_196, %add3A_197 : i32
      %dma_wait3A_199 = arith.constant 1 : i32
      %dma_wait3A_200 = arith.constant 0 : i32
      %dma_wait3A_201 = arith.constant 1 : i32
      %dma_wait3A_202 = arith.constant 0 : i32
      %dma_wait3A_203 = arith.constant 0 : i32
      %dma_wait3A_204 = tpu.memref_slice %arg7[%dma_wait3A_201, %dma_wait3A_202, %dma_wait3A_203] : memref<2x128x128xf32, #tpu.memory_space<vmem>> -> memref<1x128x128xf32, #tpu.memory_space<vmem>>
      %dma_wait3A_205 = tpu.memref_squeeze %dma_wait3A_204 : memref<1x128x128xf32, #tpu.memory_space<vmem>> -> memref<128x128xf32, #tpu.memory_space<vmem>>
      %dma_wait3A_206 = arith.constant 0 : i32
      %dma_wait3A_207 = tpu.memref_slice %arg6[%dma_wait3A_199, %dma_wait3A_200, %dma_wait3A_206] : memref<4x2x128xi32, #tpu.memory_space<vmem>> -> memref<1x1x128xi32, #tpu.memory_space<vmem>>
      %dma_wait3A_208 = tpu.memref_squeeze %dma_wait3A_207 : memref<1x1x128xi32, #tpu.memory_space<vmem>> -> memref<128xi32, #tpu.memory_space<vmem>>
      %dma_wait3A_209 = arith.constant 0 : i32
      %dma_wait3A_210 = arith.constant 0 : i32
      %dma_wait3A_211 = tpu.memref_slice %arg2[%dma_wait3A_209, %dma_wait3A_210] : memref<10000x128xf32, #tpu.memory_space<hbm>> -> memref<10000x128xf32, #tpu.memory_space<hbm>>
      tpu.wait_indirect_dma semaphore(%arg14 : memref<!tpu.dma_semaphore, #tpu.memory_space<semaphore_mem>>) src(%dma_wait3A_211 : memref<10000x128xf32, #tpu.memory_space<hbm>>) dst(%dma_wait3A_205 : memref<128x128xf32, #tpu.memory_space<vmem>>)
      %dma_start3A_212 = arith.constant 1 : i32
      %dma_start3A_213 = arith.constant 1 : i32
      %dma_start3A_214 = arith.constant 1 : i32
      %dma_start3A_215 = arith.constant 0 : i32
      %dma_start3A_216 = arith.constant 0 : i32
      %dma_start3A_217 = tpu.memref_slice %arg7[%dma_start3A_212, %dma_start3A_215, %dma_start3A_216] : memref<2x128x128xf32, #tpu.memory_space<vmem>> -> memref<1x128x128xf32, #tpu.memory_space<vmem>>
      %dma_start3A_218 = tpu.memref_squeeze %dma_start3A_217 : memref<1x128x128xf32, #tpu.memory_space<vmem>> -> memref<128x128xf32, #tpu.memory_space<vmem>>
      %dma_start3A_219 = arith.constant 0 : i32
      %dma_start3A_220 = tpu.memref_slice %arg6[%dma_start3A_213, %dma_start3A_214, %dma_start3A_219] : memref<4x2x128xi32, #tpu.memory_space<vmem>> -> memref<1x1x128xi32, #tpu.memory_space<vmem>>
      %dma_start3A_221 = tpu.memref_squeeze %dma_start3A_220 : memref<1x1x128xi32, #tpu.memory_space<vmem>> -> memref<128xi32, #tpu.memory_space<vmem>>
      %dma_start3A_222 = arith.constant 0 : i32
      %dma_start3A_223 = arith.constant 0 : i32
      %dma_start3A_224 = tpu.memref_slice %arg8[%dma_start3A_222, %dma_start3A_223] : memref<10112x128xf32, #tpu.memory_space<vmem_shared>> -> memref<10112x128xf32, #tpu.memory_space<vmem_shared>>
      tpu.enqueue_indirect_dma source(%dma_start3A_218 : memref<128x128xf32, #tpu.memory_space<vmem>>) target(%dma_start3A_224 : memref<10112x128xf32, #tpu.memory_space<vmem_shared>>) offsets(%dma_start3A_221 : memref<128xi32, #tpu.memory_space<vmem>>) semaphore(%arg16 : memref<!tpu.dma_semaphore, #tpu.memory_space<semaphore_mem>>) {add = true}
      %ge3A_225 = arith.constant 1 : i32
      %ge3A_226 = arith.cmpi sge, %add3A_198, %ge3A_225 : i32
      %convert_element_type3A_227 = arith.extui %ge3A_226 : i1 to i32
      %cond3A_228 = arith.constant 0 : i32
      %cond3A_229 = arith.cmpi ne, %convert_element_type3A_227, %cond3A_228 : i32
      scf.if %cond3A_229 {
        %dma_wait3A_300 = arith.constant 0 : i32
        %dma_wait3A_301 = arith.constant 0 : i32
        %dma_wait3A_302 = arith.constant 1 : i32
        %dma_wait3A_303 = arith.constant 0 : i32
        %dma_wait3A_304 = arith.constant 0 : i32
        %dma_wait3A_305 = tpu.memref_slice %arg7[%dma_wait3A_300, %dma_wait3A_303, %dma_wait3A_304] : memref<2x128x128xf32, #tpu.memory_space<vmem>> -> memref<1x128x128xf32, #tpu.memory_space<vmem>>
        %dma_wait3A_306 = tpu.memref_squeeze %dma_wait3A_305 : memref<1x128x128xf32, #tpu.memory_space<vmem>> -> memref<128x128xf32, #tpu.memory_space<vmem>>
        %dma_wait3A_307 = arith.constant 0 : i32
        %dma_wait3A_308 = tpu.memref_slice %arg6[%dma_wait3A_301, %dma_wait3A_302, %dma_wait3A_307] : memref<4x2x128xi32, #tpu.memory_space<vmem>> -> memref<1x1x128xi32, #tpu.memory_space<vmem>>
        %dma_wait3A_309 = tpu.memref_squeeze %dma_wait3A_308 : memref<1x1x128xi32, #tpu.memory_space<vmem>> -> memref<128xi32, #tpu.memory_space<vmem>>
        %dma_wait3A_310 = arith.constant 0 : i32
        %dma_wait3A_311 = arith.constant 0 : i32
        %dma_wait3A_312 = tpu.memref_slice %arg8[%dma_wait3A_310, %dma_wait3A_311] : memref<10112x128xf32, #tpu.memory_space<vmem_shared>> -> memref<10112x128xf32, #tpu.memory_space<vmem_shared>>
        tpu.wait_indirect_dma semaphore(%arg15 : memref<!tpu.dma_semaphore, #tpu.memory_space<semaphore_mem>>) src(%dma_wait3A_306 : memref<128x128xf32, #tpu.memory_space<vmem>>) dst(%dma_wait3A_312 : memref<10112x128xf32, #tpu.memory_space<vmem_shared>>)
        %add3A_313 = arith.constant 1 : i32
        %add3A_314 = arith.addi %add3A_198, %add3A_313 : i32
        %lt3A = arith.constant 80 : i32
        %lt3A_315 = arith.cmpi slt, %add3A_314, %lt3A : i32
        %convert_element_type3A_316 = arith.extui %lt3A_315 : i1 to i32
        %cond3A_317 = arith.constant 0 : i32
        %cond3A_318 = arith.cmpi ne, %convert_element_type3A_316, %cond3A_317 : i32
        scf.if %cond3A_318 {
          %add3A_326 = arith.constant 1 : i32
          %add3A_327 = arith.addi %add3A_198, %add3A_326 : i32
          %dma_wait3A_328 = arith.constant 2 : i32
          %dma_wait3A_329 = arith.constant 0 : i32
          %dma_wait3A_330 = arith.constant 0 : i32
          %dma_wait3A_331 = tpu.memref_slice %arg6[%dma_wait3A_328, %dma_wait3A_329, %dma_wait3A_330] : memref<4x2x128xi32, #tpu.memory_space<vmem>> -> memref<1x2x128xi32, #tpu.memory_space<vmem>>
          %dma_wait3A_332 = tpu.memref_squeeze %dma_wait3A_331 : memref<1x2x128xi32, #tpu.memory_space<vmem>> -> memref<2x128xi32, #tpu.memory_space<vmem>>
          %dma_wait3A_333 = arith.constant 0 : i32
          %dma_wait3A_334 = arith.constant 0 : i32
          %dma_wait3A_335 = tpu.memref_slice %arg3[%add3A, %add3A_327, %dma_wait3A_333, %dma_wait3A_334] : memref<32x80x2x128xi32, #tpu.memory_space<hbm>> -> memref<1x1x2x128xi32, #tpu.memory_space<hbm>>
          %dma_wait3A_336 = tpu.memref_squeeze %dma_wait3A_335 : memref<1x1x2x128xi32, #tpu.memory_space<hbm>> -> memref<2x128xi32, #tpu.memory_space<hbm>>
          %dma_wait3A_337 = arith.constant 0 : i32
          %dma_wait3A_338 = arith.constant 0 : i32
          %dma_wait3A_339 = tpu.memref_slice %arg6[%dma_wait3A_328, %dma_wait3A_337, %dma_wait3A_338] : memref<4x2x128xi32, #tpu.memory_space<vmem>> -> memref<1x2x128xi32, #tpu.memory_space<vmem>>
          %dma_wait3A_340 = tpu.memref_squeeze %dma_wait3A_339 : memref<1x2x128xi32, #tpu.memory_space<vmem>> -> memref<2x128xi32, #tpu.memory_space<vmem>>
          %dma_wait3A_341 = arith.constant 0 : i32
          %dma_wait3A_342 = arith.constant 0 : i32
          %dma_wait3A_343 = tpu.memref_slice %arg3[%add3A, %add3A_327, %dma_wait3A_341, %dma_wait3A_342] : memref<32x80x2x128xi32, #tpu.memory_space<hbm>> -> memref<1x1x2x128xi32, #tpu.memory_space<hbm>>
          %dma_wait3A_344 = tpu.memref_squeeze %dma_wait3A_343 : memref<1x1x2x128xi32, #tpu.memory_space<hbm>> -> memref<2x128xi32, #tpu.memory_space<hbm>>
          tpu.wait_dma2 semaphore(%arg11 : memref<!tpu.dma_semaphore, #tpu.memory_space<semaphore_mem>>) src(%dma_wait3A_344 : memref<2x128xi32, #tpu.memory_space<hbm>>) dst(%dma_wait3A_340 : memref<2x128xi32, #tpu.memory_space<vmem>>)
          %dma_start3A_345 = arith.constant 2 : i32
          %dma_start3A_346 = arith.constant 0 : i32
          %dma_start3A_347 = arith.constant 0 : i32
          %dma_start3A_348 = arith.constant 0 : i32
          %dma_start3A_349 = arith.constant 0 : i32
          %dma_start3A_350 = tpu.memref_slice %arg7[%dma_start3A_347, %dma_start3A_348, %dma_start3A_349] : memref<2x128x128xf32, #tpu.memory_space<vmem>> -> memref<1x128x128xf32, #tpu.memory_space<vmem>>
          %dma_start3A_351 = tpu.memref_squeeze %dma_start3A_350 : memref<1x128x128xf32, #tpu.memory_space<vmem>> -> memref<128x128xf32, #tpu.memory_space<vmem>>
          %dma_start3A_352 = arith.constant 0 : i32
          %dma_start3A_353 = tpu.memref_slice %arg6[%dma_start3A_345, %dma_start3A_346, %dma_start3A_352] : memref<4x2x128xi32, #tpu.memory_space<vmem>> -> memref<1x1x128xi32, #tpu.memory_space<vmem>>
          %dma_start3A_354 = tpu.memref_squeeze %dma_start3A_353 : memref<1x1x128xi32, #tpu.memory_space<vmem>> -> memref<128xi32, #tpu.memory_space<vmem>>
          %dma_start3A_355 = arith.constant 0 : i32
          %dma_start3A_356 = arith.constant 0 : i32
          %dma_start3A_357 = tpu.memref_slice %arg2[%dma_start3A_355, %dma_start3A_356] : memref<10000x128xf32, #tpu.memory_space<hbm>> -> memref<10000x128xf32, #tpu.memory_space<hbm>>
          tpu.enqueue_indirect_dma source(%dma_start3A_357 : memref<10000x128xf32, #tpu.memory_space<hbm>>) target(%dma_start3A_351 : memref<128x128xf32, #tpu.memory_space<vmem>>) offsets(%dma_start3A_354 : memref<128xi32, #tpu.memory_space<vmem>>) semaphore(%arg13 : memref<!tpu.dma_semaphore, #tpu.memory_space<semaphore_mem>>)
        } else {
        }
        %add3A_319 = arith.constant 3 : i32
        %add3A_320 = arith.addi %add3A_198, %add3A_319 : i32
        %lt3A_321 = arith.constant 80 : i32
        %lt3A_322 = arith.cmpi slt, %add3A_320, %lt3A_321 : i32
        %convert_element_type3A_323 = arith.extui %lt3A_322 : i1 to i32
        %cond3A_324 = arith.constant 0 : i32
        %cond3A_325 = arith.cmpi ne, %convert_element_type3A_323, %cond3A_324 : i32
        scf.if %cond3A_325 {
          %add3A_326 = arith.constant 3 : i32
          %add3A_327 = arith.addi %add3A_198, %add3A_326 : i32
          %dma_start3A_328 = arith.constant 0 : i32
          %dma_start3A_329 = arith.constant 0 : i32
          %dma_start3A_330 = arith.constant 0 : i32
          %dma_start3A_331 = tpu.memref_slice %arg6[%dma_start3A_328, %dma_start3A_329, %dma_start3A_330] : memref<4x2x128xi32, #tpu.memory_space<vmem>> -> memref<1x2x128xi32, #tpu.memory_space<vmem>>
          %dma_start3A_332 = tpu.memref_squeeze %dma_start3A_331 : memref<1x2x128xi32, #tpu.memory_space<vmem>> -> memref<2x128xi32, #tpu.memory_space<vmem>>
          %dma_start3A_333 = arith.constant 0 : i32
          %dma_start3A_334 = arith.constant 0 : i32
          %dma_start3A_335 = tpu.memref_slice %arg3[%add3A, %add3A_327, %dma_start3A_333, %dma_start3A_334] : memref<32x80x2x128xi32, #tpu.memory_space<hbm>> -> memref<1x1x2x128xi32, #tpu.memory_space<hbm>>
          %dma_start3A_336 = tpu.memref_squeeze %dma_start3A_335 : memref<1x1x2x128xi32, #tpu.memory_space<hbm>> -> memref<2x128xi32, #tpu.memory_space<hbm>>
          %dma_start3A_337 = arith.constant 0 : i32
          %dma_start3A_338 = arith.constant 0 : i32
          %dma_start3A_339 = tpu.memref_slice %arg6[%dma_start3A_328, %dma_start3A_337, %dma_start3A_338] : memref<4x2x128xi32, #tpu.memory_space<vmem>> -> memref<1x2x128xi32, #tpu.memory_space<vmem>>
          %dma_start3A_340 = tpu.memref_squeeze %dma_start3A_339 : memref<1x2x128xi32, #tpu.memory_space<vmem>> -> memref<2x128xi32, #tpu.memory_space<vmem>>
          %dma_start3A_341 = arith.constant 0 : i32
          %dma_start3A_342 = arith.constant 0 : i32
          %dma_start3A_343 = tpu.memref_slice %arg3[%add3A, %add3A_327, %dma_start3A_341, %dma_start3A_342] : memref<32x80x2x128xi32, #tpu.memory_space<hbm>> -> memref<1x1x2x128xi32, #tpu.memory_space<hbm>>
          %dma_start3A_344 = tpu.memref_squeeze %dma_start3A_343 : memref<1x1x2x128xi32, #tpu.memory_space<hbm>> -> memref<2x128xi32, #tpu.memory_space<hbm>>
          tpu.enqueue_dma source(%dma_start3A_344 : memref<2x128xi32, #tpu.memory_space<hbm>>) target(%dma_start3A_340 : memref<2x128xi32, #tpu.memory_space<vmem>>) target_semaphore(%arg9 : memref<!tpu.dma_semaphore, #tpu.memory_space<semaphore_mem>>)
        } else {
        }
      } else {
      }
      %mul3A_230 = arith.constant 4 : i32
      %mul3A_231 = arith.muli %scan3A_162, %mul3A_230 : i32
      %add3A_232 = arith.constant 2 : i32
      %add3A_233 = arith.addi %mul3A_231, %add3A_232 : i32
      %dma_wait3A_234 = arith.constant 2 : i32
      %dma_wait3A_235 = arith.constant 0 : i32
      %dma_wait3A_236 = arith.constant 0 : i32
      %dma_wait3A_237 = arith.constant 0 : i32
      %dma_wait3A_238 = arith.constant 0 : i32
      %dma_wait3A_239 = tpu.memref_slice %arg7[%dma_wait3A_236, %dma_wait3A_237, %dma_wait3A_238] : memref<2x128x128xf32, #tpu.memory_space<vmem>> -> memref<1x128x128xf32, #tpu.memory_space<vmem>>
      %dma_wait3A_240 = tpu.memref_squeeze %dma_wait3A_239 : memref<1x128x128xf32, #tpu.memory_space<vmem>> -> memref<128x128xf32, #tpu.memory_space<vmem>>
      %dma_wait3A_241 = arith.constant 0 : i32
      %dma_wait3A_242 = tpu.memref_slice %arg6[%dma_wait3A_234, %dma_wait3A_235, %dma_wait3A_241] : memref<4x2x128xi32, #tpu.memory_space<vmem>> -> memref<1x1x128xi32, #tpu.memory_space<vmem>>
      %dma_wait3A_243 = tpu.memref_squeeze %dma_wait3A_242 : memref<1x1x128xi32, #tpu.memory_space<vmem>> -> memref<128xi32, #tpu.memory_space<vmem>>
      %dma_wait3A_244 = arith.constant 0 : i32
      %dma_wait3A_245 = arith.constant 0 : i32
      %dma_wait3A_246 = tpu.memref_slice %arg2[%dma_wait3A_244, %dma_wait3A_245] : memref<10000x128xf32, #tpu.memory_space<hbm>> -> memref<10000x128xf32, #tpu.memory_space<hbm>>
      tpu.wait_indirect_dma semaphore(%arg13 : memref<!tpu.dma_semaphore, #tpu.memory_space<semaphore_mem>>) src(%dma_wait3A_246 : memref<10000x128xf32, #tpu.memory_space<hbm>>) dst(%dma_wait3A_240 : memref<128x128xf32, #tpu.memory_space<vmem>>)
      %dma_start3A_247 = arith.constant 0 : i32
      %dma_start3A_248 = arith.constant 2 : i32
      %dma_start3A_249 = arith.constant 1 : i32
      %dma_start3A_250 = arith.constant 0 : i32
      %dma_start3A_251 = arith.constant 0 : i32
      %dma_start3A_252 = tpu.memref_slice %arg7[%dma_start3A_247, %dma_start3A_250, %dma_start3A_251] : memref<2x128x128xf32, #tpu.memory_space<vmem>> -> memref<1x128x128xf32, #tpu.memory_space<vmem>>
      %dma_start3A_253 = tpu.memref_squeeze %dma_start3A_252 : memref<1x128x128xf32, #tpu.memory_space<vmem>> -> memref<128x128xf32, #tpu.memory_space<vmem>>
      %dma_start3A_254 = arith.constant 0 : i32
      %dma_start3A_255 = tpu.memref_slice %arg6[%dma_start3A_248, %dma_start3A_249, %dma_start3A_254] : memref<4x2x128xi32, #tpu.memory_space<vmem>> -> memref<1x1x128xi32, #tpu.memory_space<vmem>>
      %dma_start3A_256 = tpu.memref_squeeze %dma_start3A_255 : memref<1x1x128xi32, #tpu.memory_space<vmem>> -> memref<128xi32, #tpu.memory_space<vmem>>
      %dma_start3A_257 = arith.constant 0 : i32
      %dma_start3A_258 = arith.constant 0 : i32
      %dma_start3A_259 = tpu.memref_slice %arg8[%dma_start3A_257, %dma_start3A_258] : memref<10112x128xf32, #tpu.memory_space<vmem_shared>> -> memref<10112x128xf32, #tpu.memory_space<vmem_shared>>
      tpu.enqueue_indirect_dma source(%dma_start3A_253 : memref<128x128xf32, #tpu.memory_space<vmem>>) target(%dma_start3A_259 : memref<10112x128xf32, #tpu.memory_space<vmem_shared>>) offsets(%dma_start3A_256 : memref<128xi32, #tpu.memory_space<vmem>>) semaphore(%arg15 : memref<!tpu.dma_semaphore, #tpu.memory_space<semaphore_mem>>) {add = true}
      %ge3A_260 = arith.constant 1 : i32
      %ge3A_261 = arith.cmpi sge, %add3A_233, %ge3A_260 : i32
      %convert_element_type3A_262 = arith.extui %ge3A_261 : i1 to i32
      %cond3A_263 = arith.constant 0 : i32
      %cond3A_264 = arith.cmpi ne, %convert_element_type3A_262, %cond3A_263 : i32
      scf.if %cond3A_264 {
        %dma_wait3A_300 = arith.constant 1 : i32
        %dma_wait3A_301 = arith.constant 1 : i32
        %dma_wait3A_302 = arith.constant 1 : i32
        %dma_wait3A_303 = arith.constant 0 : i32
        %dma_wait3A_304 = arith.constant 0 : i32
        %dma_wait3A_305 = tpu.memref_slice %arg7[%dma_wait3A_300, %dma_wait3A_303, %dma_wait3A_304] : memref<2x128x128xf32, #tpu.memory_space<vmem>> -> memref<1x128x128xf32, #tpu.memory_space<vmem>>
        %dma_wait3A_306 = tpu.memref_squeeze %dma_wait3A_305 : memref<1x128x128xf32, #tpu.memory_space<vmem>> -> memref<128x128xf32, #tpu.memory_space<vmem>>
        %dma_wait3A_307 = arith.constant 0 : i32
        %dma_wait3A_308 = tpu.memref_slice %arg6[%dma_wait3A_301, %dma_wait3A_302, %dma_wait3A_307] : memref<4x2x128xi32, #tpu.memory_space<vmem>> -> memref<1x1x128xi32, #tpu.memory_space<vmem>>
        %dma_wait3A_309 = tpu.memref_squeeze %dma_wait3A_308 : memref<1x1x128xi32, #tpu.memory_space<vmem>> -> memref<128xi32, #tpu.memory_space<vmem>>
        %dma_wait3A_310 = arith.constant 0 : i32
        %dma_wait3A_311 = arith.constant 0 : i32
        %dma_wait3A_312 = tpu.memref_slice %arg8[%dma_wait3A_310, %dma_wait3A_311] : memref<10112x128xf32, #tpu.memory_space<vmem_shared>> -> memref<10112x128xf32, #tpu.memory_space<vmem_shared>>
        tpu.wait_indirect_dma semaphore(%arg16 : memref<!tpu.dma_semaphore, #tpu.memory_space<semaphore_mem>>) src(%dma_wait3A_306 : memref<128x128xf32, #tpu.memory_space<vmem>>) dst(%dma_wait3A_312 : memref<10112x128xf32, #tpu.memory_space<vmem_shared>>)
        %add3A_313 = arith.constant 1 : i32
        %add3A_314 = arith.addi %add3A_233, %add3A_313 : i32
        %lt3A = arith.constant 80 : i32
        %lt3A_315 = arith.cmpi slt, %add3A_314, %lt3A : i32
        %convert_element_type3A_316 = arith.extui %lt3A_315 : i1 to i32
        %cond3A_317 = arith.constant 0 : i32
        %cond3A_318 = arith.cmpi ne, %convert_element_type3A_316, %cond3A_317 : i32
        scf.if %cond3A_318 {
          %add3A_326 = arith.constant 1 : i32
          %add3A_327 = arith.addi %add3A_233, %add3A_326 : i32
          %dma_wait3A_328 = arith.constant 3 : i32
          %dma_wait3A_329 = arith.constant 0 : i32
          %dma_wait3A_330 = arith.constant 0 : i32
          %dma_wait3A_331 = tpu.memref_slice %arg6[%dma_wait3A_328, %dma_wait3A_329, %dma_wait3A_330] : memref<4x2x128xi32, #tpu.memory_space<vmem>> -> memref<1x2x128xi32, #tpu.memory_space<vmem>>
          %dma_wait3A_332 = tpu.memref_squeeze %dma_wait3A_331 : memref<1x2x128xi32, #tpu.memory_space<vmem>> -> memref<2x128xi32, #tpu.memory_space<vmem>>
          %dma_wait3A_333 = arith.constant 0 : i32
          %dma_wait3A_334 = arith.constant 0 : i32
          %dma_wait3A_335 = tpu.memref_slice %arg3[%add3A, %add3A_327, %dma_wait3A_333, %dma_wait3A_334] : memref<32x80x2x128xi32, #tpu.memory_space<hbm>> -> memref<1x1x2x128xi32, #tpu.memory_space<hbm>>
          %dma_wait3A_336 = tpu.memref_squeeze %dma_wait3A_335 : memref<1x1x2x128xi32, #tpu.memory_space<hbm>> -> memref<2x128xi32, #tpu.memory_space<hbm>>
          %dma_wait3A_337 = arith.constant 0 : i32
          %dma_wait3A_338 = arith.constant 0 : i32
          %dma_wait3A_339 = tpu.memref_slice %arg6[%dma_wait3A_328, %dma_wait3A_337, %dma_wait3A_338] : memref<4x2x128xi32, #tpu.memory_space<vmem>> -> memref<1x2x128xi32, #tpu.memory_space<vmem>>
          %dma_wait3A_340 = tpu.memref_squeeze %dma_wait3A_339 : memref<1x2x128xi32, #tpu.memory_space<vmem>> -> memref<2x128xi32, #tpu.memory_space<vmem>>
          %dma_wait3A_341 = arith.constant 0 : i32
          %dma_wait3A_342 = arith.constant 0 : i32
          %dma_wait3A_343 = tpu.memref_slice %arg3[%add3A, %add3A_327, %dma_wait3A_341, %dma_wait3A_342] : memref<32x80x2x128xi32, #tpu.memory_space<hbm>> -> memref<1x1x2x128xi32, #tpu.memory_space<hbm>>
          %dma_wait3A_344 = tpu.memref_squeeze %dma_wait3A_343 : memref<1x1x2x128xi32, #tpu.memory_space<hbm>> -> memref<2x128xi32, #tpu.memory_space<hbm>>
          tpu.wait_dma2 semaphore(%arg12 : memref<!tpu.dma_semaphore, #tpu.memory_space<semaphore_mem>>) src(%dma_wait3A_344 : memref<2x128xi32, #tpu.memory_space<hbm>>) dst(%dma_wait3A_340 : memref<2x128xi32, #tpu.memory_space<vmem>>)
          %dma_start3A_345 = arith.constant 3 : i32
          %dma_start3A_346 = arith.constant 0 : i32
          %dma_start3A_347 = arith.constant 1 : i32
          %dma_start3A_348 = arith.constant 0 : i32
          %dma_start3A_349 = arith.constant 0 : i32
          %dma_start3A_350 = tpu.memref_slice %arg7[%dma_start3A_347, %dma_start3A_348, %dma_start3A_349] : memref<2x128x128xf32, #tpu.memory_space<vmem>> -> memref<1x128x128xf32, #tpu.memory_space<vmem>>
          %dma_start3A_351 = tpu.memref_squeeze %dma_start3A_350 : memref<1x128x128xf32, #tpu.memory_space<vmem>> -> memref<128x128xf32, #tpu.memory_space<vmem>>
          %dma_start3A_352 = arith.constant 0 : i32
          %dma_start3A_353 = tpu.memref_slice %arg6[%dma_start3A_345, %dma_start3A_346, %dma_start3A_352] : memref<4x2x128xi32, #tpu.memory_space<vmem>> -> memref<1x1x128xi32, #tpu.memory_space<vmem>>
          %dma_start3A_354 = tpu.memref_squeeze %dma_start3A_353 : memref<1x1x128xi32, #tpu.memory_space<vmem>> -> memref<128xi32, #tpu.memory_space<vmem>>
          %dma_start3A_355 = arith.constant 0 : i32
          %dma_start3A_356 = arith.constant 0 : i32
          %dma_start3A_357 = tpu.memref_slice %arg2[%dma_start3A_355, %dma_start3A_356] : memref<10000x128xf32, #tpu.memory_space<hbm>> -> memref<10000x128xf32, #tpu.memory_space<hbm>>
          tpu.enqueue_indirect_dma source(%dma_start3A_357 : memref<10000x128xf32, #tpu.memory_space<hbm>>) target(%dma_start3A_351 : memref<128x128xf32, #tpu.memory_space<vmem>>) offsets(%dma_start3A_354 : memref<128xi32, #tpu.memory_space<vmem>>) semaphore(%arg14 : memref<!tpu.dma_semaphore, #tpu.memory_space<semaphore_mem>>)
        } else {
        }
        %add3A_319 = arith.constant 3 : i32
        %add3A_320 = arith.addi %add3A_233, %add3A_319 : i32
        %lt3A_321 = arith.constant 80 : i32
        %lt3A_322 = arith.cmpi slt, %add3A_320, %lt3A_321 : i32
        %convert_element_type3A_323 = arith.extui %lt3A_322 : i1 to i32
        %cond3A_324 = arith.constant 0 : i32
        %cond3A_325 = arith.cmpi ne, %convert_element_type3A_323, %cond3A_324 : i32
        scf.if %cond3A_325 {
          %add3A_326 = arith.constant 3 : i32
          %add3A_327 = arith.addi %add3A_233, %add3A_326 : i32
          %dma_start3A_328 = arith.constant 1 : i32
          %dma_start3A_329 = arith.constant 0 : i32
          %dma_start3A_330 = arith.constant 0 : i32
          %dma_start3A_331 = tpu.memref_slice %arg6[%dma_start3A_328, %dma_start3A_329, %dma_start3A_330] : memref<4x2x128xi32, #tpu.memory_space<vmem>> -> memref<1x2x128xi32, #tpu.memory_space<vmem>>
          %dma_start3A_332 = tpu.memref_squeeze %dma_start3A_331 : memref<1x2x128xi32, #tpu.memory_space<vmem>> -> memref<2x128xi32, #tpu.memory_space<vmem>>
          %dma_start3A_333 = arith.constant 0 : i32
          %dma_start3A_334 = arith.constant 0 : i32
          %dma_start3A_335 = tpu.memref_slice %arg3[%add3A, %add3A_327, %dma_start3A_333, %dma_start3A_334] : memref<32x80x2x128xi32, #tpu.memory_space<hbm>> -> memref<1x1x2x128xi32, #tpu.memory_space<hbm>>
          %dma_start3A_336 = tpu.memref_squeeze %dma_start3A_335 : memref<1x1x2x128xi32, #tpu.memory_space<hbm>> -> memref<2x128xi32, #tpu.memory_space<hbm>>
          %dma_start3A_337 = arith.constant 0 : i32
          %dma_start3A_338 = arith.constant 0 : i32
          %dma_start3A_339 = tpu.memref_slice %arg6[%dma_start3A_328, %dma_start3A_337, %dma_start3A_338] : memref<4x2x128xi32, #tpu.memory_space<vmem>> -> memref<1x2x128xi32, #tpu.memory_space<vmem>>
          %dma_start3A_340 = tpu.memref_squeeze %dma_start3A_339 : memref<1x2x128xi32, #tpu.memory_space<vmem>> -> memref<2x128xi32, #tpu.memory_space<vmem>>
          %dma_start3A_341 = arith.constant 0 : i32
          %dma_start3A_342 = arith.constant 0 : i32
          %dma_start3A_343 = tpu.memref_slice %arg3[%add3A, %add3A_327, %dma_start3A_341, %dma_start3A_342] : memref<32x80x2x128xi32, #tpu.memory_space<hbm>> -> memref<1x1x2x128xi32, #tpu.memory_space<hbm>>
          %dma_start3A_344 = tpu.memref_squeeze %dma_start3A_343 : memref<1x1x2x128xi32, #tpu.memory_space<hbm>> -> memref<2x128xi32, #tpu.memory_space<hbm>>
          tpu.enqueue_dma source(%dma_start3A_344 : memref<2x128xi32, #tpu.memory_space<hbm>>) target(%dma_start3A_340 : memref<2x128xi32, #tpu.memory_space<vmem>>) target_semaphore(%arg10 : memref<!tpu.dma_semaphore, #tpu.memory_space<semaphore_mem>>)
        } else {
        }
      } else {
      }
      %mul3A_265 = arith.constant 4 : i32
      %mul3A_266 = arith.muli %scan3A_162, %mul3A_265 : i32
      %add3A_267 = arith.constant 3 : i32
      %add3A_268 = arith.addi %mul3A_266, %add3A_267 : i32
      %dma_wait3A_269 = arith.constant 3 : i32
      %dma_wait3A_270 = arith.constant 0 : i32
      %dma_wait3A_271 = arith.constant 1 : i32
      %dma_wait3A_272 = arith.constant 0 : i32
      %dma_wait3A_273 = arith.constant 0 : i32
      %dma_wait3A_274 = tpu.memref_slice %arg7[%dma_wait3A_271, %dma_wait3A_272, %dma_wait3A_273] : memref<2x128x128xf32, #tpu.memory_space<vmem>> -> memref<1x128x128xf32, #tpu.memory_space<vmem>>
      %dma_wait3A_275 = tpu.memref_squeeze %dma_wait3A_274 : memref<1x128x128xf32, #tpu.memory_space<vmem>> -> memref<128x128xf32, #tpu.memory_space<vmem>>
      %dma_wait3A_276 = arith.constant 0 : i32
      %dma_wait3A_277 = tpu.memref_slice %arg6[%dma_wait3A_269, %dma_wait3A_270, %dma_wait3A_276] : memref<4x2x128xi32, #tpu.memory_space<vmem>> -> memref<1x1x128xi32, #tpu.memory_space<vmem>>
      %dma_wait3A_278 = tpu.memref_squeeze %dma_wait3A_277 : memref<1x1x128xi32, #tpu.memory_space<vmem>> -> memref<128xi32, #tpu.memory_space<vmem>>
      %dma_wait3A_279 = arith.constant 0 : i32
      %dma_wait3A_280 = arith.constant 0 : i32
      %dma_wait3A_281 = tpu.memref_slice %arg2[%dma_wait3A_279, %dma_wait3A_280] : memref<10000x128xf32, #tpu.memory_space<hbm>> -> memref<10000x128xf32, #tpu.memory_space<hbm>>
      tpu.wait_indirect_dma semaphore(%arg14 : memref<!tpu.dma_semaphore, #tpu.memory_space<semaphore_mem>>) src(%dma_wait3A_281 : memref<10000x128xf32, #tpu.memory_space<hbm>>) dst(%dma_wait3A_275 : memref<128x128xf32, #tpu.memory_space<vmem>>)
      %dma_start3A_282 = arith.constant 1 : i32
      %dma_start3A_283 = arith.constant 3 : i32
      %dma_start3A_284 = arith.constant 1 : i32
      %dma_start3A_285 = arith.constant 0 : i32
      %dma_start3A_286 = arith.constant 0 : i32
      %dma_start3A_287 = tpu.memref_slice %arg7[%dma_start3A_282, %dma_start3A_285, %dma_start3A_286] : memref<2x128x128xf32, #tpu.memory_space<vmem>> -> memref<1x128x128xf32, #tpu.memory_space<vmem>>
      %dma_start3A_288 = tpu.memref_squeeze %dma_start3A_287 : memref<1x128x128xf32, #tpu.memory_space<vmem>> -> memref<128x128xf32, #tpu.memory_space<vmem>>
      %dma_start3A_289 = arith.constant 0 : i32
      %dma_start3A_290 = tpu.memref_slice %arg6[%dma_start3A_283, %dma_start3A_284, %dma_start3A_289] : memref<4x2x128xi32, #tpu.memory_space<vmem>> -> memref<1x1x128xi32, #tpu.memory_space<vmem>>
      %dma_start3A_291 = tpu.memref_squeeze %dma_start3A_290 : memref<1x1x128xi32, #tpu.memory_space<vmem>> -> memref<128xi32, #tpu.memory_space<vmem>>
      %dma_start3A_292 = arith.constant 0 : i32
      %dma_start3A_293 = arith.constant 0 : i32
      %dma_start3A_294 = tpu.memref_slice %arg8[%dma_start3A_292, %dma_start3A_293] : memref<10112x128xf32, #tpu.memory_space<vmem_shared>> -> memref<10112x128xf32, #tpu.memory_space<vmem_shared>>
      tpu.enqueue_indirect_dma source(%dma_start3A_288 : memref<128x128xf32, #tpu.memory_space<vmem>>) target(%dma_start3A_294 : memref<10112x128xf32, #tpu.memory_space<vmem_shared>>) offsets(%dma_start3A_291 : memref<128xi32, #tpu.memory_space<vmem>>) semaphore(%arg16 : memref<!tpu.dma_semaphore, #tpu.memory_space<semaphore_mem>>) {add = true}
      %ge3A_295 = arith.constant 1 : i32
      %ge3A_296 = arith.cmpi sge, %add3A_268, %ge3A_295 : i32
      %convert_element_type3A_297 = arith.extui %ge3A_296 : i1 to i32
      %cond3A_298 = arith.constant 0 : i32
      %cond3A_299 = arith.cmpi ne, %convert_element_type3A_297, %cond3A_298 : i32
      scf.if %cond3A_299 {
        %dma_wait3A_300 = arith.constant 0 : i32
        %dma_wait3A_301 = arith.constant 2 : i32
        %dma_wait3A_302 = arith.constant 1 : i32
        %dma_wait3A_303 = arith.constant 0 : i32
        %dma_wait3A_304 = arith.constant 0 : i32
        %dma_wait3A_305 = tpu.memref_slice %arg7[%dma_wait3A_300, %dma_wait3A_303, %dma_wait3A_304] : memref<2x128x128xf32, #tpu.memory_space<vmem>> -> memref<1x128x128xf32, #tpu.memory_space<vmem>>
        %dma_wait3A_306 = tpu.memref_squeeze %dma_wait3A_305 : memref<1x128x128xf32, #tpu.memory_space<vmem>> -> memref<128x128xf32, #tpu.memory_space<vmem>>
        %dma_wait3A_307 = arith.constant 0 : i32
        %dma_wait3A_308 = tpu.memref_slice %arg6[%dma_wait3A_301, %dma_wait3A_302, %dma_wait3A_307] : memref<4x2x128xi32, #tpu.memory_space<vmem>> -> memref<1x1x128xi32, #tpu.memory_space<vmem>>
        %dma_wait3A_309 = tpu.memref_squeeze %dma_wait3A_308 : memref<1x1x128xi32, #tpu.memory_space<vmem>> -> memref<128xi32, #tpu.memory_space<vmem>>
        %dma_wait3A_310 = arith.constant 0 : i32
        %dma_wait3A_311 = arith.constant 0 : i32
        %dma_wait3A_312 = tpu.memref_slice %arg8[%dma_wait3A_310, %dma_wait3A_311] : memref<10112x128xf32, #tpu.memory_space<vmem_shared>> -> memref<10112x128xf32, #tpu.memory_space<vmem_shared>>
        tpu.wait_indirect_dma semaphore(%arg15 : memref<!tpu.dma_semaphore, #tpu.memory_space<semaphore_mem>>) src(%dma_wait3A_306 : memref<128x128xf32, #tpu.memory_space<vmem>>) dst(%dma_wait3A_312 : memref<10112x128xf32, #tpu.memory_space<vmem_shared>>)
        %add3A_313 = arith.constant 1 : i32
        %add3A_314 = arith.addi %add3A_268, %add3A_313 : i32
        %lt3A = arith.constant 80 : i32
        %lt3A_315 = arith.cmpi slt, %add3A_314, %lt3A : i32
        %convert_element_type3A_316 = arith.extui %lt3A_315 : i1 to i32
        %cond3A_317 = arith.constant 0 : i32
        %cond3A_318 = arith.cmpi ne, %convert_element_type3A_316, %cond3A_317 : i32
        scf.if %cond3A_318 {
          %add3A_326 = arith.constant 1 : i32
          %add3A_327 = arith.addi %add3A_268, %add3A_326 : i32
          %dma_wait3A_328 = arith.constant 0 : i32
          %dma_wait3A_329 = arith.constant 0 : i32
          %dma_wait3A_330 = arith.constant 0 : i32
          %dma_wait3A_331 = tpu.memref_slice %arg6[%dma_wait3A_328, %dma_wait3A_329, %dma_wait3A_330] : memref<4x2x128xi32, #tpu.memory_space<vmem>> -> memref<1x2x128xi32, #tpu.memory_space<vmem>>
          %dma_wait3A_332 = tpu.memref_squeeze %dma_wait3A_331 : memref<1x2x128xi32, #tpu.memory_space<vmem>> -> memref<2x128xi32, #tpu.memory_space<vmem>>
          %dma_wait3A_333 = arith.constant 0 : i32
          %dma_wait3A_334 = arith.constant 0 : i32
          %dma_wait3A_335 = tpu.memref_slice %arg3[%add3A, %add3A_327, %dma_wait3A_333, %dma_wait3A_334] : memref<32x80x2x128xi32, #tpu.memory_space<hbm>> -> memref<1x1x2x128xi32, #tpu.memory_space<hbm>>
          %dma_wait3A_336 = tpu.memref_squeeze %dma_wait3A_335 : memref<1x1x2x128xi32, #tpu.memory_space<hbm>> -> memref<2x128xi32, #tpu.memory_space<hbm>>
          %dma_wait3A_337 = arith.constant 0 : i32
          %dma_wait3A_338 = arith.constant 0 : i32
          %dma_wait3A_339 = tpu.memref_slice %arg6[%dma_wait3A_328, %dma_wait3A_337, %dma_wait3A_338] : memref<4x2x128xi32, #tpu.memory_space<vmem>> -> memref<1x2x128xi32, #tpu.memory_space<vmem>>
          %dma_wait3A_340 = tpu.memref_squeeze %dma_wait3A_339 : memref<1x2x128xi32, #tpu.memory_space<vmem>> -> memref<2x128xi32, #tpu.memory_space<vmem>>
          %dma_wait3A_341 = arith.constant 0 : i32
          %dma_wait3A_342 = arith.constant 0 : i32
          %dma_wait3A_343 = tpu.memref_slice %arg3[%add3A, %add3A_327, %dma_wait3A_341, %dma_wait3A_342] : memref<32x80x2x128xi32, #tpu.memory_space<hbm>> -> memref<1x1x2x128xi32, #tpu.memory_space<hbm>>
          %dma_wait3A_344 = tpu.memref_squeeze %dma_wait3A_343 : memref<1x1x2x128xi32, #tpu.memory_space<hbm>> -> memref<2x128xi32, #tpu.memory_space<hbm>>
          tpu.wait_dma2 semaphore(%arg9 : memref<!tpu.dma_semaphore, #tpu.memory_space<semaphore_mem>>) src(%dma_wait3A_344 : memref<2x128xi32, #tpu.memory_space<hbm>>) dst(%dma_wait3A_340 : memref<2x128xi32, #tpu.memory_space<vmem>>)
          %dma_start3A_345 = arith.constant 0 : i32
          %dma_start3A_346 = arith.constant 0 : i32
          %dma_start3A_347 = arith.constant 0 : i32
          %dma_start3A_348 = arith.constant 0 : i32
          %dma_start3A_349 = arith.constant 0 : i32
          %dma_start3A_350 = tpu.memref_slice %arg7[%dma_start3A_347, %dma_start3A_348, %dma_start3A_349] : memref<2x128x128xf32, #tpu.memory_space<vmem>> -> memref<1x128x128xf32, #tpu.memory_space<vmem>>
          %dma_start3A_351 = tpu.memref_squeeze %dma_start3A_350 : memref<1x128x128xf32, #tpu.memory_space<vmem>> -> memref<128x128xf32, #tpu.memory_space<vmem>>
          %dma_start3A_352 = arith.constant 0 : i32
          %dma_start3A_353 = tpu.memref_slice %arg6[%dma_start3A_345, %dma_start3A_346, %dma_start3A_352] : memref<4x2x128xi32, #tpu.memory_space<vmem>> -> memref<1x1x128xi32, #tpu.memory_space<vmem>>
          %dma_start3A_354 = tpu.memref_squeeze %dma_start3A_353 : memref<1x1x128xi32, #tpu.memory_space<vmem>> -> memref<128xi32, #tpu.memory_space<vmem>>
          %dma_start3A_355 = arith.constant 0 : i32
          %dma_start3A_356 = arith.constant 0 : i32
          %dma_start3A_357 = tpu.memref_slice %arg2[%dma_start3A_355, %dma_start3A_356] : memref<10000x128xf32, #tpu.memory_space<hbm>> -> memref<10000x128xf32, #tpu.memory_space<hbm>>
          tpu.enqueue_indirect_dma source(%dma_start3A_357 : memref<10000x128xf32, #tpu.memory_space<hbm>>) target(%dma_start3A_351 : memref<128x128xf32, #tpu.memory_space<vmem>>) offsets(%dma_start3A_354 : memref<128xi32, #tpu.memory_space<vmem>>) semaphore(%arg13 : memref<!tpu.dma_semaphore, #tpu.memory_space<semaphore_mem>>)
        } else {
        }
        %add3A_319 = arith.constant 3 : i32
        %add3A_320 = arith.addi %add3A_268, %add3A_319 : i32
        %lt3A_321 = arith.constant 80 : i32
        %lt3A_322 = arith.cmpi slt, %add3A_320, %lt3A_321 : i32
        %convert_element_type3A_323 = arith.extui %lt3A_322 : i1 to i32
        %cond3A_324 = arith.constant 0 : i32
        %cond3A_325 = arith.cmpi ne, %convert_element_type3A_323, %cond3A_324 : i32
        scf.if %cond3A_325 {
          %add3A_326 = arith.constant 3 : i32
          %add3A_327 = arith.addi %add3A_268, %add3A_326 : i32
          %dma_start3A_328 = arith.constant 2 : i32
          %dma_start3A_329 = arith.constant 0 : i32
          %dma_start3A_330 = arith.constant 0 : i32
          %dma_start3A_331 = tpu.memref_slice %arg6[%dma_start3A_328, %dma_start3A_329, %dma_start3A_330] : memref<4x2x128xi32, #tpu.memory_space<vmem>> -> memref<1x2x128xi32, #tpu.memory_space<vmem>>
          %dma_start3A_332 = tpu.memref_squeeze %dma_start3A_331 : memref<1x2x128xi32, #tpu.memory_space<vmem>> -> memref<2x128xi32, #tpu.memory_space<vmem>>
          %dma_start3A_333 = arith.constant 0 : i32
          %dma_start3A_334 = arith.constant 0 : i32
          %dma_start3A_335 = tpu.memref_slice %arg3[%add3A, %add3A_327, %dma_start3A_333, %dma_start3A_334] : memref<32x80x2x128xi32, #tpu.memory_space<hbm>> -> memref<1x1x2x128xi32, #tpu.memory_space<hbm>>
          %dma_start3A_336 = tpu.memref_squeeze %dma_start3A_335 : memref<1x1x2x128xi32, #tpu.memory_space<hbm>> -> memref<2x128xi32, #tpu.memory_space<hbm>>
          %dma_start3A_337 = arith.constant 0 : i32
          %dma_start3A_338 = arith.constant 0 : i32
          %dma_start3A_339 = tpu.memref_slice %arg6[%dma_start3A_328, %dma_start3A_337, %dma_start3A_338] : memref<4x2x128xi32, #tpu.memory_space<vmem>> -> memref<1x2x128xi32, #tpu.memory_space<vmem>>
          %dma_start3A_340 = tpu.memref_squeeze %dma_start3A_339 : memref<1x2x128xi32, #tpu.memory_space<vmem>> -> memref<2x128xi32, #tpu.memory_space<vmem>>
          %dma_start3A_341 = arith.constant 0 : i32
          %dma_start3A_342 = arith.constant 0 : i32
          %dma_start3A_343 = tpu.memref_slice %arg3[%add3A, %add3A_327, %dma_start3A_341, %dma_start3A_342] : memref<32x80x2x128xi32, #tpu.memory_space<hbm>> -> memref<1x1x2x128xi32, #tpu.memory_space<hbm>>
          %dma_start3A_344 = tpu.memref_squeeze %dma_start3A_343 : memref<1x1x2x128xi32, #tpu.memory_space<hbm>> -> memref<2x128xi32, #tpu.memory_space<hbm>>
          tpu.enqueue_dma source(%dma_start3A_344 : memref<2x128xi32, #tpu.memory_space<hbm>>) target(%dma_start3A_340 : memref<2x128xi32, #tpu.memory_space<vmem>>) target_semaphore(%arg11 : memref<!tpu.dma_semaphore, #tpu.memory_space<semaphore_mem>>)
        } else {
        }
      } else {
      }
    }
    %scan3A_147 = arith.constant 20 : i32
    %dma_wait3A_148 = arith.constant 1 : i32
    %dma_wait3A_149 = arith.constant 3 : i32
    %dma_wait3A_150 = arith.constant 1 : i32
    %dma_wait3A_151 = arith.constant 0 : i32
    %dma_wait3A_152 = arith.constant 0 : i32
    %dma_wait3A_153 = tpu.memref_slice %arg7[%dma_wait3A_148, %dma_wait3A_151, %dma_wait3A_152] : memref<2x128x128xf32, #tpu.memory_space<vmem>> -> memref<1x128x128xf32, #tpu.memory_space<vmem>>
    %dma_wait3A_154 = tpu.memref_squeeze %dma_wait3A_153 : memref<1x128x128xf32, #tpu.memory_space<vmem>> -> memref<128x128xf32, #tpu.memory_space<vmem>>
    %dma_wait3A_155 = arith.constant 0 : i32
    %dma_wait3A_156 = tpu.memref_slice %arg6[%dma_wait3A_149, %dma_wait3A_150, %dma_wait3A_155] : memref<4x2x128xi32, #tpu.memory_space<vmem>> -> memref<1x1x128xi32, #tpu.memory_space<vmem>>
    %dma_wait3A_157 = tpu.memref_squeeze %dma_wait3A_156 : memref<1x1x128xi32, #tpu.memory_space<vmem>> -> memref<128xi32, #tpu.memory_space<vmem>>
    %dma_wait3A_158 = arith.constant 0 : i32
    %dma_wait3A_159 = arith.constant 0 : i32
    %dma_wait3A_160 = tpu.memref_slice %arg8[%dma_wait3A_158, %dma_wait3A_159] : memref<10112x128xf32, #tpu.memory_space<vmem_shared>> -> memref<10112x128xf32, #tpu.memory_space<vmem_shared>>
    tpu.wait_indirect_dma semaphore(%arg16 : memref<!tpu.dma_semaphore, #tpu.memory_space<semaphore_mem>>) src(%dma_wait3A_154 : memref<128x128xf32, #tpu.memory_space<vmem>>) dst(%dma_wait3A_160 : memref<10112x128xf32, #tpu.memory_space<vmem_shared>>)
    %barrier3A_161 = arith.constant 0 : index
    tpu.barrier barrier_id(%barrier3A_161)
    "tpu.region"() ({
      %run_scoped3A = tpu.sem_alloc : memref<!tpu.dma_semaphore, #tpu.memory_space<semaphore_mem>>
      %dma_start3A_162 = arith.constant 0 : i32
      %dma_start3A_163 = tpu.memref_slice %arg5[%arg0, %mul3A_2, %dma_start3A_162] : memref<2x10112x128xf32, #tpu.memory_space<hbm>> -> memref<1x632x128xf32, #tpu.memory_space<hbm>>
      %dma_start3A_164 = tpu.memref_squeeze %dma_start3A_163 : memref<1x632x128xf32, #tpu.memory_space<hbm>> -> memref<632x128xf32, #tpu.memory_space<hbm>>
      %dma_start3A_165 = arith.constant 0 : i32
      %dma_start3A_166 = tpu.memref_slice %arg8[%mul3A_2, %dma_start3A_165] : memref<10112x128xf32, #tpu.memory_space<vmem_shared>> -> memref<632x128xf32, #tpu.memory_space<vmem_shared>>
      tpu.enqueue_dma source(%dma_start3A_166 : memref<632x128xf32, #tpu.memory_space<vmem_shared>>) target(%dma_start3A_164 : memref<632x128xf32, #tpu.memory_space<hbm>>) target_semaphore(%run_scoped3A : memref<!tpu.dma_semaphore, #tpu.memory_space<semaphore_mem>>)
      %dma_wait3A_167 = arith.constant 0 : i32
      %dma_wait3A_168 = tpu.memref_slice %arg5[%arg0, %mul3A_2, %dma_wait3A_167] : memref<2x10112x128xf32, #tpu.memory_space<hbm>> -> memref<1x632x128xf32, #tpu.memory_space<hbm>>
      %dma_wait3A_169 = tpu.memref_squeeze %dma_wait3A_168 : memref<1x632x128xf32, #tpu.memory_space<hbm>> -> memref<632x128xf32, #tpu.memory_space<hbm>>
      %dma_wait3A_170 = arith.constant 0 : i32
      %dma_wait3A_171 = tpu.memref_slice %arg8[%mul3A_2, %dma_wait3A_170] : memref<10112x128xf32, #tpu.memory_space<vmem_shared>> -> memref<632x128xf32, #tpu.memory_space<vmem_shared>>
      tpu.wait_dma2 semaphore(%run_scoped3A : memref<!tpu.dma_semaphore, #tpu.memory_space<semaphore_mem>>) src(%dma_wait3A_171 : memref<632x128xf32, #tpu.memory_space<vmem_shared>>) dst(%dma_wait3A_169 : memref<632x128xf32, #tpu.memory_space<hbm>>)
      tpu.yield
    }) : () -> ()
    return
  }
}

#map = affine_map<(d0, d1) -> (0, 0)>
#map1 = affine_map<(d0, d1) -> (0, 0, 0, 0)>
#map2 = affine_map<(d0, d1) -> (0, 0, 0)>
module attributes {stable_mosaic.version = 14 : i64} {
  func.func @agg(%arg0: i32, %arg1: i32, %arg2: memref<10000x128xf32, #tpu.memory_space<hbm>>, %arg3: memref<32x80x2x128xi32, #tpu.memory_space<hbm>>, %arg4: memref<10112x128xf32, #tpu.memory_space<hbm>>, %arg5: memref<2x10112x128xf32, #tpu.memory_space<hbm>>, %arg6: memref<4x2x128xi32, #tpu.memory_space<vmem>>, %arg7: memref<2x128x128xf32, #tpu.memory_space<vmem>>, %arg8: memref<10112x128xf32, #tpu.memory_space<vmem_shared>>, %arg9: memref<!tpu.dma_semaphore, #tpu.memory_space<semaphore_mem>>, %arg10: memref<!tpu.dma_semaphore, #tpu.memory_space<semaphore_mem>>, %arg11: memref<!tpu.dma_semaphore, #tpu.memory_space<semaphore_mem>>, %arg12: memref<!tpu.dma_semaphore, #tpu.memory_space<semaphore_mem>>, %arg13: memref<!tpu.dma_semaphore, #tpu.memory_space<semaphore_mem>>, %arg14: memref<!tpu.dma_semaphore, #tpu.memory_space<semaphore_mem>>, %arg15: memref<!tpu.dma_semaphore, #tpu.memory_space<semaphore_mem>>, %arg16: memref<!tpu.dma_semaphore, #tpu.memory_space<semaphore_mem>>, %arg17: memref<!tpu.dma_semaphore, #tpu.memory_space<semaphore_mem>>) attributes {dimension_semantics = [#tpu.dimension_semantics<core_parallel>, #tpu.dimension_semantics<subcore_parallel>], iteration_bounds = array<i64: 2, 16>, scalar_prefetch = 0 : i64, scratch_operands = 12 : i64, tpu.core_type = #tpu.core_type<sc_vector_subcore>, window_params = [{transform_indices = #map}, {transform_indices = #map1}, {transform_indices = #map}, {transform_indices = #map2}]} {
    %mul3A = arith.constant 2 : i32
    %mul3A_0 = arith.muli %arg1, %mul3A : i32
    %add3A = arith.addi %mul3A_0, %arg0 : i32
    %mul3A_1 = arith.constant 632 : i32
    %mul3A_2 = arith.muli %arg1, %mul3A_1 : i32
    %dma_start3A = arith.constant 0 : i32
    %dma_start3A_3 = tpu.memref_slice %arg8[%mul3A_2, %dma_start3A] : memref<10112x128xf32, #tpu.memory_space<vmem_shared>> -> memref<632x128xf32, #tpu.memory_space<vmem_shared>>
    %dma_start3A_4 = arith.constant 0 : i32
    %dma_start3A_5 = tpu.memref_slice %arg4[%mul3A_2, %dma_start3A_4] : memref<10112x128xf32, #tpu.memory_space<hbm>> -> memref<632x128xf32, #tpu.memory_space<hbm>>
    tpu.enqueue_dma source(%dma_start3A_5 : memref<632x128xf32, #tpu.memory_space<hbm>>) target(%dma_start3A_3 : memref<632x128xf32, #tpu.memory_space<vmem_shared>>) target_semaphore(%arg17 : memref<!tpu.dma_semaphore, #tpu.memory_space<semaphore_mem>>)
    %dma_start3A_6 = arith.constant 0 : i32
    %dma_start3A_7 = arith.constant 0 : i32
    %dma_start3A_8 = arith.constant 0 : i32
    %dma_start3A_9 = arith.constant 0 : i32
    %dma_start3A_10 = tpu.memref_slice %arg6[%dma_start3A_7, %dma_start3A_8, %dma_start3A_9] : memref<4x2x128xi32, #tpu.memory_space<vmem>> -> memref<1x2x128xi32, #tpu.memory_space<vmem>>
    %dma_start3A_11 = tpu.memref_squeeze %dma_start3A_10 : memref<1x2x128xi32, #tpu.memory_space<vmem>> -> memref<2x128xi32, #tpu.memory_space<vmem>>
    %dma_start3A_12 = arith.constant 0 : i32
    %dma_start3A_13 = arith.constant 0 : i32
    %dma_start3A_14 = tpu.memref_slice %arg3[%add3A, %dma_start3A_6, %dma_start3A_12, %dma_start3A_13] : memref<32x80x2x128xi32, #tpu.memory_space<hbm>> -> memref<1x1x2x128xi32, #tpu.memory_space<hbm>>
    %dma_start3A_15 = tpu.memref_squeeze %dma_start3A_14 : memref<1x1x2x128xi32, #tpu.memory_space<hbm>> -> memref<2x128xi32, #tpu.memory_space<hbm>>
    %dma_start3A_16 = arith.constant 0 : i32
    %dma_start3A_17 = arith.constant 0 : i32
    %dma_start3A_18 = tpu.memref_slice %arg6[%dma_start3A_7, %dma_start3A_16, %dma_start3A_17] : memref<4x2x128xi32, #tpu.memory_space<vmem>> -> memref<1x2x128xi32, #tpu.memory_space<vmem>>
    %dma_start3A_19 = tpu.memref_squeeze %dma_start3A_18 : memref<1x2x128xi32, #tpu.memory_space<vmem>> -> memref<2x128xi32, #tpu.memory_space<vmem>>
    %dma_start3A_20 = arith.constant 0 : i32
    %dma_start3A_21 = arith.constant 0 : i32
    %dma_start3A_22 = tpu.memref_slice %arg3[%add3A, %dma_start3A_6, %dma_start3A_20, %dma_start3A_21] : memref<32x80x2x128xi32, #tpu.memory_space<hbm>> -> memref<1x1x2x128xi32, #tpu.memory_space<hbm>>
    %dma_start3A_23 = tpu.memref_squeeze %dma_start3A_22 : memref<1x1x2x128xi32, #tpu.memory_space<hbm>> -> memref<2x128xi32, #tpu.memory_space<hbm>>
    tpu.enqueue_dma source(%dma_start3A_23 : memref<2x128xi32, #tpu.memory_space<hbm>>) target(%dma_start3A_19 : memref<2x128xi32, #tpu.memory_space<vmem>>) target_semaphore(%arg9 : memref<!tpu.dma_semaphore, #tpu.memory_space<semaphore_mem>>)
    %dma_start3A_24 = arith.constant 1 : i32
    %dma_start3A_25 = arith.constant 1 : i32
    %dma_start3A_26 = arith.constant 0 : i32
    %dma_start3A_27 = arith.constant 0 : i32
    %dma_start3A_28 = tpu.memref_slice %arg6[%dma_start3A_25, %dma_start3A_26, %dma_start3A_27] : memref<4x2x128xi32, #tpu.memory_space<vmem>> -> memref<1x2x128xi32, #tpu.memory_space<vmem>>
    %dma_start3A_29 = tpu.memref_squeeze %dma_start3A_28 : memref<1x2x128xi32, #tpu.memory_space<vmem>> -> memref<2x128xi32, #tpu.memory_space<vmem>>
    %dma_start3A_30 = arith.constant 0 : i32
    %dma_start3A_31 = arith.constant 0 : i32
    %dma_start3A_32 = tpu.memref_slice %arg3[%add3A, %dma_start3A_24, %dma_start3A_30, %dma_start3A_31] : memref<32x80x2x128xi32, #tpu.memory_space<hbm>> -> memref<1x1x2x128xi32, #tpu.memory_space<hbm>>
    %dma_start3A_33 = tpu.memref_squeeze %dma_start3A_32 : memref<1x1x2x128xi32, #tpu.memory_space<hbm>> -> memref<2x128xi32, #tpu.memory_space<hbm>>
    %dma_start3A_34 = arith.constant 0 : i32
    %dma_start3A_35 = arith.constant 0 : i32
    %dma_start3A_36 = tpu.memref_slice %arg6[%dma_start3A_25, %dma_start3A_34, %dma_start3A_35] : memref<4x2x128xi32, #tpu.memory_space<vmem>> -> memref<1x2x128xi32, #tpu.memory_space<vmem>>
    %dma_start3A_37 = tpu.memref_squeeze %dma_start3A_36 : memref<1x2x128xi32, #tpu.memory_space<vmem>> -> memref<2x128xi32, #tpu.memory_space<vmem>>
    %dma_start3A_38 = arith.constant 0 : i32
    %dma_start3A_39 = arith.constant 0 : i32
    %dma_start3A_40 = tpu.memref_slice %arg3[%add3A, %dma_start3A_24, %dma_start3A_38, %dma_start3A_39] : memref<32x80x2x128xi32, #tpu.memory_space<hbm>> -> memref<1x1x2x128xi32, #tpu.memory_space<hbm>>
    %dma_start3A_41 = tpu.memref_squeeze %dma_start3A_40 : memref<1x1x2x128xi32, #tpu.memory_space<hbm>> -> memref<2x128xi32, #tpu.memory_space<hbm>>
    tpu.enqueue_dma source(%dma_start3A_41 : memref<2x128xi32, #tpu.memory_space<hbm>>) target(%dma_start3A_37 : memref<2x128xi32, #tpu.memory_space<vmem>>) target_semaphore(%arg10 : memref<!tpu.dma_semaphore, #tpu.memory_space<semaphore_mem>>)
    %dma_start3A_42 = arith.constant 2 : i32
    %dma_start3A_43 = arith.constant 2 : i32
    %dma_start3A_44 = arith.constant 0 : i32
    %dma_start3A_45 = arith.constant 0 : i32
    %dma_start3A_46 = tpu.memref_slice %arg6[%dma_start3A_43, %dma_start3A_44, %dma_start3A_45] : memref<4x2x128xi32, #tpu.memory_space<vmem>> -> memref<1x2x128xi32, #tpu.memory_space<vmem>>
    %dma_start3A_47 = tpu.memref_squeeze %dma_start3A_46 : memref<1x2x128xi32, #tpu.memory_space<vmem>> -> memref<2x128xi32, #tpu.memory_space<vmem>>
    %dma_start3A_48 = arith.constant 0 : i32
    %dma_start3A_49 = arith.constant 0 : i32
    %dma_start3A_50 = tpu.memref_slice %arg3[%add3A, %dma_start3A_42, %dma_start3A_48, %dma_start3A_49] : memref<32x80x2x128xi32, #tpu.memory_space<hbm>> -> memref<1x1x2x128xi32, #tpu.memory_space<hbm>>
    %dma_start3A_51 = tpu.memref_squeeze %dma_start3A_50 : memref<1x1x2x128xi32, #tpu.memory_space<hbm>> -> memref<2x128xi32, #tpu.memory_space<hbm>>
    %dma_start3A_52 = arith.constant 0 : i32
    %dma_start3A_53 = arith.constant 0 : i32
    %dma_start3A_54 = tpu.memref_slice %arg6[%dma_start3A_43, %dma_start3A_52, %dma_start3A_53] : memref<4x2x128xi32, #tpu.memory_space<vmem>> -> memref<1x2x128xi32, #tpu.memory_space<vmem>>
    %dma_start3A_55 = tpu.memref_squeeze %dma_start3A_54 : memref<1x2x128xi32, #tpu.memory_space<vmem>> -> memref<2x128xi32, #tpu.memory_space<vmem>>
    %dma_start3A_56 = arith.constant 0 : i32
    %dma_start3A_57 = arith.constant 0 : i32
    %dma_start3A_58 = tpu.memref_slice %arg3[%add3A, %dma_start3A_42, %dma_start3A_56, %dma_start3A_57] : memref<32x80x2x128xi32, #tpu.memory_space<hbm>> -> memref<1x1x2x128xi32, #tpu.memory_space<hbm>>
    %dma_start3A_59 = tpu.memref_squeeze %dma_start3A_58 : memref<1x1x2x128xi32, #tpu.memory_space<hbm>> -> memref<2x128xi32, #tpu.memory_space<hbm>>
    tpu.enqueue_dma source(%dma_start3A_59 : memref<2x128xi32, #tpu.memory_space<hbm>>) target(%dma_start3A_55 : memref<2x128xi32, #tpu.memory_space<vmem>>) target_semaphore(%arg11 : memref<!tpu.dma_semaphore, #tpu.memory_space<semaphore_mem>>)
    %dma_start3A_60 = arith.constant 3 : i32
    %dma_start3A_61 = arith.constant 3 : i32
    %dma_start3A_62 = arith.constant 0 : i32
    %dma_start3A_63 = arith.constant 0 : i32
    %dma_start3A_64 = tpu.memref_slice %arg6[%dma_start3A_61, %dma_start3A_62, %dma_start3A_63] : memref<4x2x128xi32, #tpu.memory_space<vmem>> -> memref<1x2x128xi32, #tpu.memory_space<vmem>>
    %dma_start3A_65 = tpu.memref_squeeze %dma_start3A_64 : memref<1x2x128xi32, #tpu.memory_space<vmem>> -> memref<2x128xi32, #tpu.memory_space<vmem>>
    %dma_start3A_66 = arith.constant 0 : i32
    %dma_start3A_67 = arith.constant 0 : i32
    %dma_start3A_68 = tpu.memref_slice %arg3[%add3A, %dma_start3A_60, %dma_start3A_66, %dma_start3A_67] : memref<32x80x2x128xi32, #tpu.memory_space<hbm>> -> memref<1x1x2x128xi32, #tpu.memory_space<hbm>>
    %dma_start3A_69 = tpu.memref_squeeze %dma_start3A_68 : memref<1x1x2x128xi32, #tpu.memory_space<hbm>> -> memref<2x128xi32, #tpu.memory_space<hbm>>
    %dma_start3A_70 = arith.constant 0 : i32
    %dma_start3A_71 = arith.constant 0 : i32
    %dma_start3A_72 = tpu.memref_slice %arg6[%dma_start3A_61, %dma_start3A_70, %dma_start3A_71] : memref<4x2x128xi32, #tpu.memory_space<vmem>> -> memref<1x2x128xi32, #tpu.memory_space<vmem>>
    %dma_start3A_73 = tpu.memref_squeeze %dma_start3A_72 : memref<1x2x128xi32, #tpu.memory_space<vmem>> -> memref<2x128xi32, #tpu.memory_space<vmem>>
    %dma_start3A_74 = arith.constant 0 : i32
    %dma_start3A_75 = arith.constant 0 : i32
    %dma_start3A_76 = tpu.memref_slice %arg3[%add3A, %dma_start3A_60, %dma_start3A_74, %dma_start3A_75] : memref<32x80x2x128xi32, #tpu.memory_space<hbm>> -> memref<1x1x2x128xi32, #tpu.memory_space<hbm>>
    %dma_start3A_77 = tpu.memref_squeeze %dma_start3A_76 : memref<1x1x2x128xi32, #tpu.memory_space<hbm>> -> memref<2x128xi32, #tpu.memory_space<hbm>>
    tpu.enqueue_dma source(%dma_start3A_77 : memref<2x128xi32, #tpu.memory_space<hbm>>) target(%dma_start3A_73 : memref<2x128xi32, #tpu.memory_space<vmem>>) target_semaphore(%arg12 : memref<!tpu.dma_semaphore, #tpu.memory_space<semaphore_mem>>)
    %dma_wait3A = arith.constant 0 : i32
    %dma_wait3A_78 = arith.constant 0 : i32
    %dma_wait3A_79 = arith.constant 0 : i32
    %dma_wait3A_80 = arith.constant 0 : i32
    %dma_wait3A_81 = tpu.memref_slice %arg6[%dma_wait3A_78, %dma_wait3A_79, %dma_wait3A_80] : memref<4x2x128xi32, #tpu.memory_space<vmem>> -> memref<1x2x128xi32, #tpu.memory_space<vmem>>
    %dma_wait3A_82 = tpu.memref_squeeze %dma_wait3A_81 : memref<1x2x128xi32, #tpu.memory_space<vmem>> -> memref<2x128xi32, #tpu.memory_space<vmem>>
    %dma_wait3A_83 = arith.constant 0 : i32
    %dma_wait3A_84 = arith.constant 0 : i32
    %dma_wait3A_85 = tpu.memref_slice %arg3[%add3A, %dma_wait3A, %dma_wait3A_83, %dma_wait3A_84] : memref<32x80x2x128xi32, #tpu.memory_space<hbm>> -> memref<1x1x2x128xi32, #tpu.memory_space<hbm>>
    %dma_wait3A_86 = tpu.memref_squeeze %dma_wait3A_85 : memref<1x1x2x128xi32, #tpu.memory_space<hbm>> -> memref<2x128xi32, #tpu.memory_space<hbm>>
    %dma_wait3A_87 = arith.constant 0 : i32
    %dma_wait3A_88 = arith.constant 0 : i32
    %dma_wait3A_89 = tpu.memref_slice %arg6[%dma_wait3A_78, %dma_wait3A_87, %dma_wait3A_88] : memref<4x2x128xi32, #tpu.memory_space<vmem>> -> memref<1x2x128xi32, #tpu.memory_space<vmem>>
    %dma_wait3A_90 = tpu.memref_squeeze %dma_wait3A_89 : memref<1x2x128xi32, #tpu.memory_space<vmem>> -> memref<2x128xi32, #tpu.memory_space<vmem>>
    %dma_wait3A_91 = arith.constant 0 : i32
    %dma_wait3A_92 = arith.constant 0 : i32
    %dma_wait3A_93 = tpu.memref_slice %arg3[%add3A, %dma_wait3A, %dma_wait3A_91, %dma_wait3A_92] : memref<32x80x2x128xi32, #tpu.memory_space<hbm>> -> memref<1x1x2x128xi32, #tpu.memory_space<hbm>>
    %dma_wait3A_94 = tpu.memref_squeeze %dma_wait3A_93 : memref<1x1x2x128xi32, #tpu.memory_space<hbm>> -> memref<2x128xi32, #tpu.memory_space<hbm>>
    tpu.wait_dma2 semaphore(%arg9 : memref<!tpu.dma_semaphore, #tpu.memory_space<semaphore_mem>>) src(%dma_wait3A_94 : memref<2x128xi32, #tpu.memory_space<hbm>>) dst(%dma_wait3A_90 : memref<2x128xi32, #tpu.memory_space<vmem>>)
    %dma_start3A_95 = arith.constant 0 : i32
    %dma_start3A_96 = arith.constant 0 : i32
    %dma_start3A_97 = arith.constant 0 : i32
    %dma_start3A_98 = arith.constant 0 : i32
    %dma_start3A_99 = arith.constant 0 : i32
    %dma_start3A_100 = tpu.memref_slice %arg7[%dma_start3A_97, %dma_start3A_98, %dma_start3A_99] : memref<2x128x128xf32, #tpu.memory_space<vmem>> -> memref<1x128x128xf32, #tpu.memory_space<vmem>>
    %dma_start3A_101 = tpu.memref_squeeze %dma_start3A_100 : memref<1x128x128xf32, #tpu.memory_space<vmem>> -> memref<128x128xf32, #tpu.memory_space<vmem>>
    %dma_start3A_102 = arith.constant 0 : i32
    %dma_start3A_103 = tpu.memref_slice %arg6[%dma_start3A_95, %dma_start3A_96, %dma_start3A_102] : memref<4x2x128xi32, #tpu.memory_space<vmem>> -> memref<1x1x128xi32, #tpu.memory_space<vmem>>
    %dma_start3A_104 = tpu.memref_squeeze %dma_start3A_103 : memref<1x1x128xi32, #tpu.memory_space<vmem>> -> memref<128xi32, #tpu.memory_space<vmem>>
    %dma_start3A_105 = arith.constant 0 : i32
    %dma_start3A_106 = arith.constant 0 : i32
    %dma_start3A_107 = tpu.memref_slice %arg2[%dma_start3A_105, %dma_start3A_106] : memref<10000x128xf32, #tpu.memory_space<hbm>> -> memref<10000x128xf32, #tpu.memory_space<hbm>>
    tpu.enqueue_indirect_dma source(%dma_start3A_107 : memref<10000x128xf32, #tpu.memory_space<hbm>>) target(%dma_start3A_101 : memref<128x128xf32, #tpu.memory_space<vmem>>) offsets(%dma_start3A_104 : memref<128xi32, #tpu.memory_space<vmem>>) semaphore(%arg13 : memref<!tpu.dma_semaphore, #tpu.memory_space<semaphore_mem>>)
    %dma_wait3A_108 = arith.constant 1 : i32
    %dma_wait3A_109 = arith.constant 1 : i32
    %dma_wait3A_110 = arith.constant 0 : i32
    %dma_wait3A_111 = arith.constant 0 : i32
    %dma_wait3A_112 = tpu.memref_slice %arg6[%dma_wait3A_109, %dma_wait3A_110, %dma_wait3A_111] : memref<4x2x128xi32, #tpu.memory_space<vmem>> -> memref<1x2x128xi32, #tpu.memory_space<vmem>>
    %dma_wait3A_113 = tpu.memref_squeeze %dma_wait3A_112 : memref<1x2x128xi32, #tpu.memory_space<vmem>> -> memref<2x128xi32, #tpu.memory_space<vmem>>
    %dma_wait3A_114 = arith.constant 0 : i32
    %dma_wait3A_115 = arith.constant 0 : i32
    %dma_wait3A_116 = tpu.memref_slice %arg3[%add3A, %dma_wait3A_108, %dma_wait3A_114, %dma_wait3A_115] : memref<32x80x2x128xi32, #tpu.memory_space<hbm>> -> memref<1x1x2x128xi32, #tpu.memory_space<hbm>>
    %dma_wait3A_117 = tpu.memref_squeeze %dma_wait3A_116 : memref<1x1x2x128xi32, #tpu.memory_space<hbm>> -> memref<2x128xi32, #tpu.memory_space<hbm>>
    %dma_wait3A_118 = arith.constant 0 : i32
    %dma_wait3A_119 = arith.constant 0 : i32
    %dma_wait3A_120 = tpu.memref_slice %arg6[%dma_wait3A_109, %dma_wait3A_118, %dma_wait3A_119] : memref<4x2x128xi32, #tpu.memory_space<vmem>> -> memref<1x2x128xi32, #tpu.memory_space<vmem>>
    %dma_wait3A_121 = tpu.memref_squeeze %dma_wait3A_120 : memref<1x2x128xi32, #tpu.memory_space<vmem>> -> memref<2x128xi32, #tpu.memory_space<vmem>>
    %dma_wait3A_122 = arith.constant 0 : i32
    %dma_wait3A_123 = arith.constant 0 : i32
    %dma_wait3A_124 = tpu.memref_slice %arg3[%add3A, %dma_wait3A_108, %dma_wait3A_122, %dma_wait3A_123] : memref<32x80x2x128xi32, #tpu.memory_space<hbm>> -> memref<1x1x2x128xi32, #tpu.memory_space<hbm>>
    %dma_wait3A_125 = tpu.memref_squeeze %dma_wait3A_124 : memref<1x1x2x128xi32, #tpu.memory_space<hbm>> -> memref<2x128xi32, #tpu.memory_space<hbm>>
    tpu.wait_dma2 semaphore(%arg10 : memref<!tpu.dma_semaphore, #tpu.memory_space<semaphore_mem>>) src(%dma_wait3A_125 : memref<2x128xi32, #tpu.memory_space<hbm>>) dst(%dma_wait3A_121 : memref<2x128xi32, #tpu.memory_space<vmem>>)
    %dma_start3A_126 = arith.constant 1 : i32
    %dma_start3A_127 = arith.constant 0 : i32
    %dma_start3A_128 = arith.constant 1 : i32
    %dma_start3A_129 = arith.constant 0 : i32
    %dma_start3A_130 = arith.constant 0 : i32
    %dma_start3A_131 = tpu.memref_slice %arg7[%dma_start3A_128, %dma_start3A_129, %dma_start3A_130] : memref<2x128x128xf32, #tpu.memory_space<vmem>> -> memref<1x128x128xf32, #tpu.memory_space<vmem>>
    %dma_start3A_132 = tpu.memref_squeeze %dma_start3A_131 : memref<1x128x128xf32, #tpu.memory_space<vmem>> -> memref<128x128xf32, #tpu.memory_space<vmem>>
    %dma_start3A_133 = arith.constant 0 : i32
    %dma_start3A_134 = tpu.memref_slice %arg6[%dma_start3A_126, %dma_start3A_127, %dma_start3A_133] : memref<4x2x128xi32, #tpu.memory_space<vmem>> -> memref<1x1x128xi32, #tpu.memory_space<vmem>>
    %dma_start3A_135 = tpu.memref_squeeze %dma_start3A_134 : memref<1x1x128xi32, #tpu.memory_space<vmem>> -> memref<128xi32, #tpu.memory_space<vmem>>
    %dma_start3A_136 = arith.constant 0 : i32
    %dma_start3A_137 = arith.constant 0 : i32
    %dma_start3A_138 = tpu.memref_slice %arg2[%dma_start3A_136, %dma_start3A_137] : memref<10000x128xf32, #tpu.memory_space<hbm>> -> memref<10000x128xf32, #tpu.memory_space<hbm>>
    tpu.enqueue_indirect_dma source(%dma_start3A_138 : memref<10000x128xf32, #tpu.memory_space<hbm>>) target(%dma_start3A_132 : memref<128x128xf32, #tpu.memory_space<vmem>>) offsets(%dma_start3A_135 : memref<128xi32, #tpu.memory_space<vmem>>) semaphore(%arg14 : memref<!tpu.dma_semaphore, #tpu.memory_space<semaphore_mem>>)
    %dma_wait3A_139 = arith.constant 0 : i32
    %dma_wait3A_140 = tpu.memref_slice %arg8[%mul3A_2, %dma_wait3A_139] : memref<10112x128xf32, #tpu.memory_space<vmem_shared>> -> memref<632x128xf32, #tpu.memory_space<vmem_shared>>
    %dma_wait3A_141 = arith.constant 0 : i32
    %dma_wait3A_142 = tpu.memref_slice %arg4[%mul3A_2, %dma_wait3A_141] : memref<10112x128xf32, #tpu.memory_space<hbm>> -> memref<632x128xf32, #tpu.memory_space<hbm>>
    tpu.wait_dma2 semaphore(%arg17 : memref<!tpu.dma_semaphore, #tpu.memory_space<semaphore_mem>>) src(%dma_wait3A_142 : memref<632x128xf32, #tpu.memory_space<hbm>>) dst(%dma_wait3A_140 : memref<632x128xf32, #tpu.memory_space<vmem_shared>>)
    %barrier3A = arith.constant 0 : index
    tpu.barrier barrier_id(%barrier3A)
    %scan3A = arith.constant 0 : i32
    %scan3A_143 = arith.constant 0 : i32
    %scan3A_144 = arith.constant 20 : i32
    %scan3A_145 = arith.addi %scan3A_143, %scan3A_144 : i32
    %scan3A_146 = arith.constant 1 : i32
    scf.for %scan3A_162 = %scan3A_143 to %scan3A_145 step %scan3A_146  : i32 {
      %mul3A_163 = arith.constant 4 : i32
      %mul3A_164 = arith.muli %scan3A_162, %mul3A_163 : i32
      %add3A_165 = arith.constant 0 : i32
      %add3A_166 = arith.addi %mul3A_164, %add3A_165 : i32
      %dma_wait3A_167 = arith.constant 0 : i32
      %dma_wait3A_168 = arith.constant 0 : i32
      %dma_wait3A_169 = arith.constant 0 : i32
      %dma_wait3A_170 = arith.constant 0 : i32
      %dma_wait3A_171 = arith.constant 0 : i32
      %dma_wait3A_172 = tpu.memref_slice %arg7[%dma_wait3A_169, %dma_wait3A_170, %dma_wait3A_171] : memref<2x128x128xf32, #tpu.memory_space<vmem>> -> memref<1x128x128xf32, #tpu.memory_space<vmem>>
      %dma_wait3A_173 = tpu.memref_squeeze %dma_wait3A_172 : memref<1x128x128xf32, #tpu.memory_space<vmem>> -> memref<128x128xf32, #tpu.memory_space<vmem>>
      %dma_wait3A_174 = arith.constant 0 : i32
      %dma_wait3A_175 = tpu.memref_slice %arg6[%dma_wait3A_167, %dma_wait3A_168, %dma_wait3A_174] : memref<4x2x128xi32, #tpu.memory_space<vmem>> -> memref<1x1x128xi32, #tpu.memory_space<vmem>>
      %dma_wait3A_176 = tpu.memref_squeeze %dma_wait3A_175 : memref<1x1x128xi32, #tpu.memory_space<vmem>> -> memref<128xi32, #tpu.memory_space<vmem>>
      %dma_wait3A_177 = arith.constant 0 : i32
      %dma_wait3A_178 = arith.constant 0 : i32
      %dma_wait3A_179 = tpu.memref_slice %arg2[%dma_wait3A_177, %dma_wait3A_178] : memref<10000x128xf32, #tpu.memory_space<hbm>> -> memref<10000x128xf32, #tpu.memory_space<hbm>>
      tpu.wait_indirect_dma semaphore(%arg13 : memref<!tpu.dma_semaphore, #tpu.memory_space<semaphore_mem>>) src(%dma_wait3A_179 : memref<10000x128xf32, #tpu.memory_space<hbm>>) dst(%dma_wait3A_173 : memref<128x128xf32, #tpu.memory_space<vmem>>)
      %dma_start3A_180 = arith.constant 0 : i32
      %dma_start3A_181 = arith.constant 0 : i32
      %dma_start3A_182 = arith.constant 1 : i32
      %dma_start3A_183 = arith.constant 0 : i32
      %dma_start3A_184 = arith.constant 0 : i32
      %dma_start3A_185 = tpu.memref_slice %arg7[%dma_start3A_180, %dma_start3A_183, %dma_start3A_184] : memref<2x128x128xf32, #tpu.memory_space<vmem>> -> memref<1x128x128xf32, #tpu.memory_space<vmem>>
      %dma_start3A_186 = tpu.memref_squeeze %dma_start3A_185 : memref<1x128x128xf32, #tpu.memory_space<vmem>> -> memref<128x128xf32, #tpu.memory_space<vmem>>
      %dma_start3A_187 = arith.constant 0 : i32
      %dma_start3A_188 = tpu.memref_slice %arg6[%dma_start3A_181, %dma_start3A_182, %dma_start3A_187] : memref<4x2x128xi32, #tpu.memory_space<vmem>> -> memref<1x1x128xi32, #tpu.memory_space<vmem>>
      %dma_start3A_189 = tpu.memref_squeeze %dma_start3A_188 : memref<1x1x128xi32, #tpu.memory_space<vmem>> -> memref<128xi32, #tpu.memory_space<vmem>>
      %dma_start3A_190 = arith.constant 0 : i32
      %dma_start3A_191 = arith.constant 0 : i32
      %dma_start3A_192 = tpu.memref_slice %arg8[%dma_start3A_190, %dma_start3A_191] : memref<10112x128xf32, #tpu.memory_space<vmem_shared>> -> memref<10112x128xf32, #tpu.memory_space<vmem_shared>>
      tpu.enqueue_indirect_dma source(%dma_start3A_186 : memref<128x128xf32, #tpu.memory_space<vmem>>) target(%dma_start3A_192 : memref<10112x128xf32, #tpu.memory_space<vmem_shared>>) offsets(%dma_start3A_189 : memref<128xi32, #tpu.memory_space<vmem>>) semaphore(%arg15 : memref<!tpu.dma_semaphore, #tpu.memory_space<semaphore_mem>>) {add = true}
      %ge3A = arith.constant 1 : i32
      %ge3A_193 = arith.cmpi sge, %add3A_166, %ge3A : i32
      %convert_element_type3A = arith.extui %ge3A_193 : i1 to i32
      %cond3A = arith.constant 0 : i32
      %cond3A_194 = arith.cmpi ne, %convert_element_type3A, %cond3A : i32
      scf.if %cond3A_194 {
        %dma_wait3A_300 = arith.constant 1 : i32
        %dma_wait3A_301 = arith.constant 3 : i32
        %dma_wait3A_302 = arith.constant 1 : i32
        %dma_wait3A_303 = arith.constant 0 : i32
        %dma_wait3A_304 = arith.constant 0 : i32
        %dma_wait3A_305 = tpu.memref_slice %arg7[%dma_wait3A_300, %dma_wait3A_303, %dma_wait3A_304] : memref<2x128x128xf32, #tpu.memory_space<vmem>> -> memref<1x128x128xf32, #tpu.memory_space<vmem>>
        %dma_wait3A_306 = tpu.memref_squeeze %dma_wait3A_305 : memref<1x128x128xf32, #tpu.memory_space<vmem>> -> memref<128x128xf32, #tpu.memory_space<vmem>>
        %dma_wait3A_307 = arith.constant 0 : i32
        %dma_wait3A_308 = tpu.memref_slice %arg6[%dma_wait3A_301, %dma_wait3A_302, %dma_wait3A_307] : memref<4x2x128xi32, #tpu.memory_space<vmem>> -> memref<1x1x128xi32, #tpu.memory_space<vmem>>
        %dma_wait3A_309 = tpu.memref_squeeze %dma_wait3A_308 : memref<1x1x128xi32, #tpu.memory_space<vmem>> -> memref<128xi32, #tpu.memory_space<vmem>>
        %dma_wait3A_310 = arith.constant 0 : i32
        %dma_wait3A_311 = arith.constant 0 : i32
        %dma_wait3A_312 = tpu.memref_slice %arg8[%dma_wait3A_310, %dma_wait3A_311] : memref<10112x128xf32, #tpu.memory_space<vmem_shared>> -> memref<10112x128xf32, #tpu.memory_space<vmem_shared>>
        tpu.wait_indirect_dma semaphore(%arg16 : memref<!tpu.dma_semaphore, #tpu.memory_space<semaphore_mem>>) src(%dma_wait3A_306 : memref<128x128xf32, #tpu.memory_space<vmem>>) dst(%dma_wait3A_312 : memref<10112x128xf32, #tpu.memory_space<vmem_shared>>)
        %add3A_313 = arith.constant 1 : i32
        %add3A_314 = arith.addi %add3A_166, %add3A_313 : i32
        %lt3A = arith.constant 80 : i32
        %lt3A_315 = arith.cmpi slt, %add3A_314, %lt3A : i32
        %convert_element_type3A_316 = arith.extui %lt3A_315 : i1 to i32
        %cond3A_317 = arith.constant 0 : i32
        %cond3A_318 = arith.cmpi ne, %convert_element_type3A_316, %cond3A_317 : i32
        scf.if %cond3A_318 {
          %add3A_326 = arith.constant 1 : i32
          %add3A_327 = arith.addi %add3A_166, %add3A_326 : i32
          %dma_wait3A_328 = arith.constant 1 : i32
          %dma_wait3A_329 = arith.constant 0 : i32
          %dma_wait3A_330 = arith.constant 0 : i32
          %dma_wait3A_331 = tpu.memref_slice %arg6[%dma_wait3A_328, %dma_wait3A_329, %dma_wait3A_330] : memref<4x2x128xi32, #tpu.memory_space<vmem>> -> memref<1x2x128xi32, #tpu.memory_space<vmem>>
          %dma_wait3A_332 = tpu.memref_squeeze %dma_wait3A_331 : memref<1x2x128xi32, #tpu.memory_space<vmem>> -> memref<2x128xi32, #tpu.memory_space<vmem>>
          %dma_wait3A_333 = arith.constant 0 : i32
          %dma_wait3A_334 = arith.constant 0 : i32
          %dma_wait3A_335 = tpu.memref_slice %arg3[%add3A, %add3A_327, %dma_wait3A_333, %dma_wait3A_334] : memref<32x80x2x128xi32, #tpu.memory_space<hbm>> -> memref<1x1x2x128xi32, #tpu.memory_space<hbm>>
          %dma_wait3A_336 = tpu.memref_squeeze %dma_wait3A_335 : memref<1x1x2x128xi32, #tpu.memory_space<hbm>> -> memref<2x128xi32, #tpu.memory_space<hbm>>
          %dma_wait3A_337 = arith.constant 0 : i32
          %dma_wait3A_338 = arith.constant 0 : i32
          %dma_wait3A_339 = tpu.memref_slice %arg6[%dma_wait3A_328, %dma_wait3A_337, %dma_wait3A_338] : memref<4x2x128xi32, #tpu.memory_space<vmem>> -> memref<1x2x128xi32, #tpu.memory_space<vmem>>
          %dma_wait3A_340 = tpu.memref_squeeze %dma_wait3A_339 : memref<1x2x128xi32, #tpu.memory_space<vmem>> -> memref<2x128xi32, #tpu.memory_space<vmem>>
          %dma_wait3A_341 = arith.constant 0 : i32
          %dma_wait3A_342 = arith.constant 0 : i32
          %dma_wait3A_343 = tpu.memref_slice %arg3[%add3A, %add3A_327, %dma_wait3A_341, %dma_wait3A_342] : memref<32x80x2x128xi32, #tpu.memory_space<hbm>> -> memref<1x1x2x128xi32, #tpu.memory_space<hbm>>
          %dma_wait3A_344 = tpu.memref_squeeze %dma_wait3A_343 : memref<1x1x2x128xi32, #tpu.memory_space<hbm>> -> memref<2x128xi32, #tpu.memory_space<hbm>>
          tpu.wait_dma2 semaphore(%arg10 : memref<!tpu.dma_semaphore, #tpu.memory_space<semaphore_mem>>) src(%dma_wait3A_344 : memref<2x128xi32, #tpu.memory_space<hbm>>) dst(%dma_wait3A_340 : memref<2x128xi32, #tpu.memory_space<vmem>>)
          %dma_start3A_345 = arith.constant 1 : i32
          %dma_start3A_346 = arith.constant 0 : i32
          %dma_start3A_347 = arith.constant 1 : i32
          %dma_start3A_348 = arith.constant 0 : i32
          %dma_start3A_349 = arith.constant 0 : i32
          %dma_start3A_350 = tpu.memref_slice %arg7[%dma_start3A_347, %dma_start3A_348, %dma_start3A_349] : memref<2x128x128xf32, #tpu.memory_space<vmem>> -> memref<1x128x128xf32, #tpu.memory_space<vmem>>
          %dma_start3A_351 = tpu.memref_squeeze %dma_start3A_350 : memref<1x128x128xf32, #tpu.memory_space<vmem>> -> memref<128x128xf32, #tpu.memory_space<vmem>>
          %dma_start3A_352 = arith.constant 0 : i32
          %dma_start3A_353 = tpu.memref_slice %arg6[%dma_start3A_345, %dma_start3A_346, %dma_start3A_352] : memref<4x2x128xi32, #tpu.memory_space<vmem>> -> memref<1x1x128xi32, #tpu.memory_space<vmem>>
          %dma_start3A_354 = tpu.memref_squeeze %dma_start3A_353 : memref<1x1x128xi32, #tpu.memory_space<vmem>> -> memref<128xi32, #tpu.memory_space<vmem>>
          %dma_start3A_355 = arith.constant 0 : i32
          %dma_start3A_356 = arith.constant 0 : i32
          %dma_start3A_357 = tpu.memref_slice %arg2[%dma_start3A_355, %dma_start3A_356] : memref<10000x128xf32, #tpu.memory_space<hbm>> -> memref<10000x128xf32, #tpu.memory_space<hbm>>
          tpu.enqueue_indirect_dma source(%dma_start3A_357 : memref<10000x128xf32, #tpu.memory_space<hbm>>) target(%dma_start3A_351 : memref<128x128xf32, #tpu.memory_space<vmem>>) offsets(%dma_start3A_354 : memref<128xi32, #tpu.memory_space<vmem>>) semaphore(%arg14 : memref<!tpu.dma_semaphore, #tpu.memory_space<semaphore_mem>>)
        } else {
        }
        %add3A_319 = arith.constant 3 : i32
        %add3A_320 = arith.addi %add3A_166, %add3A_319 : i32
        %lt3A_321 = arith.constant 80 : i32
        %lt3A_322 = arith.cmpi slt, %add3A_320, %lt3A_321 : i32
        %convert_element_type3A_323 = arith.extui %lt3A_322 : i1 to i32
        %cond3A_324 = arith.constant 0 : i32
        %cond3A_325 = arith.cmpi ne, %convert_element_type3A_323, %cond3A_324 : i32
        scf.if %cond3A_325 {
          %add3A_326 = arith.constant 3 : i32
          %add3A_327 = arith.addi %add3A_166, %add3A_326 : i32
          %dma_start3A_328 = arith.constant 3 : i32
          %dma_start3A_329 = arith.constant 0 : i32
          %dma_start3A_330 = arith.constant 0 : i32
          %dma_start3A_331 = tpu.memref_slice %arg6[%dma_start3A_328, %dma_start3A_329, %dma_start3A_330] : memref<4x2x128xi32, #tpu.memory_space<vmem>> -> memref<1x2x128xi32, #tpu.memory_space<vmem>>
          %dma_start3A_332 = tpu.memref_squeeze %dma_start3A_331 : memref<1x2x128xi32, #tpu.memory_space<vmem>> -> memref<2x128xi32, #tpu.memory_space<vmem>>
          %dma_start3A_333 = arith.constant 0 : i32
          %dma_start3A_334 = arith.constant 0 : i32
          %dma_start3A_335 = tpu.memref_slice %arg3[%add3A, %add3A_327, %dma_start3A_333, %dma_start3A_334] : memref<32x80x2x128xi32, #tpu.memory_space<hbm>> -> memref<1x1x2x128xi32, #tpu.memory_space<hbm>>
          %dma_start3A_336 = tpu.memref_squeeze %dma_start3A_335 : memref<1x1x2x128xi32, #tpu.memory_space<hbm>> -> memref<2x128xi32, #tpu.memory_space<hbm>>
          %dma_start3A_337 = arith.constant 0 : i32
          %dma_start3A_338 = arith.constant 0 : i32
          %dma_start3A_339 = tpu.memref_slice %arg6[%dma_start3A_328, %dma_start3A_337, %dma_start3A_338] : memref<4x2x128xi32, #tpu.memory_space<vmem>> -> memref<1x2x128xi32, #tpu.memory_space<vmem>>
          %dma_start3A_340 = tpu.memref_squeeze %dma_start3A_339 : memref<1x2x128xi32, #tpu.memory_space<vmem>> -> memref<2x128xi32, #tpu.memory_space<vmem>>
          %dma_start3A_341 = arith.constant 0 : i32
          %dma_start3A_342 = arith.constant 0 : i32
          %dma_start3A_343 = tpu.memref_slice %arg3[%add3A, %add3A_327, %dma_start3A_341, %dma_start3A_342] : memref<32x80x2x128xi32, #tpu.memory_space<hbm>> -> memref<1x1x2x128xi32, #tpu.memory_space<hbm>>
          %dma_start3A_344 = tpu.memref_squeeze %dma_start3A_343 : memref<1x1x2x128xi32, #tpu.memory_space<hbm>> -> memref<2x128xi32, #tpu.memory_space<hbm>>
          tpu.enqueue_dma source(%dma_start3A_344 : memref<2x128xi32, #tpu.memory_space<hbm>>) target(%dma_start3A_340 : memref<2x128xi32, #tpu.memory_space<vmem>>) target_semaphore(%arg12 : memref<!tpu.dma_semaphore, #tpu.memory_space<semaphore_mem>>)
        } else {
        }
      } else {
      }
      %mul3A_195 = arith.constant 4 : i32
      %mul3A_196 = arith.muli %scan3A_162, %mul3A_195 : i32
      %add3A_197 = arith.constant 1 : i32
      %add3A_198 = arith.addi %mul3A_196, %add3A_197 : i32
      %dma_wait3A_199 = arith.constant 1 : i32
      %dma_wait3A_200 = arith.constant 0 : i32
      %dma_wait3A_201 = arith.constant 1 : i32
      %dma_wait3A_202 = arith.constant 0 : i32
      %dma_wait3A_203 = arith.constant 0 : i32
      %dma_wait3A_204 = tpu.memref_slice %arg7[%dma_wait3A_201, %dma_wait3A_202, %dma_wait3A_203] : memref<2x128x128xf32, #tpu.memory_space<vmem>> -> memref<1x128x128xf32, #tpu.memory_space<vmem>>
      %dma_wait3A_205 = tpu.memref_squeeze %dma_wait3A_204 : memref<1x128x128xf32, #tpu.memory_space<vmem>> -> memref<128x128xf32, #tpu.memory_space<vmem>>
      %dma_wait3A_206 = arith.constant 0 : i32
      %dma_wait3A_207 = tpu.memref_slice %arg6[%dma_wait3A_199, %dma_wait3A_200, %dma_wait3A_206] : memref<4x2x128xi32, #tpu.memory_space<vmem>> -> memref<1x1x128xi32, #tpu.memory_space<vmem>>
      %dma_wait3A_208 = tpu.memref_squeeze %dma_wait3A_207 : memref<1x1x128xi32, #tpu.memory_space<vmem>> -> memref<128xi32, #tpu.memory_space<vmem>>
      %dma_wait3A_209 = arith.constant 0 : i32
      %dma_wait3A_210 = arith.constant 0 : i32
      %dma_wait3A_211 = tpu.memref_slice %arg2[%dma_wait3A_209, %dma_wait3A_210] : memref<10000x128xf32, #tpu.memory_space<hbm>> -> memref<10000x128xf32, #tpu.memory_space<hbm>>
      tpu.wait_indirect_dma semaphore(%arg14 : memref<!tpu.dma_semaphore, #tpu.memory_space<semaphore_mem>>) src(%dma_wait3A_211 : memref<10000x128xf32, #tpu.memory_space<hbm>>) dst(%dma_wait3A_205 : memref<128x128xf32, #tpu.memory_space<vmem>>)
      %dma_start3A_212 = arith.constant 1 : i32
      %dma_start3A_213 = arith.constant 1 : i32
      %dma_start3A_214 = arith.constant 1 : i32
      %dma_start3A_215 = arith.constant 0 : i32
      %dma_start3A_216 = arith.constant 0 : i32
      %dma_start3A_217 = tpu.memref_slice %arg7[%dma_start3A_212, %dma_start3A_215, %dma_start3A_216] : memref<2x128x128xf32, #tpu.memory_space<vmem>> -> memref<1x128x128xf32, #tpu.memory_space<vmem>>
      %dma_start3A_218 = tpu.memref_squeeze %dma_start3A_217 : memref<1x128x128xf32, #tpu.memory_space<vmem>> -> memref<128x128xf32, #tpu.memory_space<vmem>>
      %dma_start3A_219 = arith.constant 0 : i32
      %dma_start3A_220 = tpu.memref_slice %arg6[%dma_start3A_213, %dma_start3A_214, %dma_start3A_219] : memref<4x2x128xi32, #tpu.memory_space<vmem>> -> memref<1x1x128xi32, #tpu.memory_space<vmem>>
      %dma_start3A_221 = tpu.memref_squeeze %dma_start3A_220 : memref<1x1x128xi32, #tpu.memory_space<vmem>> -> memref<128xi32, #tpu.memory_space<vmem>>
      %dma_start3A_222 = arith.constant 0 : i32
      %dma_start3A_223 = arith.constant 0 : i32
      %dma_start3A_224 = tpu.memref_slice %arg8[%dma_start3A_222, %dma_start3A_223] : memref<10112x128xf32, #tpu.memory_space<vmem_shared>> -> memref<10112x128xf32, #tpu.memory_space<vmem_shared>>
      tpu.enqueue_indirect_dma source(%dma_start3A_218 : memref<128x128xf32, #tpu.memory_space<vmem>>) target(%dma_start3A_224 : memref<10112x128xf32, #tpu.memory_space<vmem_shared>>) offsets(%dma_start3A_221 : memref<128xi32, #tpu.memory_space<vmem>>) semaphore(%arg16 : memref<!tpu.dma_semaphore, #tpu.memory_space<semaphore_mem>>) {add = true}
      %ge3A_225 = arith.constant 1 : i32
      %ge3A_226 = arith.cmpi sge, %add3A_198, %ge3A_225 : i32
      %convert_element_type3A_227 = arith.extui %ge3A_226 : i1 to i32
      %cond3A_228 = arith.constant 0 : i32
      %cond3A_229 = arith.cmpi ne, %convert_element_type3A_227, %cond3A_228 : i32
      scf.if %cond3A_229 {
        %dma_wait3A_300 = arith.constant 0 : i32
        %dma_wait3A_301 = arith.constant 0 : i32
        %dma_wait3A_302 = arith.constant 1 : i32
        %dma_wait3A_303 = arith.constant 0 : i32
        %dma_wait3A_304 = arith.constant 0 : i32
        %dma_wait3A_305 = tpu.memref_slice %arg7[%dma_wait3A_300, %dma_wait3A_303, %dma_wait3A_304] : memref<2x128x128xf32, #tpu.memory_space<vmem>> -> memref<1x128x128xf32, #tpu.memory_space<vmem>>
        %dma_wait3A_306 = tpu.memref_squeeze %dma_wait3A_305 : memref<1x128x128xf32, #tpu.memory_space<vmem>> -> memref<128x128xf32, #tpu.memory_space<vmem>>
        %dma_wait3A_307 = arith.constant 0 : i32
        %dma_wait3A_308 = tpu.memref_slice %arg6[%dma_wait3A_301, %dma_wait3A_302, %dma_wait3A_307] : memref<4x2x128xi32, #tpu.memory_space<vmem>> -> memref<1x1x128xi32, #tpu.memory_space<vmem>>
        %dma_wait3A_309 = tpu.memref_squeeze %dma_wait3A_308 : memref<1x1x128xi32, #tpu.memory_space<vmem>> -> memref<128xi32, #tpu.memory_space<vmem>>
        %dma_wait3A_310 = arith.constant 0 : i32
        %dma_wait3A_311 = arith.constant 0 : i32
        %dma_wait3A_312 = tpu.memref_slice %arg8[%dma_wait3A_310, %dma_wait3A_311] : memref<10112x128xf32, #tpu.memory_space<vmem_shared>> -> memref<10112x128xf32, #tpu.memory_space<vmem_shared>>
        tpu.wait_indirect_dma semaphore(%arg15 : memref<!tpu.dma_semaphore, #tpu.memory_space<semaphore_mem>>) src(%dma_wait3A_306 : memref<128x128xf32, #tpu.memory_space<vmem>>) dst(%dma_wait3A_312 : memref<10112x128xf32, #tpu.memory_space<vmem_shared>>)
        %add3A_313 = arith.constant 1 : i32
        %add3A_314 = arith.addi %add3A_198, %add3A_313 : i32
        %lt3A = arith.constant 80 : i32
        %lt3A_315 = arith.cmpi slt, %add3A_314, %lt3A : i32
        %convert_element_type3A_316 = arith.extui %lt3A_315 : i1 to i32
        %cond3A_317 = arith.constant 0 : i32
        %cond3A_318 = arith.cmpi ne, %convert_element_type3A_316, %cond3A_317 : i32
        scf.if %cond3A_318 {
          %add3A_326 = arith.constant 1 : i32
          %add3A_327 = arith.addi %add3A_198, %add3A_326 : i32
          %dma_wait3A_328 = arith.constant 2 : i32
          %dma_wait3A_329 = arith.constant 0 : i32
          %dma_wait3A_330 = arith.constant 0 : i32
          %dma_wait3A_331 = tpu.memref_slice %arg6[%dma_wait3A_328, %dma_wait3A_329, %dma_wait3A_330] : memref<4x2x128xi32, #tpu.memory_space<vmem>> -> memref<1x2x128xi32, #tpu.memory_space<vmem>>
          %dma_wait3A_332 = tpu.memref_squeeze %dma_wait3A_331 : memref<1x2x128xi32, #tpu.memory_space<vmem>> -> memref<2x128xi32, #tpu.memory_space<vmem>>
          %dma_wait3A_333 = arith.constant 0 : i32
          %dma_wait3A_334 = arith.constant 0 : i32
          %dma_wait3A_335 = tpu.memref_slice %arg3[%add3A, %add3A_327, %dma_wait3A_333, %dma_wait3A_334] : memref<32x80x2x128xi32, #tpu.memory_space<hbm>> -> memref<1x1x2x128xi32, #tpu.memory_space<hbm>>
          %dma_wait3A_336 = tpu.memref_squeeze %dma_wait3A_335 : memref<1x1x2x128xi32, #tpu.memory_space<hbm>> -> memref<2x128xi32, #tpu.memory_space<hbm>>
          %dma_wait3A_337 = arith.constant 0 : i32
          %dma_wait3A_338 = arith.constant 0 : i32
          %dma_wait3A_339 = tpu.memref_slice %arg6[%dma_wait3A_328, %dma_wait3A_337, %dma_wait3A_338] : memref<4x2x128xi32, #tpu.memory_space<vmem>> -> memref<1x2x128xi32, #tpu.memory_space<vmem>>
          %dma_wait3A_340 = tpu.memref_squeeze %dma_wait3A_339 : memref<1x2x128xi32, #tpu.memory_space<vmem>> -> memref<2x128xi32, #tpu.memory_space<vmem>>
          %dma_wait3A_341 = arith.constant 0 : i32
          %dma_wait3A_342 = arith.constant 0 : i32
          %dma_wait3A_343 = tpu.memref_slice %arg3[%add3A, %add3A_327, %dma_wait3A_341, %dma_wait3A_342] : memref<32x80x2x128xi32, #tpu.memory_space<hbm>> -> memref<1x1x2x128xi32, #tpu.memory_space<hbm>>
          %dma_wait3A_344 = tpu.memref_squeeze %dma_wait3A_343 : memref<1x1x2x128xi32, #tpu.memory_space<hbm>> -> memref<2x128xi32, #tpu.memory_space<hbm>>
          tpu.wait_dma2 semaphore(%arg11 : memref<!tpu.dma_semaphore, #tpu.memory_space<semaphore_mem>>) src(%dma_wait3A_344 : memref<2x128xi32, #tpu.memory_space<hbm>>) dst(%dma_wait3A_340 : memref<2x128xi32, #tpu.memory_space<vmem>>)
          %dma_start3A_345 = arith.constant 2 : i32
          %dma_start3A_346 = arith.constant 0 : i32
          %dma_start3A_347 = arith.constant 0 : i32
          %dma_start3A_348 = arith.constant 0 : i32
          %dma_start3A_349 = arith.constant 0 : i32
          %dma_start3A_350 = tpu.memref_slice %arg7[%dma_start3A_347, %dma_start3A_348, %dma_start3A_349] : memref<2x128x128xf32, #tpu.memory_space<vmem>> -> memref<1x128x128xf32, #tpu.memory_space<vmem>>
          %dma_start3A_351 = tpu.memref_squeeze %dma_start3A_350 : memref<1x128x128xf32, #tpu.memory_space<vmem>> -> memref<128x128xf32, #tpu.memory_space<vmem>>
          %dma_start3A_352 = arith.constant 0 : i32
          %dma_start3A_353 = tpu.memref_slice %arg6[%dma_start3A_345, %dma_start3A_346, %dma_start3A_352] : memref<4x2x128xi32, #tpu.memory_space<vmem>> -> memref<1x1x128xi32, #tpu.memory_space<vmem>>
          %dma_start3A_354 = tpu.memref_squeeze %dma_start3A_353 : memref<1x1x128xi32, #tpu.memory_space<vmem>> -> memref<128xi32, #tpu.memory_space<vmem>>
          %dma_start3A_355 = arith.constant 0 : i32
          %dma_start3A_356 = arith.constant 0 : i32
          %dma_start3A_357 = tpu.memref_slice %arg2[%dma_start3A_355, %dma_start3A_356] : memref<10000x128xf32, #tpu.memory_space<hbm>> -> memref<10000x128xf32, #tpu.memory_space<hbm>>
          tpu.enqueue_indirect_dma source(%dma_start3A_357 : memref<10000x128xf32, #tpu.memory_space<hbm>>) target(%dma_start3A_351 : memref<128x128xf32, #tpu.memory_space<vmem>>) offsets(%dma_start3A_354 : memref<128xi32, #tpu.memory_space<vmem>>) semaphore(%arg13 : memref<!tpu.dma_semaphore, #tpu.memory_space<semaphore_mem>>)
        } else {
        }
        %add3A_319 = arith.constant 3 : i32
        %add3A_320 = arith.addi %add3A_198, %add3A_319 : i32
        %lt3A_321 = arith.constant 80 : i32
        %lt3A_322 = arith.cmpi slt, %add3A_320, %lt3A_321 : i32
        %convert_element_type3A_323 = arith.extui %lt3A_322 : i1 to i32
        %cond3A_324 = arith.constant 0 : i32
        %cond3A_325 = arith.cmpi ne, %convert_element_type3A_323, %cond3A_324 : i32
        scf.if %cond3A_325 {
          %add3A_326 = arith.constant 3 : i32
          %add3A_327 = arith.addi %add3A_198, %add3A_326 : i32
          %dma_start3A_328 = arith.constant 0 : i32
          %dma_start3A_329 = arith.constant 0 : i32
          %dma_start3A_330 = arith.constant 0 : i32
          %dma_start3A_331 = tpu.memref_slice %arg6[%dma_start3A_328, %dma_start3A_329, %dma_start3A_330] : memref<4x2x128xi32, #tpu.memory_space<vmem>> -> memref<1x2x128xi32, #tpu.memory_space<vmem>>
          %dma_start3A_332 = tpu.memref_squeeze %dma_start3A_331 : memref<1x2x128xi32, #tpu.memory_space<vmem>> -> memref<2x128xi32, #tpu.memory_space<vmem>>
          %dma_start3A_333 = arith.constant 0 : i32
          %dma_start3A_334 = arith.constant 0 : i32
          %dma_start3A_335 = tpu.memref_slice %arg3[%add3A, %add3A_327, %dma_start3A_333, %dma_start3A_334] : memref<32x80x2x128xi32, #tpu.memory_space<hbm>> -> memref<1x1x2x128xi32, #tpu.memory_space<hbm>>
          %dma_start3A_336 = tpu.memref_squeeze %dma_start3A_335 : memref<1x1x2x128xi32, #tpu.memory_space<hbm>> -> memref<2x128xi32, #tpu.memory_space<hbm>>
          %dma_start3A_337 = arith.constant 0 : i32
          %dma_start3A_338 = arith.constant 0 : i32
          %dma_start3A_339 = tpu.memref_slice %arg6[%dma_start3A_328, %dma_start3A_337, %dma_start3A_338] : memref<4x2x128xi32, #tpu.memory_space<vmem>> -> memref<1x2x128xi32, #tpu.memory_space<vmem>>
          %dma_start3A_340 = tpu.memref_squeeze %dma_start3A_339 : memref<1x2x128xi32, #tpu.memory_space<vmem>> -> memref<2x128xi32, #tpu.memory_space<vmem>>
          %dma_start3A_341 = arith.constant 0 : i32
          %dma_start3A_342 = arith.constant 0 : i32
          %dma_start3A_343 = tpu.memref_slice %arg3[%add3A, %add3A_327, %dma_start3A_341, %dma_start3A_342] : memref<32x80x2x128xi32, #tpu.memory_space<hbm>> -> memref<1x1x2x128xi32, #tpu.memory_space<hbm>>
          %dma_start3A_344 = tpu.memref_squeeze %dma_start3A_343 : memref<1x1x2x128xi32, #tpu.memory_space<hbm>> -> memref<2x128xi32, #tpu.memory_space<hbm>>
          tpu.enqueue_dma source(%dma_start3A_344 : memref<2x128xi32, #tpu.memory_space<hbm>>) target(%dma_start3A_340 : memref<2x128xi32, #tpu.memory_space<vmem>>) target_semaphore(%arg9 : memref<!tpu.dma_semaphore, #tpu.memory_space<semaphore_mem>>)
        } else {
        }
      } else {
      }
      %mul3A_230 = arith.constant 4 : i32
      %mul3A_231 = arith.muli %scan3A_162, %mul3A_230 : i32
      %add3A_232 = arith.constant 2 : i32
      %add3A_233 = arith.addi %mul3A_231, %add3A_232 : i32
      %dma_wait3A_234 = arith.constant 2 : i32
      %dma_wait3A_235 = arith.constant 0 : i32
      %dma_wait3A_236 = arith.constant 0 : i32
      %dma_wait3A_237 = arith.constant 0 : i32
      %dma_wait3A_238 = arith.constant 0 : i32
      %dma_wait3A_239 = tpu.memref_slice %arg7[%dma_wait3A_236, %dma_wait3A_237, %dma_wait3A_238] : memref<2x128x128xf32, #tpu.memory_space<vmem>> -> memref<1x128x128xf32, #tpu.memory_space<vmem>>
      %dma_wait3A_240 = tpu.memref_squeeze %dma_wait3A_239 : memref<1x128x128xf32, #tpu.memory_space<vmem>> -> memref<128x128xf32, #tpu.memory_space<vmem>>
      %dma_wait3A_241 = arith.constant 0 : i32
      %dma_wait3A_242 = tpu.memref_slice %arg6[%dma_wait3A_234, %dma_wait3A_235, %dma_wait3A_241] : memref<4x2x128xi32, #tpu.memory_space<vmem>> -> memref<1x1x128xi32, #tpu.memory_space<vmem>>
      %dma_wait3A_243 = tpu.memref_squeeze %dma_wait3A_242 : memref<1x1x128xi32, #tpu.memory_space<vmem>> -> memref<128xi32, #tpu.memory_space<vmem>>
      %dma_wait3A_244 = arith.constant 0 : i32
      %dma_wait3A_245 = arith.constant 0 : i32
      %dma_wait3A_246 = tpu.memref_slice %arg2[%dma_wait3A_244, %dma_wait3A_245] : memref<10000x128xf32, #tpu.memory_space<hbm>> -> memref<10000x128xf32, #tpu.memory_space<hbm>>
      tpu.wait_indirect_dma semaphore(%arg13 : memref<!tpu.dma_semaphore, #tpu.memory_space<semaphore_mem>>) src(%dma_wait3A_246 : memref<10000x128xf32, #tpu.memory_space<hbm>>) dst(%dma_wait3A_240 : memref<128x128xf32, #tpu.memory_space<vmem>>)
      %dma_start3A_247 = arith.constant 0 : i32
      %dma_start3A_248 = arith.constant 2 : i32
      %dma_start3A_249 = arith.constant 1 : i32
      %dma_start3A_250 = arith.constant 0 : i32
      %dma_start3A_251 = arith.constant 0 : i32
      %dma_start3A_252 = tpu.memref_slice %arg7[%dma_start3A_247, %dma_start3A_250, %dma_start3A_251] : memref<2x128x128xf32, #tpu.memory_space<vmem>> -> memref<1x128x128xf32, #tpu.memory_space<vmem>>
      %dma_start3A_253 = tpu.memref_squeeze %dma_start3A_252 : memref<1x128x128xf32, #tpu.memory_space<vmem>> -> memref<128x128xf32, #tpu.memory_space<vmem>>
      %dma_start3A_254 = arith.constant 0 : i32
      %dma_start3A_255 = tpu.memref_slice %arg6[%dma_start3A_248, %dma_start3A_249, %dma_start3A_254] : memref<4x2x128xi32, #tpu.memory_space<vmem>> -> memref<1x1x128xi32, #tpu.memory_space<vmem>>
      %dma_start3A_256 = tpu.memref_squeeze %dma_start3A_255 : memref<1x1x128xi32, #tpu.memory_space<vmem>> -> memref<128xi32, #tpu.memory_space<vmem>>
      %dma_start3A_257 = arith.constant 0 : i32
      %dma_start3A_258 = arith.constant 0 : i32
      %dma_start3A_259 = tpu.memref_slice %arg8[%dma_start3A_257, %dma_start3A_258] : memref<10112x128xf32, #tpu.memory_space<vmem_shared>> -> memref<10112x128xf32, #tpu.memory_space<vmem_shared>>
      tpu.enqueue_indirect_dma source(%dma_start3A_253 : memref<128x128xf32, #tpu.memory_space<vmem>>) target(%dma_start3A_259 : memref<10112x128xf32, #tpu.memory_space<vmem_shared>>) offsets(%dma_start3A_256 : memref<128xi32, #tpu.memory_space<vmem>>) semaphore(%arg15 : memref<!tpu.dma_semaphore, #tpu.memory_space<semaphore_mem>>) {add = true}
      %ge3A_260 = arith.constant 1 : i32
      %ge3A_261 = arith.cmpi sge, %add3A_233, %ge3A_260 : i32
      %convert_element_type3A_262 = arith.extui %ge3A_261 : i1 to i32
      %cond3A_263 = arith.constant 0 : i32
      %cond3A_264 = arith.cmpi ne, %convert_element_type3A_262, %cond3A_263 : i32
      scf.if %cond3A_264 {
        %dma_wait3A_300 = arith.constant 1 : i32
        %dma_wait3A_301 = arith.constant 1 : i32
        %dma_wait3A_302 = arith.constant 1 : i32
        %dma_wait3A_303 = arith.constant 0 : i32
        %dma_wait3A_304 = arith.constant 0 : i32
        %dma_wait3A_305 = tpu.memref_slice %arg7[%dma_wait3A_300, %dma_wait3A_303, %dma_wait3A_304] : memref<2x128x128xf32, #tpu.memory_space<vmem>> -> memref<1x128x128xf32, #tpu.memory_space<vmem>>
        %dma_wait3A_306 = tpu.memref_squeeze %dma_wait3A_305 : memref<1x128x128xf32, #tpu.memory_space<vmem>> -> memref<128x128xf32, #tpu.memory_space<vmem>>
        %dma_wait3A_307 = arith.constant 0 : i32
        %dma_wait3A_308 = tpu.memref_slice %arg6[%dma_wait3A_301, %dma_wait3A_302, %dma_wait3A_307] : memref<4x2x128xi32, #tpu.memory_space<vmem>> -> memref<1x1x128xi32, #tpu.memory_space<vmem>>
        %dma_wait3A_309 = tpu.memref_squeeze %dma_wait3A_308 : memref<1x1x128xi32, #tpu.memory_space<vmem>> -> memref<128xi32, #tpu.memory_space<vmem>>
        %dma_wait3A_310 = arith.constant 0 : i32
        %dma_wait3A_311 = arith.constant 0 : i32
        %dma_wait3A_312 = tpu.memref_slice %arg8[%dma_wait3A_310, %dma_wait3A_311] : memref<10112x128xf32, #tpu.memory_space<vmem_shared>> -> memref<10112x128xf32, #tpu.memory_space<vmem_shared>>
        tpu.wait_indirect_dma semaphore(%arg16 : memref<!tpu.dma_semaphore, #tpu.memory_space<semaphore_mem>>) src(%dma_wait3A_306 : memref<128x128xf32, #tpu.memory_space<vmem>>) dst(%dma_wait3A_312 : memref<10112x128xf32, #tpu.memory_space<vmem_shared>>)
        %add3A_313 = arith.constant 1 : i32
        %add3A_314 = arith.addi %add3A_233, %add3A_313 : i32
        %lt3A = arith.constant 80 : i32
        %lt3A_315 = arith.cmpi slt, %add3A_314, %lt3A : i32
        %convert_element_type3A_316 = arith.extui %lt3A_315 : i1 to i32
        %cond3A_317 = arith.constant 0 : i32
        %cond3A_318 = arith.cmpi ne, %convert_element_type3A_316, %cond3A_317 : i32
        scf.if %cond3A_318 {
          %add3A_326 = arith.constant 1 : i32
          %add3A_327 = arith.addi %add3A_233, %add3A_326 : i32
          %dma_wait3A_328 = arith.constant 3 : i32
          %dma_wait3A_329 = arith.constant 0 : i32
          %dma_wait3A_330 = arith.constant 0 : i32
          %dma_wait3A_331 = tpu.memref_slice %arg6[%dma_wait3A_328, %dma_wait3A_329, %dma_wait3A_330] : memref<4x2x128xi32, #tpu.memory_space<vmem>> -> memref<1x2x128xi32, #tpu.memory_space<vmem>>
          %dma_wait3A_332 = tpu.memref_squeeze %dma_wait3A_331 : memref<1x2x128xi32, #tpu.memory_space<vmem>> -> memref<2x128xi32, #tpu.memory_space<vmem>>
          %dma_wait3A_333 = arith.constant 0 : i32
          %dma_wait3A_334 = arith.constant 0 : i32
          %dma_wait3A_335 = tpu.memref_slice %arg3[%add3A, %add3A_327, %dma_wait3A_333, %dma_wait3A_334] : memref<32x80x2x128xi32, #tpu.memory_space<hbm>> -> memref<1x1x2x128xi32, #tpu.memory_space<hbm>>
          %dma_wait3A_336 = tpu.memref_squeeze %dma_wait3A_335 : memref<1x1x2x128xi32, #tpu.memory_space<hbm>> -> memref<2x128xi32, #tpu.memory_space<hbm>>
          %dma_wait3A_337 = arith.constant 0 : i32
          %dma_wait3A_338 = arith.constant 0 : i32
          %dma_wait3A_339 = tpu.memref_slice %arg6[%dma_wait3A_328, %dma_wait3A_337, %dma_wait3A_338] : memref<4x2x128xi32, #tpu.memory_space<vmem>> -> memref<1x2x128xi32, #tpu.memory_space<vmem>>
          %dma_wait3A_340 = tpu.memref_squeeze %dma_wait3A_339 : memref<1x2x128xi32, #tpu.memory_space<vmem>> -> memref<2x128xi32, #tpu.memory_space<vmem>>
          %dma_wait3A_341 = arith.constant 0 : i32
          %dma_wait3A_342 = arith.constant 0 : i32
          %dma_wait3A_343 = tpu.memref_slice %arg3[%add3A, %add3A_327, %dma_wait3A_341, %dma_wait3A_342] : memref<32x80x2x128xi32, #tpu.memory_space<hbm>> -> memref<1x1x2x128xi32, #tpu.memory_space<hbm>>
          %dma_wait3A_344 = tpu.memref_squeeze %dma_wait3A_343 : memref<1x1x2x128xi32, #tpu.memory_space<hbm>> -> memref<2x128xi32, #tpu.memory_space<hbm>>
          tpu.wait_dma2 semaphore(%arg12 : memref<!tpu.dma_semaphore, #tpu.memory_space<semaphore_mem>>) src(%dma_wait3A_344 : memref<2x128xi32, #tpu.memory_space<hbm>>) dst(%dma_wait3A_340 : memref<2x128xi32, #tpu.memory_space<vmem>>)
          %dma_start3A_345 = arith.constant 3 : i32
          %dma_start3A_346 = arith.constant 0 : i32
          %dma_start3A_347 = arith.constant 1 : i32
          %dma_start3A_348 = arith.constant 0 : i32
          %dma_start3A_349 = arith.constant 0 : i32
          %dma_start3A_350 = tpu.memref_slice %arg7[%dma_start3A_347, %dma_start3A_348, %dma_start3A_349] : memref<2x128x128xf32, #tpu.memory_space<vmem>> -> memref<1x128x128xf32, #tpu.memory_space<vmem>>
          %dma_start3A_351 = tpu.memref_squeeze %dma_start3A_350 : memref<1x128x128xf32, #tpu.memory_space<vmem>> -> memref<128x128xf32, #tpu.memory_space<vmem>>
          %dma_start3A_352 = arith.constant 0 : i32
          %dma_start3A_353 = tpu.memref_slice %arg6[%dma_start3A_345, %dma_start3A_346, %dma_start3A_352] : memref<4x2x128xi32, #tpu.memory_space<vmem>> -> memref<1x1x128xi32, #tpu.memory_space<vmem>>
          %dma_start3A_354 = tpu.memref_squeeze %dma_start3A_353 : memref<1x1x128xi32, #tpu.memory_space<vmem>> -> memref<128xi32, #tpu.memory_space<vmem>>
          %dma_start3A_355 = arith.constant 0 : i32
          %dma_start3A_356 = arith.constant 0 : i32
          %dma_start3A_357 = tpu.memref_slice %arg2[%dma_start3A_355, %dma_start3A_356] : memref<10000x128xf32, #tpu.memory_space<hbm>> -> memref<10000x128xf32, #tpu.memory_space<hbm>>
          tpu.enqueue_indirect_dma source(%dma_start3A_357 : memref<10000x128xf32, #tpu.memory_space<hbm>>) target(%dma_start3A_351 : memref<128x128xf32, #tpu.memory_space<vmem>>) offsets(%dma_start3A_354 : memref<128xi32, #tpu.memory_space<vmem>>) semaphore(%arg14 : memref<!tpu.dma_semaphore, #tpu.memory_space<semaphore_mem>>)
        } else {
        }
        %add3A_319 = arith.constant 3 : i32
        %add3A_320 = arith.addi %add3A_233, %add3A_319 : i32
        %lt3A_321 = arith.constant 80 : i32
        %lt3A_322 = arith.cmpi slt, %add3A_320, %lt3A_321 : i32
        %convert_element_type3A_323 = arith.extui %lt3A_322 : i1 to i32
        %cond3A_324 = arith.constant 0 : i32
        %cond3A_325 = arith.cmpi ne, %convert_element_type3A_323, %cond3A_324 : i32
        scf.if %cond3A_325 {
          %add3A_326 = arith.constant 3 : i32
          %add3A_327 = arith.addi %add3A_233, %add3A_326 : i32
          %dma_start3A_328 = arith.constant 1 : i32
          %dma_start3A_329 = arith.constant 0 : i32
          %dma_start3A_330 = arith.constant 0 : i32
          %dma_start3A_331 = tpu.memref_slice %arg6[%dma_start3A_328, %dma_start3A_329, %dma_start3A_330] : memref<4x2x128xi32, #tpu.memory_space<vmem>> -> memref<1x2x128xi32, #tpu.memory_space<vmem>>
          %dma_start3A_332 = tpu.memref_squeeze %dma_start3A_331 : memref<1x2x128xi32, #tpu.memory_space<vmem>> -> memref<2x128xi32, #tpu.memory_space<vmem>>
          %dma_start3A_333 = arith.constant 0 : i32
          %dma_start3A_334 = arith.constant 0 : i32
          %dma_start3A_335 = tpu.memref_slice %arg3[%add3A, %add3A_327, %dma_start3A_333, %dma_start3A_334] : memref<32x80x2x128xi32, #tpu.memory_space<hbm>> -> memref<1x1x2x128xi32, #tpu.memory_space<hbm>>
          %dma_start3A_336 = tpu.memref_squeeze %dma_start3A_335 : memref<1x1x2x128xi32, #tpu.memory_space<hbm>> -> memref<2x128xi32, #tpu.memory_space<hbm>>
          %dma_start3A_337 = arith.constant 0 : i32
          %dma_start3A_338 = arith.constant 0 : i32
          %dma_start3A_339 = tpu.memref_slice %arg6[%dma_start3A_328, %dma_start3A_337, %dma_start3A_338] : memref<4x2x128xi32, #tpu.memory_space<vmem>> -> memref<1x2x128xi32, #tpu.memory_space<vmem>>
          %dma_start3A_340 = tpu.memref_squeeze %dma_start3A_339 : memref<1x2x128xi32, #tpu.memory_space<vmem>> -> memref<2x128xi32, #tpu.memory_space<vmem>>
          %dma_start3A_341 = arith.constant 0 : i32
          %dma_start3A_342 = arith.constant 0 : i32
          %dma_start3A_343 = tpu.memref_slice %arg3[%add3A, %add3A_327, %dma_start3A_341, %dma_start3A_342] : memref<32x80x2x128xi32, #tpu.memory_space<hbm>> -> memref<1x1x2x128xi32, #tpu.memory_space<hbm>>
          %dma_start3A_344 = tpu.memref_squeeze %dma_start3A_343 : memref<1x1x2x128xi32, #tpu.memory_space<hbm>> -> memref<2x128xi32, #tpu.memory_space<hbm>>
          tpu.enqueue_dma source(%dma_start3A_344 : memref<2x128xi32, #tpu.memory_space<hbm>>) target(%dma_start3A_340 : memref<2x128xi32, #tpu.memory_space<vmem>>) target_semaphore(%arg10 : memref<!tpu.dma_semaphore, #tpu.memory_space<semaphore_mem>>)
        } else {
        }
      } else {
      }
      %mul3A_265 = arith.constant 4 : i32
      %mul3A_266 = arith.muli %scan3A_162, %mul3A_265 : i32
      %add3A_267 = arith.constant 3 : i32
      %add3A_268 = arith.addi %mul3A_266, %add3A_267 : i32
      %dma_wait3A_269 = arith.constant 3 : i32
      %dma_wait3A_270 = arith.constant 0 : i32
      %dma_wait3A_271 = arith.constant 1 : i32
      %dma_wait3A_272 = arith.constant 0 : i32
      %dma_wait3A_273 = arith.constant 0 : i32
      %dma_wait3A_274 = tpu.memref_slice %arg7[%dma_wait3A_271, %dma_wait3A_272, %dma_wait3A_273] : memref<2x128x128xf32, #tpu.memory_space<vmem>> -> memref<1x128x128xf32, #tpu.memory_space<vmem>>
      %dma_wait3A_275 = tpu.memref_squeeze %dma_wait3A_274 : memref<1x128x128xf32, #tpu.memory_space<vmem>> -> memref<128x128xf32, #tpu.memory_space<vmem>>
      %dma_wait3A_276 = arith.constant 0 : i32
      %dma_wait3A_277 = tpu.memref_slice %arg6[%dma_wait3A_269, %dma_wait3A_270, %dma_wait3A_276] : memref<4x2x128xi32, #tpu.memory_space<vmem>> -> memref<1x1x128xi32, #tpu.memory_space<vmem>>
      %dma_wait3A_278 = tpu.memref_squeeze %dma_wait3A_277 : memref<1x1x128xi32, #tpu.memory_space<vmem>> -> memref<128xi32, #tpu.memory_space<vmem>>
      %dma_wait3A_279 = arith.constant 0 : i32
      %dma_wait3A_280 = arith.constant 0 : i32
      %dma_wait3A_281 = tpu.memref_slice %arg2[%dma_wait3A_279, %dma_wait3A_280] : memref<10000x128xf32, #tpu.memory_space<hbm>> -> memref<10000x128xf32, #tpu.memory_space<hbm>>
      tpu.wait_indirect_dma semaphore(%arg14 : memref<!tpu.dma_semaphore, #tpu.memory_space<semaphore_mem>>) src(%dma_wait3A_281 : memref<10000x128xf32, #tpu.memory_space<hbm>>) dst(%dma_wait3A_275 : memref<128x128xf32, #tpu.memory_space<vmem>>)
      %dma_start3A_282 = arith.constant 1 : i32
      %dma_start3A_283 = arith.constant 3 : i32
      %dma_start3A_284 = arith.constant 1 : i32
      %dma_start3A_285 = arith.constant 0 : i32
      %dma_start3A_286 = arith.constant 0 : i32
      %dma_start3A_287 = tpu.memref_slice %arg7[%dma_start3A_282, %dma_start3A_285, %dma_start3A_286] : memref<2x128x128xf32, #tpu.memory_space<vmem>> -> memref<1x128x128xf32, #tpu.memory_space<vmem>>
      %dma_start3A_288 = tpu.memref_squeeze %dma_start3A_287 : memref<1x128x128xf32, #tpu.memory_space<vmem>> -> memref<128x128xf32, #tpu.memory_space<vmem>>
      %dma_start3A_289 = arith.constant 0 : i32
      %dma_start3A_290 = tpu.memref_slice %arg6[%dma_start3A_283, %dma_start3A_284, %dma_start3A_289] : memref<4x2x128xi32, #tpu.memory_space<vmem>> -> memref<1x1x128xi32, #tpu.memory_space<vmem>>
      %dma_start3A_291 = tpu.memref_squeeze %dma_start3A_290 : memref<1x1x128xi32, #tpu.memory_space<vmem>> -> memref<128xi32, #tpu.memory_space<vmem>>
      %dma_start3A_292 = arith.constant 0 : i32
      %dma_start3A_293 = arith.constant 0 : i32
      %dma_start3A_294 = tpu.memref_slice %arg8[%dma_start3A_292, %dma_start3A_293] : memref<10112x128xf32, #tpu.memory_space<vmem_shared>> -> memref<10112x128xf32, #tpu.memory_space<vmem_shared>>
      tpu.enqueue_indirect_dma source(%dma_start3A_288 : memref<128x128xf32, #tpu.memory_space<vmem>>) target(%dma_start3A_294 : memref<10112x128xf32, #tpu.memory_space<vmem_shared>>) offsets(%dma_start3A_291 : memref<128xi32, #tpu.memory_space<vmem>>) semaphore(%arg16 : memref<!tpu.dma_semaphore, #tpu.memory_space<semaphore_mem>>) {add = true}
      %ge3A_295 = arith.constant 1 : i32
      %ge3A_296 = arith.cmpi sge, %add3A_268, %ge3A_295 : i32
      %convert_element_type3A_297 = arith.extui %ge3A_296 : i1 to i32
      %cond3A_298 = arith.constant 0 : i32
      %cond3A_299 = arith.cmpi ne, %convert_element_type3A_297, %cond3A_298 : i32
      scf.if %cond3A_299 {
        %dma_wait3A_300 = arith.constant 0 : i32
        %dma_wait3A_301 = arith.constant 2 : i32
        %dma_wait3A_302 = arith.constant 1 : i32
        %dma_wait3A_303 = arith.constant 0 : i32
        %dma_wait3A_304 = arith.constant 0 : i32
        %dma_wait3A_305 = tpu.memref_slice %arg7[%dma_wait3A_300, %dma_wait3A_303, %dma_wait3A_304] : memref<2x128x128xf32, #tpu.memory_space<vmem>> -> memref<1x128x128xf32, #tpu.memory_space<vmem>>
        %dma_wait3A_306 = tpu.memref_squeeze %dma_wait3A_305 : memref<1x128x128xf32, #tpu.memory_space<vmem>> -> memref<128x128xf32, #tpu.memory_space<vmem>>
        %dma_wait3A_307 = arith.constant 0 : i32
        %dma_wait3A_308 = tpu.memref_slice %arg6[%dma_wait3A_301, %dma_wait3A_302, %dma_wait3A_307] : memref<4x2x128xi32, #tpu.memory_space<vmem>> -> memref<1x1x128xi32, #tpu.memory_space<vmem>>
        %dma_wait3A_309 = tpu.memref_squeeze %dma_wait3A_308 : memref<1x1x128xi32, #tpu.memory_space<vmem>> -> memref<128xi32, #tpu.memory_space<vmem>>
        %dma_wait3A_310 = arith.constant 0 : i32
        %dma_wait3A_311 = arith.constant 0 : i32
        %dma_wait3A_312 = tpu.memref_slice %arg8[%dma_wait3A_310, %dma_wait3A_311] : memref<10112x128xf32, #tpu.memory_space<vmem_shared>> -> memref<10112x128xf32, #tpu.memory_space<vmem_shared>>
        tpu.wait_indirect_dma semaphore(%arg15 : memref<!tpu.dma_semaphore, #tpu.memory_space<semaphore_mem>>) src(%dma_wait3A_306 : memref<128x128xf32, #tpu.memory_space<vmem>>) dst(%dma_wait3A_312 : memref<10112x128xf32, #tpu.memory_space<vmem_shared>>)
        %add3A_313 = arith.constant 1 : i32
        %add3A_314 = arith.addi %add3A_268, %add3A_313 : i32
        %lt3A = arith.constant 80 : i32
        %lt3A_315 = arith.cmpi slt, %add3A_314, %lt3A : i32
        %convert_element_type3A_316 = arith.extui %lt3A_315 : i1 to i32
        %cond3A_317 = arith.constant 0 : i32
        %cond3A_318 = arith.cmpi ne, %convert_element_type3A_316, %cond3A_317 : i32
        scf.if %cond3A_318 {
          %add3A_326 = arith.constant 1 : i32
          %add3A_327 = arith.addi %add3A_268, %add3A_326 : i32
          %dma_wait3A_328 = arith.constant 0 : i32
          %dma_wait3A_329 = arith.constant 0 : i32
          %dma_wait3A_330 = arith.constant 0 : i32
          %dma_wait3A_331 = tpu.memref_slice %arg6[%dma_wait3A_328, %dma_wait3A_329, %dma_wait3A_330] : memref<4x2x128xi32, #tpu.memory_space<vmem>> -> memref<1x2x128xi32, #tpu.memory_space<vmem>>
          %dma_wait3A_332 = tpu.memref_squeeze %dma_wait3A_331 : memref<1x2x128xi32, #tpu.memory_space<vmem>> -> memref<2x128xi32, #tpu.memory_space<vmem>>
          %dma_wait3A_333 = arith.constant 0 : i32
          %dma_wait3A_334 = arith.constant 0 : i32
          %dma_wait3A_335 = tpu.memref_slice %arg3[%add3A, %add3A_327, %dma_wait3A_333, %dma_wait3A_334] : memref<32x80x2x128xi32, #tpu.memory_space<hbm>> -> memref<1x1x2x128xi32, #tpu.memory_space<hbm>>
          %dma_wait3A_336 = tpu.memref_squeeze %dma_wait3A_335 : memref<1x1x2x128xi32, #tpu.memory_space<hbm>> -> memref<2x128xi32, #tpu.memory_space<hbm>>
          %dma_wait3A_337 = arith.constant 0 : i32
          %dma_wait3A_338 = arith.constant 0 : i32
          %dma_wait3A_339 = tpu.memref_slice %arg6[%dma_wait3A_328, %dma_wait3A_337, %dma_wait3A_338] : memref<4x2x128xi32, #tpu.memory_space<vmem>> -> memref<1x2x128xi32, #tpu.memory_space<vmem>>
          %dma_wait3A_340 = tpu.memref_squeeze %dma_wait3A_339 : memref<1x2x128xi32, #tpu.memory_space<vmem>> -> memref<2x128xi32, #tpu.memory_space<vmem>>
          %dma_wait3A_341 = arith.constant 0 : i32
          %dma_wait3A_342 = arith.constant 0 : i32
          %dma_wait3A_343 = tpu.memref_slice %arg3[%add3A, %add3A_327, %dma_wait3A_341, %dma_wait3A_342] : memref<32x80x2x128xi32, #tpu.memory_space<hbm>> -> memref<1x1x2x128xi32, #tpu.memory_space<hbm>>
          %dma_wait3A_344 = tpu.memref_squeeze %dma_wait3A_343 : memref<1x1x2x128xi32, #tpu.memory_space<hbm>> -> memref<2x128xi32, #tpu.memory_space<hbm>>
          tpu.wait_dma2 semaphore(%arg9 : memref<!tpu.dma_semaphore, #tpu.memory_space<semaphore_mem>>) src(%dma_wait3A_344 : memref<2x128xi32, #tpu.memory_space<hbm>>) dst(%dma_wait3A_340 : memref<2x128xi32, #tpu.memory_space<vmem>>)
          %dma_start3A_345 = arith.constant 0 : i32
          %dma_start3A_346 = arith.constant 0 : i32
          %dma_start3A_347 = arith.constant 0 : i32
          %dma_start3A_348 = arith.constant 0 : i32
          %dma_start3A_349 = arith.constant 0 : i32
          %dma_start3A_350 = tpu.memref_slice %arg7[%dma_start3A_347, %dma_start3A_348, %dma_start3A_349] : memref<2x128x128xf32, #tpu.memory_space<vmem>> -> memref<1x128x128xf32, #tpu.memory_space<vmem>>
          %dma_start3A_351 = tpu.memref_squeeze %dma_start3A_350 : memref<1x128x128xf32, #tpu.memory_space<vmem>> -> memref<128x128xf32, #tpu.memory_space<vmem>>
          %dma_start3A_352 = arith.constant 0 : i32
          %dma_start3A_353 = tpu.memref_slice %arg6[%dma_start3A_345, %dma_start3A_346, %dma_start3A_352] : memref<4x2x128xi32, #tpu.memory_space<vmem>> -> memref<1x1x128xi32, #tpu.memory_space<vmem>>
          %dma_start3A_354 = tpu.memref_squeeze %dma_start3A_353 : memref<1x1x128xi32, #tpu.memory_space<vmem>> -> memref<128xi32, #tpu.memory_space<vmem>>
          %dma_start3A_355 = arith.constant 0 : i32
          %dma_start3A_356 = arith.constant 0 : i32
          %dma_start3A_357 = tpu.memref_slice %arg2[%dma_start3A_355, %dma_start3A_356] : memref<10000x128xf32, #tpu.memory_space<hbm>> -> memref<10000x128xf32, #tpu.memory_space<hbm>>
          tpu.enqueue_indirect_dma source(%dma_start3A_357 : memref<10000x128xf32, #tpu.memory_space<hbm>>) target(%dma_start3A_351 : memref<128x128xf32, #tpu.memory_space<vmem>>) offsets(%dma_start3A_354 : memref<128xi32, #tpu.memory_space<vmem>>) semaphore(%arg13 : memref<!tpu.dma_semaphore, #tpu.memory_space<semaphore_mem>>)
        } else {
        }
        %add3A_319 = arith.constant 3 : i32
        %add3A_320 = arith.addi %add3A_268, %add3A_319 : i32
        %lt3A_321 = arith.constant 80 : i32
        %lt3A_322 = arith.cmpi slt, %add3A_320, %lt3A_321 : i32
        %convert_element_type3A_323 = arith.extui %lt3A_322 : i1 to i32
        %cond3A_324 = arith.constant 0 : i32
        %cond3A_325 = arith.cmpi ne, %convert_element_type3A_323, %cond3A_324 : i32
        scf.if %cond3A_325 {
          %add3A_326 = arith.constant 3 : i32
          %add3A_327 = arith.addi %add3A_268, %add3A_326 : i32
          %dma_start3A_328 = arith.constant 2 : i32
          %dma_start3A_329 = arith.constant 0 : i32
          %dma_start3A_330 = arith.constant 0 : i32
          %dma_start3A_331 = tpu.memref_slice %arg6[%dma_start3A_328, %dma_start3A_329, %dma_start3A_330] : memref<4x2x128xi32, #tpu.memory_space<vmem>> -> memref<1x2x128xi32, #tpu.memory_space<vmem>>
          %dma_start3A_332 = tpu.memref_squeeze %dma_start3A_331 : memref<1x2x128xi32, #tpu.memory_space<vmem>> -> memref<2x128xi32, #tpu.memory_space<vmem>>
          %dma_start3A_333 = arith.constant 0 : i32
          %dma_start3A_334 = arith.constant 0 : i32
          %dma_start3A_335 = tpu.memref_slice %arg3[%add3A, %add3A_327, %dma_start3A_333, %dma_start3A_334] : memref<32x80x2x128xi32, #tpu.memory_space<hbm>> -> memref<1x1x2x128xi32, #tpu.memory_space<hbm>>
          %dma_start3A_336 = tpu.memref_squeeze %dma_start3A_335 : memref<1x1x2x128xi32, #tpu.memory_space<hbm>> -> memref<2x128xi32, #tpu.memory_space<hbm>>
          %dma_start3A_337 = arith.constant 0 : i32
          %dma_start3A_338 = arith.constant 0 : i32
          %dma_start3A_339 = tpu.memref_slice %arg6[%dma_start3A_328, %dma_start3A_337, %dma_start3A_338] : memref<4x2x128xi32, #tpu.memory_space<vmem>> -> memref<1x2x128xi32, #tpu.memory_space<vmem>>
          %dma_start3A_340 = tpu.memref_squeeze %dma_start3A_339 : memref<1x2x128xi32, #tpu.memory_space<vmem>> -> memref<2x128xi32, #tpu.memory_space<vmem>>
          %dma_start3A_341 = arith.constant 0 : i32
          %dma_start3A_342 = arith.constant 0 : i32
          %dma_start3A_343 = tpu.memref_slice %arg3[%add3A, %add3A_327, %dma_start3A_341, %dma_start3A_342] : memref<32x80x2x128xi32, #tpu.memory_space<hbm>> -> memref<1x1x2x128xi32, #tpu.memory_space<hbm>>
          %dma_start3A_344 = tpu.memref_squeeze %dma_start3A_343 : memref<1x1x2x128xi32, #tpu.memory_space<hbm>> -> memref<2x128xi32, #tpu.memory_space<hbm>>
          tpu.enqueue_dma source(%dma_start3A_344 : memref<2x128xi32, #tpu.memory_space<hbm>>) target(%dma_start3A_340 : memref<2x128xi32, #tpu.memory_space<vmem>>) target_semaphore(%arg11 : memref<!tpu.dma_semaphore, #tpu.memory_space<semaphore_mem>>)
        } else {
        }
      } else {
      }
    }
    %scan3A_147 = arith.constant 20 : i32
    %dma_wait3A_148 = arith.constant 1 : i32
    %dma_wait3A_149 = arith.constant 3 : i32
    %dma_wait3A_150 = arith.constant 1 : i32
    %dma_wait3A_151 = arith.constant 0 : i32
    %dma_wait3A_152 = arith.constant 0 : i32
    %dma_wait3A_153 = tpu.memref_slice %arg7[%dma_wait3A_148, %dma_wait3A_151, %dma_wait3A_152] : memref<2x128x128xf32, #tpu.memory_space<vmem>> -> memref<1x128x128xf32, #tpu.memory_space<vmem>>
    %dma_wait3A_154 = tpu.memref_squeeze %dma_wait3A_153 : memref<1x128x128xf32, #tpu.memory_space<vmem>> -> memref<128x128xf32, #tpu.memory_space<vmem>>
    %dma_wait3A_155 = arith.constant 0 : i32
    %dma_wait3A_156 = tpu.memref_slice %arg6[%dma_wait3A_149, %dma_wait3A_150, %dma_wait3A_155] : memref<4x2x128xi32, #tpu.memory_space<vmem>> -> memref<1x1x128xi32, #tpu.memory_space<vmem>>
    %dma_wait3A_157 = tpu.memref_squeeze %dma_wait3A_156 : memref<1x1x128xi32, #tpu.memory_space<vmem>> -> memref<128xi32, #tpu.memory_space<vmem>>
    %dma_wait3A_158 = arith.constant 0 : i32
    %dma_wait3A_159 = arith.constant 0 : i32
    %dma_wait3A_160 = tpu.memref_slice %arg8[%dma_wait3A_158, %dma_wait3A_159] : memref<10112x128xf32, #tpu.memory_space<vmem_shared>> -> memref<10112x128xf32, #tpu.memory_space<vmem_shared>>
    tpu.wait_indirect_dma semaphore(%arg16 : memref<!tpu.dma_semaphore, #tpu.memory_space<semaphore_mem>>) src(%dma_wait3A_154 : memref<128x128xf32, #tpu.memory_space<vmem>>) dst(%dma_wait3A_160 : memref<10112x128xf32, #tpu.memory_space<vmem_shared>>)
    %barrier3A_161 = arith.constant 0 : index
    tpu.barrier barrier_id(%barrier3A_161)
    "tpu.region"() ({
      %run_scoped3A = tpu.sem_alloc : memref<!tpu.dma_semaphore, #tpu.memory_space<semaphore_mem>>
      %dma_start3A_162 = arith.constant 0 : i32
      %dma_start3A_163 = tpu.memref_slice %arg5[%arg0, %mul3A_2, %dma_start3A_162] : memref<2x10112x128xf32, #tpu.memory_space<hbm>> -> memref<1x632x128xf32, #tpu.memory_space<hbm>>
      %dma_start3A_164 = tpu.memref_squeeze %dma_start3A_163 : memref<1x632x128xf32, #tpu.memory_space<hbm>> -> memref<632x128xf32, #tpu.memory_space<hbm>>
      %dma_start3A_165 = arith.constant 0 : i32
      %dma_start3A_166 = tpu.memref_slice %arg8[%mul3A_2, %dma_start3A_165] : memref<10112x128xf32, #tpu.memory_space<vmem_shared>> -> memref<632x128xf32, #tpu.memory_space<vmem_shared>>
      tpu.enqueue_dma source(%dma_start3A_166 : memref<632x128xf32, #tpu.memory_space<vmem_shared>>) target(%dma_start3A_164 : memref<632x128xf32, #tpu.memory_space<hbm>>) target_semaphore(%run_scoped3A : memref<!tpu.dma_semaphore, #tpu.memory_space<semaphore_mem>>)
      %dma_wait3A_167 = arith.constant 0 : i32
      %dma_wait3A_168 = tpu.memref_slice %arg5[%arg0, %mul3A_2, %dma_wait3A_167] : memref<2x10112x128xf32, #tpu.memory_space<hbm>> -> memref<1x632x128xf32, #tpu.memory_space<hbm>>
      %dma_wait3A_169 = tpu.memref_squeeze %dma_wait3A_168 : memref<1x632x128xf32, #tpu.memory_space<hbm>> -> memref<632x128xf32, #tpu.memory_space<hbm>>
      %dma_wait3A_170 = arith.constant 0 : i32
      %dma_wait3A_171 = tpu.memref_slice %arg8[%mul3A_2, %dma_wait3A_170] : memref<10112x128xf32, #tpu.memory_space<vmem_shared>> -> memref<632x128xf32, #tpu.memory_space<vmem_shared>>
      tpu.wait_dma2 semaphore(%run_scoped3A : memref<!tpu.dma_semaphore, #tpu.memory_space<semaphore_mem>>) src(%dma_wait3A_171 : memref<632x128xf32, #tpu.memory_space<vmem_shared>>) dst(%dma_wait3A_169 : memref<632x128xf32, #tpu.memory_space<hbm>>)
      tpu.yield
    }) : () -> ()
    return
  }
}

module attributes {stable_mosaic.version = 14 : i64} {
  func.func @_mlp_body(%arg0: i32, %arg1: memref<1000x128xf32, #tpu.memory_space<vmem>>, %arg2: memref<2x1000x128xf32, #tpu.memory_space<vmem>>, %arg3: memref<1000x1xf32, #tpu.memory_space<vmem>>, %arg4: memref<128x128xf32, #tpu.memory_space<vmem>>, %arg5: memref<1x128xf32, #tpu.memory_space<vmem>>, %arg6: memref<128x128xf32, #tpu.memory_space<vmem>>, %arg7: memref<1x128xf32, #tpu.memory_space<vmem>>, %arg8: memref<128x64xf32, #tpu.memory_space<vmem>>, %arg9: memref<1000x64xf32, #tpu.memory_space<vmem>>, %arg10: memref<1000x128xf32, #tpu.memory_space<vmem>>, %arg11: memref<1000x64xf32, #tpu.memory_space<vmem>>) attributes {dimension_semantics = [#tpu.dimension_semantics<arbitrary>], iteration_bounds = array<i64: 10>, scalar_prefetch = 0 : i64, scratch_operands = 0 : i64, tpu.core_type = #tpu.core_type<tc>, window_params = [{transform_indices = @transform_0, window_bounds = array<i64: 1000, 128>}, {transform_indices = @transform_1, window_bounds = array<i64: 2, 1000, 128>}, {transform_indices = @transform_2, window_bounds = array<i64: 1000, 1>}, {pipeline_mode = #tpu.pipeline_mode<synchronous>, transform_indices = @transform_3, window_bounds = array<i64: 128, 128>}, {pipeline_mode = #tpu.pipeline_mode<synchronous>, transform_indices = @transform_4, window_bounds = array<i64: 1, 128>}, {pipeline_mode = #tpu.pipeline_mode<synchronous>, transform_indices = @transform_5, window_bounds = array<i64: 128, 128>}, {pipeline_mode = #tpu.pipeline_mode<synchronous>, transform_indices = @transform_6, window_bounds = array<i64: 1, 128>}, {pipeline_mode = #tpu.pipeline_mode<synchronous>, transform_indices = @transform_7, window_bounds = array<i64: 128, 64>}, {transform_indices = @transform_8, window_bounds = array<i64: 1000, 64>}, {transform_indices = @transform_9, window_bounds = array<i64: 1000, 128>}, {transform_indices = @transform_10, window_bounds = array<i64: 1000, 64>}]} {
    %get3A = arith.constant 0 : index
    %get3A_0 = arith.constant 0 : index
    %get3A_1 = vector.load %arg1[%get3A, %get3A_0] : memref<1000x128xf32, #tpu.memory_space<vmem>>, vector<1000x128xf32>
    %get3A_2 = arith.constant 0 : index
    %get3A_3 = arith.constant 0 : index
    %get3A_4 = vector.load %arg3[%get3A_2, %get3A_3] : memref<1000x1xf32, #tpu.memory_space<vmem>>, vector<1000x1xf32>
    %mul3A = vector.broadcast %get3A_4 : vector<1000x1xf32> to vector<1000x128xf32>
    %mul3A_5 = arith.mulf %get3A_1, %mul3A : vector<1000x128xf32>
    %get3A_6 = arith.constant 0 : index
    %get3A_7 = arith.constant 0 : index
    %get3A_8 = arith.constant 0 : index
    %get3A_9 = vector.load %arg2[%get3A_6, %get3A_7, %get3A_8] : memref<2x1000x128xf32, #tpu.memory_space<vmem>>, vector<1x1000x128xf32>
    %get3A_10 = vector.shape_cast %get3A_9 : vector<1x1000x128xf32> to vector<1000x128xf32>
    %get3A_11 = arith.constant 1 : index
    %get3A_12 = arith.constant 0 : index
    %get3A_13 = arith.constant 0 : index
    %get3A_14 = vector.load %arg2[%get3A_11, %get3A_12, %get3A_13] : memref<2x1000x128xf32, #tpu.memory_space<vmem>>, vector<1x1000x128xf32>
    %get3A_15 = vector.shape_cast %get3A_14 : vector<1x1000x128xf32> to vector<1000x128xf32>
    %add3A = arith.addf %get3A_10, %get3A_15 : vector<1000x128xf32>
    %add3A_16 = arith.addf %mul3A_5, %add3A : vector<1000x128xf32>
    %get3A_17 = arith.constant 0 : index
    %get3A_18 = arith.constant 0 : index
    %get3A_19 = vector.load %arg4[%get3A_17, %get3A_18] : memref<128x128xf32, #tpu.memory_space<vmem>>, vector<128x128xf32>
    %dot_general3A = arith.constant dense<0.000000e+00> : vector<1000x128xf32>
    %dot_general3A_20 = tpu.matmul %add3A_16, %get3A_19, %dot_general3A {dimension_numbers = #tpu.dot_dimension_numbers<[1], [0], [0], [1], [0, 0, 1, 1], [], []>, transpose_lhs_hint = false} : vector<1000x128xf32>, vector<128x128xf32>, vector<1000x128xf32> -> vector<1000x128xf32>
    %get3A_21 = arith.constant 0 : index
    %get3A_22 = arith.constant 0 : index
    %get3A_23 = vector.load %arg5[%get3A_21, %get3A_22] : memref<1x128xf32, #tpu.memory_space<vmem>>, vector<1x128xf32>
    %add3A_24 = vector.broadcast %get3A_23 : vector<1x128xf32> to vector<1000x128xf32>
    %add3A_25 = arith.addf %dot_general3A_20, %add3A_24 : vector<1000x128xf32>
    %max3A = arith.constant 0.000000e+00 : f32
    %max3A_26 = vector.broadcast %max3A : f32 to vector<1000x128xf32>
    %max3A_27 = arith.maximumf %add3A_25, %max3A_26 : vector<1000x128xf32>
    %get3A_28 = arith.constant 0 : index
    %get3A_29 = arith.constant 0 : index
    %get3A_30 = vector.load %arg6[%get3A_28, %get3A_29] : memref<128x128xf32, #tpu.memory_space<vmem>>, vector<128x128xf32>
    %dot_general3A_31 = arith.constant dense<0.000000e+00> : vector<1000x128xf32>
    %dot_general3A_32 = tpu.matmul %max3A_27, %get3A_30, %dot_general3A_31 {dimension_numbers = #tpu.dot_dimension_numbers<[1], [0], [0], [1], [0, 0, 1, 1], [], []>, transpose_lhs_hint = false} : vector<1000x128xf32>, vector<128x128xf32>, vector<1000x128xf32> -> vector<1000x128xf32>
    %get3A_33 = arith.constant 0 : index
    %get3A_34 = arith.constant 0 : index
    %get3A_35 = vector.load %arg7[%get3A_33, %get3A_34] : memref<1x128xf32, #tpu.memory_space<vmem>>, vector<1x128xf32>
    %add3A_36 = vector.broadcast %get3A_35 : vector<1x128xf32> to vector<1000x128xf32>
    %add3A_37 = arith.addf %dot_general3A_32, %add3A_36 : vector<1000x128xf32>
    %max3A_38 = arith.constant 0.000000e+00 : f32
    %max3A_39 = vector.broadcast %max3A_38 : f32 to vector<1000x128xf32>
    %max3A_40 = arith.maximumf %add3A_37, %max3A_39 : vector<1000x128xf32>
    %swap3A = arith.constant 0 : index
    %swap3A_41 = arith.constant 0 : index
    %swap3A_42 = vector.load %arg10[%swap3A, %swap3A_41] : memref<1000x128xf32, #tpu.memory_space<vmem>>, vector<1000x128xf32>
    tpu.vector_store %arg10[%swap3A, %swap3A_41], %max3A_40 {strides = array<i32>} : memref<1000x128xf32, #tpu.memory_space<vmem>>, vector<1000x128xf32>,
    %get3A_43 = arith.constant 0 : index
    %get3A_44 = arith.constant 0 : index
    %get3A_45 = vector.load %arg8[%get3A_43, %get3A_44] : memref<128x64xf32, #tpu.memory_space<vmem>>, vector<128x64xf32>
    %dot_general3A_46 = arith.constant dense<0.000000e+00> : vector<1000x64xf32>
    %dot_general3A_47 = tpu.matmul %max3A_40, %get3A_45, %dot_general3A_46 {dimension_numbers = #tpu.dot_dimension_numbers<[1], [0], [0], [1], [0, 0, 1, 1], [], []>, transpose_lhs_hint = false} : vector<1000x128xf32>, vector<128x64xf32>, vector<1000x64xf32> -> vector<1000x64xf32>
    %get3A_48 = arith.constant 0 : index
    %get3A_49 = arith.constant 0 : index
    %get3A_50 = vector.load %arg9[%get3A_48, %get3A_49] : memref<1000x64xf32, #tpu.memory_space<vmem>>, vector<1000x64xf32>
    %add3A_51 = arith.addf %dot_general3A_47, %get3A_50 : vector<1000x64xf32>
    %swap3A_52 = arith.constant 0 : index
    %swap3A_53 = arith.constant 0 : index
    %swap3A_54 = vector.load %arg11[%swap3A_52, %swap3A_53] : memref<1000x64xf32, #tpu.memory_space<vmem>>, vector<1000x64xf32>
    tpu.vector_store %arg11[%swap3A_52, %swap3A_53], %add3A_51 {strides = array<i32>} : memref<1000x64xf32, #tpu.memory_space<vmem>>, vector<1000x64xf32>,
    return
  }
  func.func @transform_0(%arg0: i32) -> (i32, i32) {
    %c0_i32 = arith.constant 0 : i32
    %c0_i32_0 = arith.constant 0 : i32
    return %arg0, %c0_i32 : i32, i32
  }
  func.func @transform_1(%arg0: i32) -> (i32, i32, i32) {
    %c0_i32 = arith.constant 0 : i32
    %c0_i32_0 = arith.constant 0 : i32
    %c0_i32_1 = arith.constant 0 : i32
    return %c0_i32, %arg0, %c0_i32_0 : i32, i32, i32
  }
  func.func @transform_2(%arg0: i32) -> (i32, i32) {
    %c0_i32 = arith.constant 0 : i32
    %c0_i32_0 = arith.constant 0 : i32
    return %arg0, %c0_i32 : i32, i32
  }
  func.func @transform_3(%arg0: i32) -> (i32, i32) {
    %c0_i32 = arith.constant 0 : i32
    %c0_i32_0 = arith.constant 0 : i32
    %c0_i32_1 = arith.constant 0 : i32
    return %c0_i32, %c0_i32_0 : i32, i32
  }
  func.func @transform_4(%arg0: i32) -> (i32, i32) {
    %c0_i32 = arith.constant 0 : i32
    %c0_i32_0 = arith.constant 0 : i32
    %c0_i32_1 = arith.constant 0 : i32
    return %c0_i32, %c0_i32_0 : i32, i32
  }
  func.func @transform_5(%arg0: i32) -> (i32, i32) {
    %c0_i32 = arith.constant 0 : i32
    %c0_i32_0 = arith.constant 0 : i32
    %c0_i32_1 = arith.constant 0 : i32
    return %c0_i32, %c0_i32_0 : i32, i32
  }
  func.func @transform_6(%arg0: i32) -> (i32, i32) {
    %c0_i32 = arith.constant 0 : i32
    %c0_i32_0 = arith.constant 0 : i32
    %c0_i32_1 = arith.constant 0 : i32
    return %c0_i32, %c0_i32_0 : i32, i32
  }
  func.func @transform_7(%arg0: i32) -> (i32, i32) {
    %c0_i32 = arith.constant 0 : i32
    %c0_i32_0 = arith.constant 0 : i32
    %c0_i32_1 = arith.constant 0 : i32
    return %c0_i32, %c0_i32_0 : i32, i32
  }
  func.func @transform_8(%arg0: i32) -> (i32, i32) {
    %c0_i32 = arith.constant 0 : i32
    %c0_i32_0 = arith.constant 0 : i32
    return %arg0, %c0_i32 : i32, i32
  }
  func.func @transform_9(%arg0: i32) -> (i32, i32) {
    %c0_i32 = arith.constant 0 : i32
    %c0_i32_0 = arith.constant 0 : i32
    return %arg0, %c0_i32 : i32, i32
  }
  func.func @transform_10(%arg0: i32) -> (i32, i32) {
    %c0_i32 = arith.constant 0 : i32
    %c0_i32_0 = arith.constant 0 : i32
    return %arg0, %c0_i32 : i32, i32
  }
}

module attributes {stable_mosaic.version = 14 : i64} {
  func.func @_mlp_body(%arg0: i32, %arg1: memref<1000x128xf32, #tpu.memory_space<vmem>>, %arg2: memref<2x1000x128xf32, #tpu.memory_space<vmem>>, %arg3: memref<1000x1xf32, #tpu.memory_space<vmem>>, %arg4: memref<128x128xf32, #tpu.memory_space<vmem>>, %arg5: memref<1x128xf32, #tpu.memory_space<vmem>>, %arg6: memref<128x128xf32, #tpu.memory_space<vmem>>, %arg7: memref<1x128xf32, #tpu.memory_space<vmem>>, %arg8: memref<128x64xf32, #tpu.memory_space<vmem>>, %arg9: memref<1000x64xf32, #tpu.memory_space<vmem>>, %arg10: memref<1000x128xf32, #tpu.memory_space<vmem>>, %arg11: memref<1000x64xf32, #tpu.memory_space<vmem>>) attributes {dimension_semantics = [#tpu.dimension_semantics<arbitrary>], iteration_bounds = array<i64: 10>, scalar_prefetch = 0 : i64, scratch_operands = 0 : i64, tpu.core_type = #tpu.core_type<tc>, window_params = [{transform_indices = @transform_0, window_bounds = array<i64: 1000, 128>}, {transform_indices = @transform_1, window_bounds = array<i64: 2, 1000, 128>}, {transform_indices = @transform_2, window_bounds = array<i64: 1000, 1>}, {pipeline_mode = #tpu.pipeline_mode<synchronous>, transform_indices = @transform_3, window_bounds = array<i64: 128, 128>}, {pipeline_mode = #tpu.pipeline_mode<synchronous>, transform_indices = @transform_4, window_bounds = array<i64: 1, 128>}, {pipeline_mode = #tpu.pipeline_mode<synchronous>, transform_indices = @transform_5, window_bounds = array<i64: 128, 128>}, {pipeline_mode = #tpu.pipeline_mode<synchronous>, transform_indices = @transform_6, window_bounds = array<i64: 1, 128>}, {pipeline_mode = #tpu.pipeline_mode<synchronous>, transform_indices = @transform_7, window_bounds = array<i64: 128, 64>}, {transform_indices = @transform_8, window_bounds = array<i64: 1000, 64>}, {transform_indices = @transform_9, window_bounds = array<i64: 1000, 128>}, {transform_indices = @transform_10, window_bounds = array<i64: 1000, 64>}]} {
    %get3A = arith.constant 0 : index
    %get3A_0 = arith.constant 0 : index
    %get3A_1 = vector.load %arg1[%get3A, %get3A_0] : memref<1000x128xf32, #tpu.memory_space<vmem>>, vector<1000x128xf32>
    %get3A_2 = arith.constant 0 : index
    %get3A_3 = arith.constant 0 : index
    %get3A_4 = vector.load %arg3[%get3A_2, %get3A_3] : memref<1000x1xf32, #tpu.memory_space<vmem>>, vector<1000x1xf32>
    %mul3A = vector.broadcast %get3A_4 : vector<1000x1xf32> to vector<1000x128xf32>
    %mul3A_5 = arith.mulf %get3A_1, %mul3A : vector<1000x128xf32>
    %get3A_6 = arith.constant 0 : index
    %get3A_7 = arith.constant 0 : index
    %get3A_8 = arith.constant 0 : index
    %get3A_9 = vector.load %arg2[%get3A_6, %get3A_7, %get3A_8] : memref<2x1000x128xf32, #tpu.memory_space<vmem>>, vector<1x1000x128xf32>
    %get3A_10 = vector.shape_cast %get3A_9 : vector<1x1000x128xf32> to vector<1000x128xf32>
    %get3A_11 = arith.constant 1 : index
    %get3A_12 = arith.constant 0 : index
    %get3A_13 = arith.constant 0 : index
    %get3A_14 = vector.load %arg2[%get3A_11, %get3A_12, %get3A_13] : memref<2x1000x128xf32, #tpu.memory_space<vmem>>, vector<1x1000x128xf32>
    %get3A_15 = vector.shape_cast %get3A_14 : vector<1x1000x128xf32> to vector<1000x128xf32>
    %add3A = arith.addf %get3A_10, %get3A_15 : vector<1000x128xf32>
    %add3A_16 = arith.addf %mul3A_5, %add3A : vector<1000x128xf32>
    %get3A_17 = arith.constant 0 : index
    %get3A_18 = arith.constant 0 : index
    %get3A_19 = vector.load %arg4[%get3A_17, %get3A_18] : memref<128x128xf32, #tpu.memory_space<vmem>>, vector<128x128xf32>
    %dot_general3A = arith.constant dense<0.000000e+00> : vector<1000x128xf32>
    %dot_general3A_20 = tpu.matmul %add3A_16, %get3A_19, %dot_general3A {dimension_numbers = #tpu.dot_dimension_numbers<[1], [0], [0], [1], [0, 0, 1, 1], [], []>, transpose_lhs_hint = false} : vector<1000x128xf32>, vector<128x128xf32>, vector<1000x128xf32> -> vector<1000x128xf32>
    %get3A_21 = arith.constant 0 : index
    %get3A_22 = arith.constant 0 : index
    %get3A_23 = vector.load %arg5[%get3A_21, %get3A_22] : memref<1x128xf32, #tpu.memory_space<vmem>>, vector<1x128xf32>
    %add3A_24 = vector.broadcast %get3A_23 : vector<1x128xf32> to vector<1000x128xf32>
    %add3A_25 = arith.addf %dot_general3A_20, %add3A_24 : vector<1000x128xf32>
    %max3A = arith.constant 0.000000e+00 : f32
    %max3A_26 = vector.broadcast %max3A : f32 to vector<1000x128xf32>
    %max3A_27 = arith.maximumf %add3A_25, %max3A_26 : vector<1000x128xf32>
    %get3A_28 = arith.constant 0 : index
    %get3A_29 = arith.constant 0 : index
    %get3A_30 = vector.load %arg6[%get3A_28, %get3A_29] : memref<128x128xf32, #tpu.memory_space<vmem>>, vector<128x128xf32>
    %dot_general3A_31 = arith.constant dense<0.000000e+00> : vector<1000x128xf32>
    %dot_general3A_32 = tpu.matmul %max3A_27, %get3A_30, %dot_general3A_31 {dimension_numbers = #tpu.dot_dimension_numbers<[1], [0], [0], [1], [0, 0, 1, 1], [], []>, transpose_lhs_hint = false} : vector<1000x128xf32>, vector<128x128xf32>, vector<1000x128xf32> -> vector<1000x128xf32>
    %get3A_33 = arith.constant 0 : index
    %get3A_34 = arith.constant 0 : index
    %get3A_35 = vector.load %arg7[%get3A_33, %get3A_34] : memref<1x128xf32, #tpu.memory_space<vmem>>, vector<1x128xf32>
    %add3A_36 = vector.broadcast %get3A_35 : vector<1x128xf32> to vector<1000x128xf32>
    %add3A_37 = arith.addf %dot_general3A_32, %add3A_36 : vector<1000x128xf32>
    %max3A_38 = arith.constant 0.000000e+00 : f32
    %max3A_39 = vector.broadcast %max3A_38 : f32 to vector<1000x128xf32>
    %max3A_40 = arith.maximumf %add3A_37, %max3A_39 : vector<1000x128xf32>
    %swap3A = arith.constant 0 : index
    %swap3A_41 = arith.constant 0 : index
    %swap3A_42 = vector.load %arg10[%swap3A, %swap3A_41] : memref<1000x128xf32, #tpu.memory_space<vmem>>, vector<1000x128xf32>
    tpu.vector_store %arg10[%swap3A, %swap3A_41], %max3A_40 {strides = array<i32>} : memref<1000x128xf32, #tpu.memory_space<vmem>>, vector<1000x128xf32>,
    %get3A_43 = arith.constant 0 : index
    %get3A_44 = arith.constant 0 : index
    %get3A_45 = vector.load %arg8[%get3A_43, %get3A_44] : memref<128x64xf32, #tpu.memory_space<vmem>>, vector<128x64xf32>
    %dot_general3A_46 = arith.constant dense<0.000000e+00> : vector<1000x64xf32>
    %dot_general3A_47 = tpu.matmul %max3A_40, %get3A_45, %dot_general3A_46 {dimension_numbers = #tpu.dot_dimension_numbers<[1], [0], [0], [1], [0, 0, 1, 1], [], []>, transpose_lhs_hint = false} : vector<1000x128xf32>, vector<128x64xf32>, vector<1000x64xf32> -> vector<1000x64xf32>
    %get3A_48 = arith.constant 0 : index
    %get3A_49 = arith.constant 0 : index
    %get3A_50 = vector.load %arg9[%get3A_48, %get3A_49] : memref<1000x64xf32, #tpu.memory_space<vmem>>, vector<1000x64xf32>
    %add3A_51 = arith.addf %dot_general3A_47, %get3A_50 : vector<1000x64xf32>
    %swap3A_52 = arith.constant 0 : index
    %swap3A_53 = arith.constant 0 : index
    %swap3A_54 = vector.load %arg11[%swap3A_52, %swap3A_53] : memref<1000x64xf32, #tpu.memory_space<vmem>>, vector<1000x64xf32>
    tpu.vector_store %arg11[%swap3A_52, %swap3A_53], %add3A_51 {strides = array<i32>} : memref<1000x64xf32, #tpu.memory_space<vmem>>, vector<1000x64xf32>,
    return
  }
  func.func @transform_0(%arg0: i32) -> (i32, i32) {
    %c0_i32 = arith.constant 0 : i32
    %c0_i32_0 = arith.constant 0 : i32
    return %arg0, %c0_i32 : i32, i32
  }
  func.func @transform_1(%arg0: i32) -> (i32, i32, i32) {
    %c0_i32 = arith.constant 0 : i32
    %c0_i32_0 = arith.constant 0 : i32
    %c0_i32_1 = arith.constant 0 : i32
    return %c0_i32, %arg0, %c0_i32_0 : i32, i32, i32
  }
  func.func @transform_2(%arg0: i32) -> (i32, i32) {
    %c0_i32 = arith.constant 0 : i32
    %c0_i32_0 = arith.constant 0 : i32
    return %arg0, %c0_i32 : i32, i32
  }
  func.func @transform_3(%arg0: i32) -> (i32, i32) {
    %c0_i32 = arith.constant 0 : i32
    %c0_i32_0 = arith.constant 0 : i32
    %c0_i32_1 = arith.constant 0 : i32
    return %c0_i32, %c0_i32_0 : i32, i32
  }
  func.func @transform_4(%arg0: i32) -> (i32, i32) {
    %c0_i32 = arith.constant 0 : i32
    %c0_i32_0 = arith.constant 0 : i32
    %c0_i32_1 = arith.constant 0 : i32
    return %c0_i32, %c0_i32_0 : i32, i32
  }
  func.func @transform_5(%arg0: i32) -> (i32, i32) {
    %c0_i32 = arith.constant 0 : i32
    %c0_i32_0 = arith.constant 0 : i32
    %c0_i32_1 = arith.constant 0 : i32
    return %c0_i32, %c0_i32_0 : i32, i32
  }
  func.func @transform_6(%arg0: i32) -> (i32, i32) {
    %c0_i32 = arith.constant 0 : i32
    %c0_i32_0 = arith.constant 0 : i32
    %c0_i32_1 = arith.constant 0 : i32
    return %c0_i32, %c0_i32_0 : i32, i32
  }
  func.func @transform_7(%arg0: i32) -> (i32, i32) {
    %c0_i32 = arith.constant 0 : i32
    %c0_i32_0 = arith.constant 0 : i32
    %c0_i32_1 = arith.constant 0 : i32
    return %c0_i32, %c0_i32_0 : i32, i32
  }
  func.func @transform_8(%arg0: i32) -> (i32, i32) {
    %c0_i32 = arith.constant 0 : i32
    %c0_i32_0 = arith.constant 0 : i32
    return %arg0, %c0_i32 : i32, i32
  }
  func.func @transform_9(%arg0: i32) -> (i32, i32) {
    %c0_i32 = arith.constant 0 : i32
    %c0_i32_0 = arith.constant 0 : i32
    return %arg0, %c0_i32 : i32, i32
  }
  func.func @transform_10(%arg0: i32) -> (i32, i32) {
    %c0_i32 = arith.constant 0 : i32
    %c0_i32_0 = arith.constant 0 : i32
    return %arg0, %c0_i32 : i32, i32
  }
}

</mosaic_0001>

<sc_bundles>
// kernel: kernel.11.cloned.1.call-start
scs
__scs_entry_jumppad:
0x0: {  	(pc) =	sbr.rel $0x88, $3  }
0x1: {  	(tag) =	ssettag $0x0;
	lr =	simm.s32 $0x1  }
0x2: {  	[smem:$0x3F82] =	sst lr;
	_ =	strace $0xD0000000  }
0x3: {  	_ = 	snop  }
0x4: {  	_ = 	snop  }
0x5: {  	_ = 	snop  }
0x6: {  	_ = 	snop  }
0x7: {  	_ = 	snop  }
__scs_overlays_trampoline_lowered:
0x8: {  	[smem:$0x3F91] =	sst s0  }
0x9: {  	[smem:$0x3F92] =	sst s1  }
0xa: {  	[smem:$0x3F93] =	sst s2  }
0xb: {  	[smem:$0x3F94] =	sst s3  }
0xc: {  	[smem:$0x3F95] =	sst s4  }
0xd: {  	[smem:$0x3F96] =	sst s5  }
0xe: {  	[smem:$0x3F97] =	sst s6  }
0xf: {  	[smem:$0x3F98] =	sst s7  }
0x10: {  	[smem:$0x3F99] =	sst s8  }
0x11: {  	[smem:$0x3F9A] =	sst s9;
	s0 =	simm.s32 @!p0 $0x0  }
0x12: {  	s1 =	sld [smem:$0x3F80];
	s0 =	simm.s32 @p0 $0x1  }
0x13: {  	[smem:$0x3F9B] =	sst s0;
	s0 =	simm.s32 @!p1 $0x0  }
0x14: {  	s2 =	sld [smem:$0x3F7F];
	s0 =	simm.s32 @p1 $0x1  }
0x15: {  	[smem:$0x3F9C] =	sst s0;
	s0 =	simm.s32 @!p2 $0x0  }
0x16: {  	s3 =	sld [smem:$0x3FDB];
	s0 =	simm.s32 @p2 $0x1  }
0x17: {  	s4 =	simm.s32 $0x1BF5;
	[smem:$0x3F9E] =	sst s0  }
0x18: {  	s0 =	sld [smem:$0x3F81];
	_ =	swait.ge [sflag:s4], $0x0  }
0x19: {  	s7 =	sld [smem:$0x3F82]  }
0x1a: {  	s8 =	sadd.s32 $0xFFFFE003, lr  }
0x1b: {  	s9 =	sadd.s32 $0xFFFFFEF7, lr;
	s5 =	simm.s32 $0xFFFFFFFF;
	p2 =	slt.u32 s8, $0xFFFFF086  }
0x1c: {  	p1 =	slt.u32 s9, $0xF7A;
	s5 =	simm.s32 @!p2 $0x0  }
0x1d: {  	s5 =	simm.s32 @p1 $0x1;
	p0 =	seq.s32 s7, s2  }
0x1e: {  	s7 =	smul.u32 @!p0 $0xF7A, s2;
	p2 =	seq.s32 @!p0 s5, $0x0  }
0x1f: {  	s9 =	smul.u32 $0xF7A, s1;
	s8 =	simm.s32 @!p0 $0x1BF5;
	p2 =	por !p2, p0  }
0x20: {  	[sflag:s8] =	ssyncset.s32 @!p0 $0xFFFFF086;
	s6 =	sadd.s32 @!p0 s3, s7;
	s7 =	simm.s32 @!p0 $0x108  }
0x21: {  	s3 =	sadd.s32 s3, s9;
	s6 =	sadd.s32 @!p0 $0x88, s6;
	s7 =	simm.s32 @p2 $0x1082  }
0x22: {  	[simem:s7], [sflag:s8] =	dma.local @!p0 [hbm:s6], $0xF7A  }
0x23: {  	s9 =	sor.u32 $0xD0000000, s2;
	s6 =	simm.s32 $0x108;
	_ =	swait.ge @!p0 [sflag:s8], $0x0  }
0x24: {  	s3 =	sadd.s32 $0x88, s3;
	s6 =	simm.s32 @!p1 $0x1082;
	[sflag:s4] =	ssyncset.s32 $0xFFFFF086  }
0x25: {  	[simem:s6], [sflag:s4] =	dma.local [hbm:s3], $0xF7A  }
0x26: {  	[smem:$0x3F82] =	sst s1;
	(tag) =	ssettag s2;
	_ =	strace s9  }
0x27: {  	s1 =	sld [smem:$0x3F92]  }
0x28: {  	s2 =	sld [smem:$0x3F93]  }
0x29: {  	s4 =	sld [smem:$0x3F95]  }
0x2a: {  	p0 =	seq.s32 s5, $0x0;
	s5 =	sld [smem:$0x3F96]  }
0x2b: {  	s6 =	sld [smem:$0x3F97]  }
0x2c: {  	s7 =	sld [smem:$0x3F98]  }
0x2d: {  	s3 =	simm.s32 $0x108;
	s8 =	sld [smem:$0x3F99]  }
0x2e: {  	s3 =	simm.s32 @!p0 $0x1082;
	s9 =	sld [smem:$0x3F9A]  }
0x2f: {  	lr =	sadd.s32 s0, s3;
	s0 =	sld [smem:$0x3F91]  }
0x30: {  	s3 =	sld [smem:$0x3F94]  }
0x31: {  	[smem:$0x3F9D] =	sst s10  }
0x32: {  	s10 =	sld [smem:$0x3F9B];
	_ =	sdelay $0x3  }
0x33: {  	p0 =	seq.s32 s10, $0x1;
	s10 =	sld [smem:$0x3F9D];
	_ =	sdelay $0x3  }
0x34: {  	[smem:$0x3F9D] =	sst s10  }
0x35: {  	s10 =	sld [smem:$0x3F9C];
	_ =	sdelay $0x3  }
0x36: {  	p1 =	seq.s32 s10, $0x1;
	s10 =	sld [smem:$0x3F9D];
	_ =	sdelay $0x3  }
0x37: {  	[smem:$0x3F9D] =	sst s10  }
0x38: {  	s10 =	sld [smem:$0x3F9E]  }
0x39: {  	_ = 	snop;
	(pc) =	sbr.ind lr, $3  }
0x3a: {  	_ = 	snop  }
0x3b: {  	_ = 	snop  }
0x3c: {  	p2 =	seq.s32 s10, $0x1;
	s10 =	sld [smem:$0x3F9D]  }
0x3d: {  	_ =	shalt  }
0x3e: {  	_ =	shalt  }
0x3f: {  	_ =	shalt  }
0x40: {  	_ =	shalt  }
0x41: {  	_ =	shalt  }
0x42: {  	_ =	shalt  }
0x43: {  	_ =	shalt  }
0x44: {  	_ =	shalt  }
0x45: {  	_ =	shalt  }
0x46: {  	_ =	shalt  }
0x47: {  	_ =	shalt  }
0x48: {  	_ =	shalt  }
0x49: {  	_ =	shalt  }
0x4a: {  	_ =	shalt  }
0x4b: {  	_ =	shalt  }
0x4c: {  	_ =	shalt  }
0x4d: {  	_ =	shalt  }
0x4e: {  	_ =	shalt  }
0x4f: {  	_ =	shalt  }
0x50: {  	_ =	shalt  }
0x51: {  	_ =	shalt  }
0x52: {  	_ =	shalt  }
0x53: {  	_ =	shalt  }
0x54: {  	_ =	shalt  }
0x55: {  	_ =	shalt  }
0x56: {  	_ =	shalt  }
0x57: {  	_ =	shalt  }
0x58: {  	_ =	shalt  }
0x59: {  	_ =	shalt  }
0x5a: {  	_ =	shalt  }
0x5b: {  	_ =	shalt  }
0x5c: {  	_ =	shalt  }
0x5d: {  	_ =	shalt  }
0x5e: {  	_ =	shalt  }
0x5f: {  	_ =	shalt  }
0x60: {  	_ =	shalt  }
0x61: {  	_ =	shalt  }
0x62: {  	_ =	shalt  }
0x63: {  	_ =	shalt  }
0x64: {  	_ =	shalt  }
0x65: {  	_ =	shalt  }
0x66: {  	_ =	shalt  }
0x67: {  	_ =	shalt  }
0x68: {  	_ =	shalt  }
0x69: {  	_ =	shalt  }
0x6a: {  	_ =	shalt  }
0x6b: {  	_ =	shalt  }
0x6c: {  	_ =	shalt  }
0x6d: {  	_ =	shalt  }
0x6e: {  	_ =	shalt  }
0x6f: {  	_ =	shalt  }
0x70: {  	_ =	shalt  }
0x71: {  	_ =	shalt  }
0x72: {  	_ =	shalt  }
0x73: {  	_ =	shalt  }
0x74: {  	_ =	shalt  }
0x75: {  	_ =	shalt  }
0x76: {  	_ =	shalt  }
0x77: {  	_ =	shalt  }
0x78: {  	_ =	shalt  }
0x79: {  	_ =	shalt  }
0x7a: {  	_ =	shalt  }
0x7b: {  	_ =	shalt  }
0x7c: {  	_ =	shalt  }
0x7d: {  	_ =	shalt  }
0x7e: {  	_ =	shalt  }
0x7f: {  	_ =	shalt  }
0x80: {  	_ =	shalt  }
0x81: {  	_ =	shalt  }
0x82: {  	_ =	shalt  }
0x83: {  	_ =	shalt  }
0x84: {  	_ =	shalt  }
0x85: {  	_ =	shalt  }
0x86: {  	_ =	shalt  }
0x87: {  	_ =	shalt  }
.Lfunc_end0:
.L_simem_size_0:
called_computation.1_lowered:
.L_overlay_start_0:
0x88: {  	s2 =	sld [smem:$0x3FD9]  }
0x89: {  	s3 =	sld [smem:$0x3FFE];
	_ =	sdelay $0x1  }
0x8a: {  	s1 =	srdreg.scid  }
0x8b: {  	s0 =	sand.u32 $0x1, s1  }
0x8c: {  	s16 =	sshll.u32 s0, $0xA;
	s2 =	sadd.s32 s3, s2  }
0x8d: {  	s2 =	sadd.s32 s2, s16  }
0x8e: {  	[smem:$0x3FA9] =	sst s2  }
0x8f: {  	_ = 	snop  }
0x90: {  	(tm) =	ssettm $0x1  }
0x91: {  	s17 =	sld [smem:$0x3FFB];
	_ =	sdelay $0x3  }
0x92: {  	_ =	strace s17  }
0x93: {  	s2 =	sld [smem:$0x3FFC];
	_ =	sdelay $0x3  }
0x94: {  	_ =	strace s2  }
0x95: {  	s2 =	sld [smem:$0x3FFD];
	_ =	sdelay $0x3  }
0x96: {  	_ =	strace s2  }
0x97: {  	_ =	strace $0x8FFFFFFF  }
0x98: {  	s18 =	sld [smem:$0x3FDB];
	_ =	sdelay $0x1  }
0x99: {  	s19 =	simm.s32 $_scs_section_size  }
0x9a: {  	s4 =	simm.s32 $_size__tile_overlayer_lowered;
	s5 =	simm.s32 $_tile_overlayer_lowered  }
0x9b: {  	s22 =	simm.s32 $0x1BFF;
	s21 =	sshll.u32 s5, $0x1;
	s2 =	sadd.s32 s19, s18  }
0x9c: {  	s6 =	simm.s32 $0x0;
	s20 =	sshll.u32 s4, $0x1;
	s4 =	sadd.s32 s21, s2  }
0x9d: {  	[timem:s6], [sflag:s22] =	dma.local [hbm:s4], s20  }
0x9e: {  	_ =	swait.ge [sflag:s22], s20  }
0x9f: {  	s3 =	ssub.s32 $0x0, s20;
	[sflag:s22] =	ssyncset.done $0x0  }
0xa0: {  	[sflag:s22] =	ssyncadd.s32 s3;
	_ =	sdelay $0x1  }
0xa1: {  	s23 =	simm.s32 $0x1B8B  }
0xa2: {  	_ =	swait.ge [sflag:s23], $0x1  }
0xa3: {  	[sflag:s23] =	ssyncset.done $0x0  }
0xa4: {  	s25 =	simm.s32 $0x1B8E;
	s24 =	sld [smem:$0x3FFE];
	[sflag:s23] =	ssyncadd.s32 $0xFFFFFFFF  }
0xa5: {  	s26 =	simm.s32 $execute0_lowered;
	[smem:$0x3FD2] =	sst s25  }
0xa6: {  	s4 =	sshll.u32 s26, $0x1;
	_ =	strace $0x80000049;
	[dreg:$0x1] =	wrdreg $0xFFFFFFFF  }
0xa7: {  	s28 =	simm.s32 $_size_execute0_lowered;
	s2 =	sadd.s32 s2, s4;
	[dreg:$0x0] =	wrdreg $0x0  }
0xa8: {  	s4 =	sshll.u32 s28, $0x1;
	[dreg:$0x2] =	wrdreg s2  }
0xa9: {  	[dreg:$0x3] =	wrdreg s4  }
0xaa: {  	[dreg:$0x4] =	wrdreg $0xC0  }
0xab: {  	_ =	task [dreg:s6], $0x5FFFF  }
0xac: {  	[dreg:$0x1] =	wrdreg $0xFFFFFFFF  }
0xad: {  	[dreg:$0x0] =	wrdreg $0x60  }
0xae: {  	[dreg:$0x2] =	wrdreg s24  }
0xaf: {  	[dreg:$0x3] =	wrdreg $0x84000  }
0xb0: {  	[dreg:$0x4] =	wrdreg $0x9  }
0xb1: {  	_ =	task.clear_ibuf [dreg:s6], $0x5FFFF;
	_ =	strace $0x90000049  }
0xb2: {  	s29 =	simm.s32 $0x9;
	_ =	strace $0x8000004B  }
0xb3: {  	_ =	swait.ge [sflag:s29], $0x1  }
0xb4: {  	[sflag:s29] =	ssyncadd.s32 $0xFFFFFFFF  }
0xb5: {  	_ =	strace $0x9000004B  }
0xb6: {  	_ =	sfence  }
0xb7: {  	s30 =	sld [smem:$0x0];
	_ =	sdelay $0x2  }
0xb8: {  	s31 =	sshll.u32 s1, $0xD;
	s1 =	sshrl.u32 s1, $0x2  }
0xb9: {  	s3 =	sand.u32 $0x4000, s31;
	s1 =	sadd.s32 s1, s30  }
0xba: {  	s0 =	sor.u32 s3, s0;
	s1 =	sshll.u32 s1, $0x11  }
0xbb: {  	s0 =	sor.u32 s1, s0  }
0xbc: {  	s0 =	sadd.s32 $0x8F2B, s0  }
0xbd: {  	[sflag:s0] =	ssyncadd.remote.s32 $0x1  }
0xbe: {  	_ =	sfence.sel $0xFFFF  }
0xbf: {  	[dreg:$0x0] =	wrdreg $0xFFFFFFFF;
	(pc) =	sbr.abs _section_cstart, $3  }
0xc0: {  	[dreg:$0x1] =	wrdreg $0xFFFFFFFF  }
0xc1: {  	_ =	task.clear_ibuf [dreg:s6], $0x2FFFF;
	_ =	strace $0x9FFFFFFF  }
0xc2: {  	(tm) =	ssettm $0x7FFFFFFF  }
0xc3: {  	_ =	shalt  }
tec
execute0_lowered:
.L_overlay_start_1:
0x0: {  	(tag) =	ssettag $0x1  }
0x1: {  	s0 =	rddreg [dreg:$0x0]  }
0x2: {  	s2 =	rddreg [dreg:$0x1];
	s3 =	simm.s32 $0x0  }
0x3: {  	s12 =	stileid.u32;
	s4 =	srdreg.scid;
	s28 =	simm.s32 $0x9  }
0x4: {  	s29 =	simm.s32 $0x5;
	s30 =	simm.s32 $0x6;
	s31 =	simm.s32 $0x180  }
0x5: {  	[smem:$0x7FF] =	sst s3;
	s1 =	smul.u32 $0x13C00, s12;
	s5 =	sand.u32 $0x1, s4  }
0x6: {  	s4 =	sadd.s32 $0x42A00, s0;
	s8 =	sadd.s32 $0x7200, s0;
	s25 =	smul.u32 $0x4F000, s12  }
0x7: {  	s9 =	sshll.u32 s12, $0x1;
	s11 =	smul.u32 $0xA000, s12;
	s18 =	sshll.u32 s12, $0x6  }
0x8: {  	_ =	strace $0x8000004A;
	s7 =	smul.u32 $0x13C000, s5;
	s9 =	sor.u32 s5, s9  }
0x9: {  	s10 =	ssub.s32 $0x2, s5;
	s5 =	smul.u32 $0x5000, s5;
	[dreg:$0x4] =	wrdreg s18  }
0xa: {  	s19 =	sor.u32 $0x1C09, s18;
	s6 =	sshrl.u32 s1, $0x3;
	s9 =	smul.u32 $0x5000, s9  }
0xb: {  	s26 =	sshrl.u32 s10, $0x1;
	[dreg:$0x6] =	wrdreg s19;
	s19 =	simm.s32 $0x100  }
0xc: {  	s6 =	sadd.s32 s6, s0;
	s1 =	sadd.s32 s1, s7;
	s7 =	sshrl.u32 s25, $0x2  }
0xd: {  	s5 =	sadd.s32 s5, s11;
	s11 =	simm.s32 $0x0;
	s1 =	sshrl.u32 s1, $0x3  }
0xe: {  	s13 =	sadd.s32 s7, s2;
	s6 =	sadd.s32 $0x1B200, s6;
	s17 =	sshrl.u32 s9, $0x3  }
0xf: {  	s21 =	sor.u32 $0x600, s5;
	s25 =	sor.u32 $0x500, s5;
	s0 =	sadd.s32 s1, s0  }
0x10: {  	s1 =	ssub.s32 s10, s26;
	[dreg:$0x3] =	wrdreg s6;
	s9 =	sadd.s32 s8, s17  }
0x11: {  	s6 =	sshrl.u32 s21, $0x3;
	s26 =	sor.u32 $0x400, s5;
	s5 =	sor.u32 $0x300, s5  }
0x12: {  	s18 =	sshrl.u32 s13, $0x3;
	s21 =	simm.s32 $0x300;
	s10 =	simm.s32 $0xA  }
0x13: {  	s20 =	sadd.s32 $0x20, s9;
	s22 =	sadd.s32 $0x40, s9;
	[dreg:$0x5] =	wrdreg s9  }
0x14: {  	s23 =	sadd.s32 $0x60, s9;
	s0 =	sadd.s32 $0x90E00, s0;
	[dreg:$0x7] =	wrdreg s20  }
0x15: {  	s24 =	smax.u32 s1, $0x1;
	s14 =	sadd.s32 s6, s8;
	[dreg:$0x8] =	wrdreg s22  }
0x16: {  	s1 =	sshrl.u32 s26, $0x3;
	s5 =	sshrl.u32 s5, $0x3;
	[dreg:$0x9] =	wrdreg s23  }
0x17: {  	s26 =	simm.s32 $0x4400;
	s9 =	simm.s32 $0x4;
	[dreg:$0xa] =	wrdreg s0  }
.Ltmp0:
0x18: {  	s6 =	simm.s32 $0x380;
	[dreg:$0xb] =	wrdreg s24;
	(pc) =	sbr.rel .LBB2_1-.Ltmp0, $4  }
0x19: {  	s0 =	sshrl.u32 s25, $0x3;
	s16 =	sadd.s32 s1, s8;
	s17 =	sadd.s32 s5, s8  }
0x1a: {  	s20 =	simm.s32 $0x200;
	s22 =	simm.s32 $0x1;
	s23 =	simm.s32 $0x80  }
0x1b: {  	s24 =	simm.s32 $0x400;
	s1 =	simm.s32 $0x3;
	s5 =	simm.s32 $0x280  }
0x1c: {  	s15 =	sadd.s32 s0, s8;
	s0 =	simm.s32 $0x7;
	s8 =	simm.s32 $0x8  }
.LBB2_4:
0x1d: {  	_ =	swait.ge [sflag:s30], $0x4000  }
0x1e: {  	[sflag:s30] =	ssyncset.done $0x0  }
0x1f: {  	[sflag:s30] =	ssyncadd.s32 $0xFFFFC000  }
0x20: {  	[spmem:s2] =	stream.indirect.scatter.add.f32 [tilespmem:s26], [sflag:$0x8], $0x80, s6, s23, $0xb8;
	[tilespmem:$0x1C000] =	vst v63  }
0x21: {  	_ =	swait.ge [sflag:s0], $0x4000  }
0x22: {  	[sflag:s0] =	ssyncset.done $0x0  }
0x23: {  	[sflag:s0] =	ssyncadd.s32 $0xFFFFC000  }
0x24: {  	_ =	swait.ge [sflag:s8], $0x4000  }
0x25: {  	[sflag:s8] =	ssyncset.done $0x0  }
0x26: {  	[sflag:s8] =	ssyncadd.s32 $0xFFFFC000  }
0x27: {  	[bflag:$0x0] =	sbarrier.arrive $0xFFFF  }
0x28: {  	s7 =	rddreg [dreg:$0x4]  }
0x29: {  	s12 =	rddreg [dreg:$0xa];
	s7 =	sor.u32 $0x1C0A, s7  }
0x2a: {  	[hbm:s12], [sflag:s7] =	dma.local [spmem:s18], $0x2780  }
0x2b: {  	_ =	swait.ge [sflag:s10], $0x2780  }
0x2c: {  	s11 =	sadd.s32 $0x1, s11;
	s25 =	rddreg [dreg:$0xb]  }
0x2d: {  	p0 =	sne.s32 s11, s25  }
.Ltmp1:
0x2e: {  	_ = 	snop;
	(pc) =	sbr.rel @!p0 .LBB2_5-.Ltmp1, $3  }
0x2f: {  	_ =	sdelay $0x1  }
0x30: {  	[sflag:s10] =	ssyncset.done $0x0  }
0x31: {  	[sflag:s10] =	ssyncadd.s32 $0xFFFFD880  }
.LBB2_1:
0x32: {  	s7 =	rddreg [dreg:$0x3]  }
0x33: {  	s12 =	rddreg [dreg:$0x6]  }
0x34: {  	[spmem:s18], [sflag:s12] =	dma.local [hbm:s7], $0x2780  }
0x35: {  	s7 =	rddreg [dreg:$0x5]  }
0x36: {  	[tilespmem:s3], [sflag:$0x1] =	stream.linear.gather [hbm4b:s7+s3], $0x100, $0x38;
	[tilespmem:$0x1C000] =	vst v63  }
0x37: {  	s25 =	rddreg [dreg:$0x7]  }
0x38: {  	[tilespmem:s19], [sflag:$0x2] =	stream.linear.gather [hbm4b:s25+s3], $0x100, $0x38;
	[tilespmem:$0x1C000] =	vst v63  }
0x39: {  	s12 =	rddreg [dreg:$0x8]  }
0x3a: {  	[tilespmem:s20], [sflag:$0x3] =	stream.linear.gather [hbm4b:s12+s3], $0x100, $0x38;
	[tilespmem:$0x1C000] =	vst v63  }
0x3b: {  	s13 =	rddreg [dreg:$0x9]  }
0x3c: {  	[tilespmem:s21], [sflag:$0x4] =	stream.linear.gather [hbm4b:s13+s3], $0x100, $0x38;
	[tilespmem:$0x1C000] =	vst v63  }
0x3d: {  	_ =	swait.ge [sflag:s22], $0x100  }
0x3e: {  	[sflag:s22] =	ssyncset.done $0x0  }
0x3f: {  	s25 =	simm.s32 $0x2;
	[sflag:s22] =	ssyncadd.s32 $0xFFFFFF00  }
0x40: {  	[tilespmem:s24], [sflag:$0x5] =	stream.indirect.gather [hbm4b:s4+s23], $0x80, s3, s23, $0xb8;
	[tilespmem:$0x1C000] =	vst v63  }
0x41: {  	_ =	swait.ge [sflag:s25], $0x100  }
0x42: {  	[sflag:s25] =	ssyncset.done $0x0  }
0x43: {  	[sflag:s25] =	ssyncadd.s32 $0xFFFFFF00  }
0x44: {  	[tilespmem:s26], [sflag:$0x6] =	stream.indirect.gather [hbm4b:s4+s23], $0x80, s19, s23, $0xb8;
	[tilespmem:$0x1C000] =	vst v63  }
0x45: {  	_ =	swait.ge [sflag:s28], $0x2780  }
0x46: {  	[sflag:s28] =	ssyncset.done $0x0  }
0x47: {  	[sflag:s28] =	ssyncadd.s32 $0xFFFFD880  }
0x48: {  	s12 =	simm.s32 $0x0;
	[bflag:$0x0] =	sbarrier.arrive $0xFFFF  }
.LBB2_2:
0x49: {  	_ =	swait.ge [sflag:s29], $0x4000  }
0x4a: {  	p0 =	seq.s32 s12, $0x0;
	[sflag:s29] =	ssyncset.done $0x0  }
0x4b: {  	s13 =	simm.s32 @!p0 $0x8;
	[sflag:s29] =	ssyncadd.s32 $0xFFFFC000  }
0x4c: {  	[spmem:s2] =	stream.indirect.scatter.add.f32 [tilespmem:s24], [sflag:$0x7], $0x80, s23, s23, $0xb8;
	[tilespmem:$0x1C000] =	vst v63  }
0x4d: {  	_ =	swait.ge @!p0 [sflag:s13], $0x4000  }
0x4e: {  	[sflag:s13] =	ssyncset.done @!p0 $0x0  }
0x4f: {  	[sflag:s13] =	ssyncadd.s32 @!p0 $0xFFFFC000;
	s13 =	simm.s32 @!p0 $0x2  }
0x50: {  	_ =	swait.ge @!p0 [sflag:s13], $0x100  }
0x51: {  	s7 =	simm.s32 @!p0 $0x100;
	[sflag:s13] =	ssyncset.done @!p0 $0x0  }
0x52: {  	s25 =	simm.s32 @!p0 $0x4400;
	[sflag:s13] =	ssyncadd.s32 @!p0 $0xFFFFFF00;
	s13 =	simm.s32 @!p0 $0x80  }
0x53: {  	[tilespmem:s25], [sflag:$0x6] =	stream.indirect.gather @!p0 [hbm4b:s4+s13], $0x80, s7, s13, $0xb8;
	[tilespmem:$0x1C000] =	vst v63  }
0x54: {  	s7 =	sadd.s32 @!p0 s12, s17;
	s13 =	simm.s32 @!p0 $0x0;
	s25 =	simm.s32 @!p0 $0x300  }
0x55: {  	[tilespmem:s25], [sflag:$0x4] =	stream.linear.gather @!p0 [hbm4b:s7+s13], $0x100, $0x38;
	[tilespmem:$0x1C000] =	vst v63  }
0x56: {  	_ =	swait.ge [sflag:s30], $0x4000  }
0x57: {  	[sflag:s30] =	ssyncset.done $0x0  }
0x58: {  	[sflag:s30] =	ssyncadd.s32 $0xFFFFC000  }
0x59: {  	[spmem:s2] =	stream.indirect.scatter.add.f32 [tilespmem:s26], [sflag:$0x8], $0x80, s31, s23, $0xb8;
	[tilespmem:$0x1C000] =	vst v63  }
0x5a: {  	_ =	swait.ge [sflag:s0], $0x4000  }
0x5b: {  	[sflag:s0] =	ssyncset.done $0x0  }
0x5c: {  	[sflag:s0] =	ssyncadd.s32 $0xFFFFC000  }
0x5d: {  	_ =	swait.ge [sflag:s1], $0x100  }
0x5e: {  	[sflag:s1] =	ssyncset.done $0x0  }
0x5f: {  	p0 =	seq.s32 s12, $0x980;
	[sflag:s1] =	ssyncadd.s32 $0xFFFFFF00  }
0x60: {  	[tilespmem:s24], [sflag:$0x5] =	stream.indirect.gather [hbm4b:s4+s23], $0x80, s20, s23, $0xb8;
	[tilespmem:$0x1C000] =	vst v63  }
0x61: {  	s7 =	sadd.s32 @!p0 s12, s16;
	s13 =	simm.s32 @!p0 $0x0  }
0x62: {  	[tilespmem:s13], [sflag:$0x1] =	stream.linear.gather @!p0 [hbm4b:s7+s13], $0x100, $0x38;
	[tilespmem:$0x1C000] =	vst v63  }
0x63: {  	_ =	swait.ge [sflag:s29], $0x4000  }
0x64: {  	[sflag:s29] =	ssyncset.done $0x0  }
0x65: {  	[sflag:s29] =	ssyncadd.s32 $0xFFFFC000  }
0x66: {  	[spmem:s2] =	stream.indirect.scatter.add.f32 [tilespmem:s24], [sflag:$0x7], $0x80, s5, s23, $0xb8;
	[tilespmem:$0x1C000] =	vst v63  }
0x67: {  	_ =	swait.ge [sflag:s8], $0x4000  }
0x68: {  	[sflag:s8] =	ssyncset.done $0x0  }
.Ltmp2:
0x69: {  	[sflag:s8] =	ssyncadd.s32 $0xFFFFC000;
	(pc) =	sbr.rel @p0 .LBB2_4-.Ltmp2, $4  }
0x6a: {  	_ =	swait.ge [sflag:s9], $0x100  }
0x6b: {  	[sflag:s9] =	ssyncset.done $0x0  }
0x6c: {  	[sflag:s9] =	ssyncadd.s32 $0xFFFFFF00  }
0x6d: {  	[tilespmem:s26], [sflag:$0x6] =	stream.indirect.gather [hbm4b:s4+s23], $0x80, s21, s23, $0xb8;
	[tilespmem:$0x1C000] =	vst v63  }
0x6e: {  	s7 =	sadd.s32 s12, s15  }
0x6f: {  	[tilespmem:s19], [sflag:$0x2] =	stream.linear.gather [hbm4b:s7+s3], $0x100, $0x38;
	[tilespmem:$0x1C000] =	vst v63  }
0x70: {  	_ =	swait.ge [sflag:s30], $0x4000  }
0x71: {  	[sflag:s30] =	ssyncset.done $0x0  }
0x72: {  	[sflag:s30] =	ssyncadd.s32 $0xFFFFC000  }
0x73: {  	[spmem:s2] =	stream.indirect.scatter.add.f32 [tilespmem:s26], [sflag:$0x8], $0x80, s6, s23, $0xb8;
	[tilespmem:$0x1C000] =	vst v63  }
0x74: {  	_ =	swait.ge [sflag:s0], $0x4000  }
0x75: {  	[sflag:s0] =	ssyncset.done $0x0  }
0x76: {  	[sflag:s0] =	ssyncadd.s32 $0xFFFFC000  }
0x77: {  	_ =	swait.ge [sflag:s22], $0x100  }
.Ltmp3:
0x78: {  	[sflag:s22] =	ssyncset.done $0x0;
	(pc) =	sbr.rel .LBB2_2-.Ltmp3, $4  }
0x79: {  	[sflag:s22] =	ssyncadd.s32 $0xFFFFFF00  }
0x7a: {  	[tilespmem:s24], [sflag:$0x5] =	stream.indirect.gather [hbm4b:s4+s23], $0x80, s3, s23, $0xb8;
	[tilespmem:$0x1C000] =	vst v63  }
0x7b: {  	s25 =	sadd.s32 s12, s14;
	s12 =	sadd.s32 $0x80, s12  }
0x7c: {  	[tilespmem:s20], [sflag:$0x3] =	stream.linear.gather [hbm4b:s25+s3], $0x100, $0x38;
	[tilespmem:$0x1C000] =	vst v63  }
.LBB2_5:
0x7d: {  	_ =	sfence.sel $0x180000  }
0x7e: {  	[bflag:$0x0] =	sbarrier.arrive $0xFFFF  }
0x7f: {  	_ =	strace $0x9000004A  }
0x80: {  	s0 =	stileid.u32;
	[bflag:$0x2] =	sbarrier.arrive $0xFFFF  }
0x81: {  	p0 =	sne.s32 s0, $0x0;
	s0 =	rddreg [dreg:$0x2]  }
0x82: {  	s0 =	sadd.s32 @!p0 $0x100000, s0  }
0x83: {  	[sflag:s0] =	ssyncadd.tile.s32 @!p0 $0x1;
	_ =	shalt  }
.Lfunc_end2:
_tile_overlayer_lowered:
.L_overlay_start_2:
0x84: {  	(tag) =	ssettag $0x2  }
0x85: {  	s0 =	rddreg [dreg:$0x0];
	s2 =	stileid.u32  }
0x86: {  	s1 =	rddreg [dreg:$0x1];
	p0 =	sne.s32 s2, $0x0  }
0x87: {  	s3 =	rddreg [dreg:$0x2];
	[bflag:$0x3] =	sbarrier.arrive $0xFFFF;
	s2 =	simm.s32 @!p0 $0x1C0A  }
0x88: {  	[timem:s3], [sflag:s2] =	dma.local @!p0 [hbm:s0], s1  }
0x89: {  	s0 =	simm.s32 @!p0 $0xA  }
0x8a: {  	_ =	swait.ge @!p0 [sflag:s0], s1  }
0x8b: {  	s1 =	ssub.s32 @!p0 $0x0, s1;
	[sflag:s0] =	ssyncset.done @!p0 $0x0  }
0x8c: {  	[sflag:s0] =	ssyncadd.s32 @!p0 s1  }
0x8d: {  	[bflag:$0x3] =	sbarrier.arrive $0xFFFF  }
0x8e: {  	_ =	shalt  }

// kernel: kernel.14.cloned.1.call-start
scs
__scs_entry_jumppad:
0x0: {  	(pc) =	sbr.rel $0x88, $3  }
0x1: {  	(tag) =	ssettag $0x0;
	lr =	simm.s32 $0x1  }
0x2: {  	[smem:$0x3F82] =	sst lr;
	_ =	strace $0xD0000000  }
0x3: {  	_ = 	snop  }
0x4: {  	_ = 	snop  }
0x5: {  	_ = 	snop  }
0x6: {  	_ = 	snop  }
0x7: {  	_ = 	snop  }
__scs_overlays_trampoline_lowered:
0x8: {  	[smem:$0x3F91] =	sst s0  }
0x9: {  	[smem:$0x3F92] =	sst s1  }
0xa: {  	[smem:$0x3F93] =	sst s2  }
0xb: {  	[smem:$0x3F94] =	sst s3  }
0xc: {  	[smem:$0x3F95] =	sst s4  }
0xd: {  	[smem:$0x3F96] =	sst s5  }
0xe: {  	[smem:$0x3F97] =	sst s6  }
0xf: {  	[smem:$0x3F98] =	sst s7  }
0x10: {  	[smem:$0x3F99] =	sst s8  }
0x11: {  	[smem:$0x3F9A] =	sst s9;
	s0 =	simm.s32 @!p0 $0x0  }
0x12: {  	s1 =	sld [smem:$0x3F80];
	s0 =	simm.s32 @p0 $0x1  }
0x13: {  	[smem:$0x3F9B] =	sst s0;
	s0 =	simm.s32 @!p1 $0x0  }
0x14: {  	s2 =	sld [smem:$0x3F7F];
	s0 =	simm.s32 @p1 $0x1  }
0x15: {  	[smem:$0x3F9C] =	sst s0;
	s0 =	simm.s32 @!p2 $0x0  }
0x16: {  	s3 =	sld [smem:$0x3FDB];
	s0 =	simm.s32 @p2 $0x1  }
0x17: {  	s4 =	simm.s32 $0x1BF5;
	[smem:$0x3F9E] =	sst s0  }
0x18: {  	s0 =	sld [smem:$0x3F81];
	_ =	swait.ge [sflag:s4], $0x0  }
0x19: {  	s7 =	sld [smem:$0x3F82]  }
0x1a: {  	s8 =	sadd.s32 $0xFFFFE003, lr  }
0x1b: {  	s9 =	sadd.s32 $0xFFFFFEF7, lr;
	s5 =	simm.s32 $0xFFFFFFFF;
	p2 =	slt.u32 s8, $0xFFFFF086  }
0x1c: {  	p1 =	slt.u32 s9, $0xF7A;
	s5 =	simm.s32 @!p2 $0x0  }
0x1d: {  	s5 =	simm.s32 @p1 $0x1;
	p0 =	seq.s32 s7, s2  }
0x1e: {  	s7 =	smul.u32 @!p0 $0xF7A, s2;
	p2 =	seq.s32 @!p0 s5, $0x0  }
0x1f: {  	s9 =	smul.u32 $0xF7A, s1;
	s8 =	simm.s32 @!p0 $0x1BF5;
	p2 =	por !p2, p0  }
0x20: {  	[sflag:s8] =	ssyncset.s32 @!p0 $0xFFFFF086;
	s6 =	sadd.s32 @!p0 s3, s7;
	s7 =	simm.s32 @!p0 $0x108  }
0x21: {  	s3 =	sadd.s32 s3, s9;
	s6 =	sadd.s32 @!p0 $0x88, s6;
	s7 =	simm.s32 @p2 $0x1082  }
0x22: {  	[simem:s7], [sflag:s8] =	dma.local @!p0 [hbm:s6], $0xF7A  }
0x23: {  	s9 =	sor.u32 $0xD0000000, s2;
	s6 =	simm.s32 $0x108;
	_ =	swait.ge @!p0 [sflag:s8], $0x0  }
0x24: {  	s3 =	sadd.s32 $0x88, s3;
	s6 =	simm.s32 @!p1 $0x1082;
	[sflag:s4] =	ssyncset.s32 $0xFFFFF086  }
0x25: {  	[simem:s6], [sflag:s4] =	dma.local [hbm:s3], $0xF7A  }
0x26: {  	[smem:$0x3F82] =	sst s1;
	(tag) =	ssettag s2;
	_ =	strace s9  }
0x27: {  	s1 =	sld [smem:$0x3F92]  }
0x28: {  	s2 =	sld [smem:$0x3F93]  }
0x29: {  	s4 =	sld [smem:$0x3F95]  }
0x2a: {  	p0 =	seq.s32 s5, $0x0;
	s5 =	sld [smem:$0x3F96]  }
0x2b: {  	s6 =	sld [smem:$0x3F97]  }
0x2c: {  	s7 =	sld [smem:$0x3F98]  }
0x2d: {  	s3 =	simm.s32 $0x108;
	s8 =	sld [smem:$0x3F99]  }
0x2e: {  	s3 =	simm.s32 @!p0 $0x1082;
	s9 =	sld [smem:$0x3F9A]  }
0x2f: {  	lr =	sadd.s32 s0, s3;
	s0 =	sld [smem:$0x3F91]  }
0x30: {  	s3 =	sld [smem:$0x3F94]  }
0x31: {  	[smem:$0x3F9D] =	sst s10  }
0x32: {  	s10 =	sld [smem:$0x3F9B];
	_ =	sdelay $0x3  }
0x33: {  	p0 =	seq.s32 s10, $0x1;
	s10 =	sld [smem:$0x3F9D];
	_ =	sdelay $0x3  }
0x34: {  	[smem:$0x3F9D] =	sst s10  }
0x35: {  	s10 =	sld [smem:$0x3F9C];
	_ =	sdelay $0x3  }
0x36: {  	p1 =	seq.s32 s10, $0x1;
	s10 =	sld [smem:$0x3F9D];
	_ =	sdelay $0x3  }
0x37: {  	[smem:$0x3F9D] =	sst s10  }
0x38: {  	s10 =	sld [smem:$0x3F9E]  }
0x39: {  	_ = 	snop;
	(pc) =	sbr.ind lr, $3  }
0x3a: {  	_ = 	snop  }
0x3b: {  	_ = 	snop  }
0x3c: {  	p2 =	seq.s32 s10, $0x1;
	s10 =	sld [smem:$0x3F9D]  }
0x3d: {  	_ =	shalt  }
0x3e: {  	_ =	shalt  }
0x3f: {  	_ =	shalt  }
0x40: {  	_ =	shalt  }
0x41: {  	_ =	shalt  }
0x42: {  	_ =	shalt  }
0x43: {  	_ =	shalt  }
0x44: {  	_ =	shalt  }
0x45: {  	_ =	shalt  }
0x46: {  	_ =	shalt  }
0x47: {  	_ =	shalt  }
0x48: {  	_ =	shalt  }
0x49: {  	_ =	shalt  }
0x4a: {  	_ =	shalt  }
0x4b: {  	_ =	shalt  }
0x4c: {  	_ =	shalt  }
0x4d: {  	_ =	shalt  }
0x4e: {  	_ =	shalt  }
0x4f: {  	_ =	shalt  }
0x50: {  	_ =	shalt  }
0x51: {  	_ =	shalt  }
0x52: {  	_ =	shalt  }
0x53: {  	_ =	shalt  }
0x54: {  	_ =	shalt  }
0x55: {  	_ =	shalt  }
0x56: {  	_ =	shalt  }
0x57: {  	_ =	shalt  }
0x58: {  	_ =	shalt  }
0x59: {  	_ =	shalt  }
0x5a: {  	_ =	shalt  }
0x5b: {  	_ =	shalt  }
0x5c: {  	_ =	shalt  }
0x5d: {  	_ =	shalt  }
0x5e: {  	_ =	shalt  }
0x5f: {  	_ =	shalt  }
0x60: {  	_ =	shalt  }
0x61: {  	_ =	shalt  }
0x62: {  	_ =	shalt  }
0x63: {  	_ =	shalt  }
0x64: {  	_ =	shalt  }
0x65: {  	_ =	shalt  }
0x66: {  	_ =	shalt  }
0x67: {  	_ =	shalt  }
0x68: {  	_ =	shalt  }
0x69: {  	_ =	shalt  }
0x6a: {  	_ =	shalt  }
0x6b: {  	_ =	shalt  }
0x6c: {  	_ =	shalt  }
0x6d: {  	_ =	shalt  }
0x6e: {  	_ =	shalt  }
0x6f: {  	_ =	shalt  }
0x70: {  	_ =	shalt  }
0x71: {  	_ =	shalt  }
0x72: {  	_ =	shalt  }
0x73: {  	_ =	shalt  }
0x74: {  	_ =	shalt  }
0x75: {  	_ =	shalt  }
0x76: {  	_ =	shalt  }
0x77: {  	_ =	shalt  }
0x78: {  	_ =	shalt  }
0x79: {  	_ =	shalt  }
0x7a: {  	_ =	shalt  }
0x7b: {  	_ =	shalt  }
0x7c: {  	_ =	shalt  }
0x7d: {  	_ =	shalt  }
0x7e: {  	_ =	shalt  }
0x7f: {  	_ =	shalt  }
0x80: {  	_ =	shalt  }
0x81: {  	_ =	shalt  }
0x82: {  	_ =	shalt  }
0x83: {  	_ =	shalt  }
0x84: {  	_ =	shalt  }
0x85: {  	_ =	shalt  }
0x86: {  	_ =	shalt  }
0x87: {  	_ =	shalt  }
.Lfunc_end0:
.L_simem_size_0:
called_computation.2_lowered:
.L_overlay_start_0:
0x88: {  	s2 =	sld [smem:$0x3FD9]  }
0x89: {  	s3 =	sld [smem:$0x3FFE];
	_ =	sdelay $0x1  }
0x8a: {  	s1 =	srdreg.scid  }
0x8b: {  	s0 =	sand.u32 $0x1, s1  }
0x8c: {  	s16 =	sshll.u32 s0, $0xA;
	s2 =	sadd.s32 s3, s2  }
0x8d: {  	s2 =	sadd.s32 s2, s16  }
0x8e: {  	[smem:$0x3FA9] =	sst s2  }
0x8f: {  	_ = 	snop  }
0x90: {  	(tm) =	ssettm $0x1  }
0x91: {  	s17 =	sld [smem:$0x3FFB];
	_ =	sdelay $0x3  }
0x92: {  	_ =	strace s17  }
0x93: {  	s2 =	sld [smem:$0x3FFC];
	_ =	sdelay $0x3  }
0x94: {  	_ =	strace s2  }
0x95: {  	s2 =	sld [smem:$0x3FFD];
	_ =	sdelay $0x3  }
0x96: {  	_ =	strace s2  }
0x97: {  	_ =	strace $0x8FFFFFFF  }
0x98: {  	s18 =	sld [smem:$0x3FDB];
	_ =	sdelay $0x1  }
0x99: {  	s19 =	simm.s32 $_scs_section_size  }
0x9a: {  	s4 =	simm.s32 $_size__tile_overlayer_lowered;
	s5 =	simm.s32 $_tile_overlayer_lowered  }
0x9b: {  	s22 =	simm.s32 $0x1BFF;
	s21 =	sshll.u32 s5, $0x1;
	s2 =	sadd.s32 s19, s18  }
0x9c: {  	s6 =	simm.s32 $0x0;
	s20 =	sshll.u32 s4, $0x1;
	s4 =	sadd.s32 s21, s2  }
0x9d: {  	[timem:s6], [sflag:s22] =	dma.local [hbm:s4], s20  }
0x9e: {  	_ =	swait.ge [sflag:s22], s20  }
0x9f: {  	s3 =	ssub.s32 $0x0, s20;
	[sflag:s22] =	ssyncset.done $0x0  }
0xa0: {  	[sflag:s22] =	ssyncadd.s32 s3;
	_ =	sdelay $0x1  }
0xa1: {  	s23 =	simm.s32 $0x1B8B  }
0xa2: {  	_ =	swait.ge [sflag:s23], $0x1  }
0xa3: {  	[sflag:s23] =	ssyncset.done $0x0  }
0xa4: {  	s25 =	simm.s32 $0x1B8E;
	s24 =	sld [smem:$0x3FFE];
	[sflag:s23] =	ssyncadd.s32 $0xFFFFFFFF  }
0xa5: {  	s26 =	simm.s32 $execute0_lowered;
	[smem:$0x3FD2] =	sst s25  }
0xa6: {  	s4 =	sshll.u32 s26, $0x1;
	_ =	strace $0x8000004C;
	[dreg:$0x1] =	wrdreg $0xFFFFFFFF  }
0xa7: {  	s28 =	simm.s32 $_size_execute0_lowered;
	s2 =	sadd.s32 s2, s4;
	[dreg:$0x0] =	wrdreg $0x0  }
0xa8: {  	s4 =	sshll.u32 s28, $0x1;
	[dreg:$0x2] =	wrdreg s2  }
0xa9: {  	[dreg:$0x3] =	wrdreg s4  }
0xaa: {  	[dreg:$0x4] =	wrdreg $0xC0  }
0xab: {  	_ =	task [dreg:s6], $0x5FFFF  }
0xac: {  	[dreg:$0x1] =	wrdreg $0xFFFFFFFF  }
0xad: {  	[dreg:$0x0] =	wrdreg $0x60  }
0xae: {  	[dreg:$0x2] =	wrdreg s24  }
0xaf: {  	[dreg:$0x3] =	wrdreg $0x84000  }
0xb0: {  	[dreg:$0x4] =	wrdreg $0x9  }
0xb1: {  	_ =	task.clear_ibuf [dreg:s6], $0x5FFFF;
	_ =	strace $0x9000004C  }
0xb2: {  	s29 =	simm.s32 $0x9;
	_ =	strace $0x8000004E  }
0xb3: {  	_ =	swait.ge [sflag:s29], $0x1  }
0xb4: {  	[sflag:s29] =	ssyncadd.s32 $0xFFFFFFFF  }
0xb5: {  	_ =	strace $0x9000004E  }
0xb6: {  	_ =	sfence  }
0xb7: {  	s30 =	sld [smem:$0x0];
	_ =	sdelay $0x2  }
0xb8: {  	s31 =	sshll.u32 s1, $0xD;
	s1 =	sshrl.u32 s1, $0x2  }
0xb9: {  	s3 =	sand.u32 $0x4000, s31;
	s1 =	sadd.s32 s1, s30  }
0xba: {  	s0 =	sor.u32 s3, s0;
	s1 =	sshll.u32 s1, $0x11  }
0xbb: {  	s0 =	sor.u32 s1, s0  }
0xbc: {  	s0 =	sadd.s32 $0x8F2B, s0  }
0xbd: {  	[sflag:s0] =	ssyncadd.remote.s32 $0x1  }
0xbe: {  	_ =	sfence.sel $0xFFFF  }
0xbf: {  	[dreg:$0x0] =	wrdreg $0xFFFFFFFF;
	(pc) =	sbr.abs _section_cstart, $3  }
0xc0: {  	[dreg:$0x1] =	wrdreg $0xFFFFFFFF  }
0xc1: {  	_ =	task.clear_ibuf [dreg:s6], $0x2FFFF;
	_ =	strace $0x9FFFFFFF  }
0xc2: {  	(tm) =	ssettm $0x7FFFFFFF  }
0xc3: {  	_ =	shalt  }
tec
execute0_lowered:
.L_overlay_start_1:
0x0: {  	(tag) =	ssettag $0x1  }
0x1: {  	s0 =	rddreg [dreg:$0x0]  }
0x2: {  	s2 =	rddreg [dreg:$0x1];
	s3 =	simm.s32 $0x0  }
0x3: {  	s12 =	stileid.u32;
	s4 =	srdreg.scid;
	s28 =	simm.s32 $0x9  }
0x4: {  	s29 =	simm.s32 $0x5;
	s30 =	simm.s32 $0x6;
	s31 =	simm.s32 $0x180  }
0x5: {  	[smem:$0x7FF] =	sst s3;
	s1 =	smul.u32 $0x13C00, s12;
	s5 =	sand.u32 $0x1, s4  }
0x6: {  	s4 =	sadd.s32 $0x42A00, s0;
	s8 =	sadd.s32 $0x7200, s0;
	s25 =	smul.u32 $0x4F000, s12  }
0x7: {  	s9 =	sshll.u32 s12, $0x1;
	s11 =	smul.u32 $0xA000, s12;
	s18 =	sshll.u32 s12, $0x6  }
0x8: {  	_ =	strace $0x8000004D;
	s7 =	smul.u32 $0x13C000, s5;
	s9 =	sor.u32 s5, s9  }
0x9: {  	s10 =	ssub.s32 $0x2, s5;
	s5 =	smul.u32 $0x5000, s5;
	[dreg:$0x4] =	wrdreg s18  }
0xa: {  	s19 =	sor.u32 $0x1C09, s18;
	s6 =	sshrl.u32 s1, $0x3;
	s9 =	smul.u32 $0x5000, s9  }
0xb: {  	s26 =	sshrl.u32 s10, $0x1;
	[dreg:$0x6] =	wrdreg s19;
	s19 =	simm.s32 $0x100  }
0xc: {  	s6 =	sadd.s32 s6, s0;
	s1 =	sadd.s32 s1, s7;
	s7 =	sshrl.u32 s25, $0x2  }
0xd: {  	s5 =	sadd.s32 s5, s11;
	s11 =	simm.s32 $0x0;
	s1 =	sshrl.u32 s1, $0x3  }
0xe: {  	s13 =	sadd.s32 s7, s2;
	s6 =	sadd.s32 $0x1B200, s6;
	s17 =	sshrl.u32 s9, $0x3  }
0xf: {  	s21 =	sor.u32 $0x600, s5;
	s25 =	sor.u32 $0x500, s5;
	s0 =	sadd.s32 s1, s0  }
0x10: {  	s1 =	ssub.s32 s10, s26;
	[dreg:$0x3] =	wrdreg s6;
	s9 =	sadd.s32 s8, s17  }
0x11: {  	s6 =	sshrl.u32 s21, $0x3;
	s26 =	sor.u32 $0x400, s5;
	s5 =	sor.u32 $0x300, s5  }
0x12: {  	s18 =	sshrl.u32 s13, $0x3;
	s21 =	simm.s32 $0x300;
	s10 =	simm.s32 $0xA  }
0x13: {  	s20 =	sadd.s32 $0x20, s9;
	s22 =	sadd.s32 $0x40, s9;
	[dreg:$0x5] =	wrdreg s9  }
0x14: {  	s23 =	sadd.s32 $0x60, s9;
	s0 =	sadd.s32 $0x90E00, s0;
	[dreg:$0x7] =	wrdreg s20  }
0x15: {  	s24 =	smax.u32 s1, $0x1;
	s14 =	sadd.s32 s6, s8;
	[dreg:$0x8] =	wrdreg s22  }
0x16: {  	s1 =	sshrl.u32 s26, $0x3;
	s5 =	sshrl.u32 s5, $0x3;
	[dreg:$0x9] =	wrdreg s23  }
0x17: {  	s26 =	simm.s32 $0x4400;
	s9 =	simm.s32 $0x4;
	[dreg:$0xa] =	wrdreg s0  }
.Ltmp0:
0x18: {  	s6 =	simm.s32 $0x380;
	[dreg:$0xb] =	wrdreg s24;
	(pc) =	sbr.rel .LBB2_1-.Ltmp0, $4  }
0x19: {  	s0 =	sshrl.u32 s25, $0x3;
	s16 =	sadd.s32 s1, s8;
	s17 =	sadd.s32 s5, s8  }
0x1a: {  	s20 =	simm.s32 $0x200;
	s22 =	simm.s32 $0x1;
	s23 =	simm.s32 $0x80  }
0x1b: {  	s24 =	simm.s32 $0x400;
	s1 =	simm.s32 $0x3;
	s5 =	simm.s32 $0x280  }
0x1c: {  	s15 =	sadd.s32 s0, s8;
	s0 =	simm.s32 $0x7;
	s8 =	simm.s32 $0x8  }
.LBB2_4:
0x1d: {  	_ =	swait.ge [sflag:s30], $0x4000  }
0x1e: {  	[sflag:s30] =	ssyncset.done $0x0  }
0x1f: {  	[sflag:s30] =	ssyncadd.s32 $0xFFFFC000  }
0x20: {  	[spmem:s2] =	stream.indirect.scatter.add.f32 [tilespmem:s26], [sflag:$0x8], $0x80, s6, s23, $0xb8;
	[tilespmem:$0x1C000] =	vst v63  }
0x21: {  	_ =	swait.ge [sflag:s0], $0x4000  }
0x22: {  	[sflag:s0] =	ssyncset.done $0x0  }
0x23: {  	[sflag:s0] =	ssyncadd.s32 $0xFFFFC000  }
0x24: {  	_ =	swait.ge [sflag:s8], $0x4000  }
0x25: {  	[sflag:s8] =	ssyncset.done $0x0  }
0x26: {  	[sflag:s8] =	ssyncadd.s32 $0xFFFFC000  }
0x27: {  	[bflag:$0x0] =	sbarrier.arrive $0xFFFF  }
0x28: {  	s7 =	rddreg [dreg:$0x4]  }
0x29: {  	s12 =	rddreg [dreg:$0xa];
	s7 =	sor.u32 $0x1C0A, s7  }
0x2a: {  	[hbm:s12], [sflag:s7] =	dma.local [spmem:s18], $0x2780  }
0x2b: {  	_ =	swait.ge [sflag:s10], $0x2780  }
0x2c: {  	s11 =	sadd.s32 $0x1, s11;
	s25 =	rddreg [dreg:$0xb]  }
0x2d: {  	p0 =	sne.s32 s11, s25  }
.Ltmp1:
0x2e: {  	_ = 	snop;
	(pc) =	sbr.rel @!p0 .LBB2_5-.Ltmp1, $3  }
0x2f: {  	_ =	sdelay $0x1  }
0x30: {  	[sflag:s10] =	ssyncset.done $0x0  }
0x31: {  	[sflag:s10] =	ssyncadd.s32 $0xFFFFD880  }
.LBB2_1:
0x32: {  	s7 =	rddreg [dreg:$0x3]  }
0x33: {  	s12 =	rddreg [dreg:$0x6]  }
0x34: {  	[spmem:s18], [sflag:s12] =	dma.local [hbm:s7], $0x2780  }
0x35: {  	s7 =	rddreg [dreg:$0x5]  }
0x36: {  	[tilespmem:s3], [sflag:$0x1] =	stream.linear.gather [hbm4b:s7+s3], $0x100, $0x38;
	[tilespmem:$0x1C000] =	vst v63  }
0x37: {  	s25 =	rddreg [dreg:$0x7]  }
0x38: {  	[tilespmem:s19], [sflag:$0x2] =	stream.linear.gather [hbm4b:s25+s3], $0x100, $0x38;
	[tilespmem:$0x1C000] =	vst v63  }
0x39: {  	s12 =	rddreg [dreg:$0x8]  }
0x3a: {  	[tilespmem:s20], [sflag:$0x3] =	stream.linear.gather [hbm4b:s12+s3], $0x100, $0x38;
	[tilespmem:$0x1C000] =	vst v63  }
0x3b: {  	s13 =	rddreg [dreg:$0x9]  }
0x3c: {  	[tilespmem:s21], [sflag:$0x4] =	stream.linear.gather [hbm4b:s13+s3], $0x100, $0x38;
	[tilespmem:$0x1C000] =	vst v63  }
0x3d: {  	_ =	swait.ge [sflag:s22], $0x100  }
0x3e: {  	[sflag:s22] =	ssyncset.done $0x0  }
0x3f: {  	s25 =	simm.s32 $0x2;
	[sflag:s22] =	ssyncadd.s32 $0xFFFFFF00  }
0x40: {  	[tilespmem:s24], [sflag:$0x5] =	stream.indirect.gather [hbm4b:s4+s23], $0x80, s3, s23, $0xb8;
	[tilespmem:$0x1C000] =	vst v63  }
0x41: {  	_ =	swait.ge [sflag:s25], $0x100  }
0x42: {  	[sflag:s25] =	ssyncset.done $0x0  }
0x43: {  	[sflag:s25] =	ssyncadd.s32 $0xFFFFFF00  }
0x44: {  	[tilespmem:s26], [sflag:$0x6] =	stream.indirect.gather [hbm4b:s4+s23], $0x80, s19, s23, $0xb8;
	[tilespmem:$0x1C000] =	vst v63  }
0x45: {  	_ =	swait.ge [sflag:s28], $0x2780  }
0x46: {  	[sflag:s28] =	ssyncset.done $0x0  }
0x47: {  	[sflag:s28] =	ssyncadd.s32 $0xFFFFD880  }
0x48: {  	s12 =	simm.s32 $0x0;
	[bflag:$0x0] =	sbarrier.arrive $0xFFFF  }
.LBB2_2:
0x49: {  	_ =	swait.ge [sflag:s29], $0x4000  }
0x4a: {  	p0 =	seq.s32 s12, $0x0;
	[sflag:s29] =	ssyncset.done $0x0  }
0x4b: {  	s13 =	simm.s32 @!p0 $0x8;
	[sflag:s29] =	ssyncadd.s32 $0xFFFFC000  }
0x4c: {  	[spmem:s2] =	stream.indirect.scatter.add.f32 [tilespmem:s24], [sflag:$0x7], $0x80, s23, s23, $0xb8;
	[tilespmem:$0x1C000] =	vst v63  }
0x4d: {  	_ =	swait.ge @!p0 [sflag:s13], $0x4000  }
0x4e: {  	[sflag:s13] =	ssyncset.done @!p0 $0x0  }
0x4f: {  	[sflag:s13] =	ssyncadd.s32 @!p0 $0xFFFFC000;
	s13 =	simm.s32 @!p0 $0x2  }
0x50: {  	_ =	swait.ge @!p0 [sflag:s13], $0x100  }
0x51: {  	s7 =	simm.s32 @!p0 $0x100;
	[sflag:s13] =	ssyncset.done @!p0 $0x0  }
0x52: {  	s25 =	simm.s32 @!p0 $0x4400;
	[sflag:s13] =	ssyncadd.s32 @!p0 $0xFFFFFF00;
	s13 =	simm.s32 @!p0 $0x80  }
0x53: {  	[tilespmem:s25], [sflag:$0x6] =	stream.indirect.gather @!p0 [hbm4b:s4+s13], $0x80, s7, s13, $0xb8;
	[tilespmem:$0x1C000] =	vst v63  }
0x54: {  	s7 =	sadd.s32 @!p0 s12, s17;
	s13 =	simm.s32 @!p0 $0x0;
	s25 =	simm.s32 @!p0 $0x300  }
0x55: {  	[tilespmem:s25], [sflag:$0x4] =	stream.linear.gather @!p0 [hbm4b:s7+s13], $0x100, $0x38;
	[tilespmem:$0x1C000] =	vst v63  }
0x56: {  	_ =	swait.ge [sflag:s30], $0x4000  }
0x57: {  	[sflag:s30] =	ssyncset.done $0x0  }
0x58: {  	[sflag:s30] =	ssyncadd.s32 $0xFFFFC000  }
0x59: {  	[spmem:s2] =	stream.indirect.scatter.add.f32 [tilespmem:s26], [sflag:$0x8], $0x80, s31, s23, $0xb8;
	[tilespmem:$0x1C000] =	vst v63  }
0x5a: {  	_ =	swait.ge [sflag:s0], $0x4000  }
0x5b: {  	[sflag:s0] =	ssyncset.done $0x0  }
0x5c: {  	[sflag:s0] =	ssyncadd.s32 $0xFFFFC000  }
0x5d: {  	_ =	swait.ge [sflag:s1], $0x100  }
0x5e: {  	[sflag:s1] =	ssyncset.done $0x0  }
0x5f: {  	p0 =	seq.s32 s12, $0x980;
	[sflag:s1] =	ssyncadd.s32 $0xFFFFFF00  }
0x60: {  	[tilespmem:s24], [sflag:$0x5] =	stream.indirect.gather [hbm4b:s4+s23], $0x80, s20, s23, $0xb8;
	[tilespmem:$0x1C000] =	vst v63  }
0x61: {  	s7 =	sadd.s32 @!p0 s12, s16;
	s13 =	simm.s32 @!p0 $0x0  }
0x62: {  	[tilespmem:s13], [sflag:$0x1] =	stream.linear.gather @!p0 [hbm4b:s7+s13], $0x100, $0x38;
	[tilespmem:$0x1C000] =	vst v63  }
0x63: {  	_ =	swait.ge [sflag:s29], $0x4000  }
0x64: {  	[sflag:s29] =	ssyncset.done $0x0  }
0x65: {  	[sflag:s29] =	ssyncadd.s32 $0xFFFFC000  }
0x66: {  	[spmem:s2] =	stream.indirect.scatter.add.f32 [tilespmem:s24], [sflag:$0x7], $0x80, s5, s23, $0xb8;
	[tilespmem:$0x1C000] =	vst v63  }
0x67: {  	_ =	swait.ge [sflag:s8], $0x4000  }
0x68: {  	[sflag:s8] =	ssyncset.done $0x0  }
.Ltmp2:
0x69: {  	[sflag:s8] =	ssyncadd.s32 $0xFFFFC000;
	(pc) =	sbr.rel @p0 .LBB2_4-.Ltmp2, $4  }
0x6a: {  	_ =	swait.ge [sflag:s9], $0x100  }
0x6b: {  	[sflag:s9] =	ssyncset.done $0x0  }
0x6c: {  	[sflag:s9] =	ssyncadd.s32 $0xFFFFFF00  }
0x6d: {  	[tilespmem:s26], [sflag:$0x6] =	stream.indirect.gather [hbm4b:s4+s23], $0x80, s21, s23, $0xb8;
	[tilespmem:$0x1C000] =	vst v63  }
0x6e: {  	s7 =	sadd.s32 s12, s15  }
0x6f: {  	[tilespmem:s19], [sflag:$0x2] =	stream.linear.gather [hbm4b:s7+s3], $0x100, $0x38;
	[tilespmem:$0x1C000] =	vst v63  }
0x70: {  	_ =	swait.ge [sflag:s30], $0x4000  }
0x71: {  	[sflag:s30] =	ssyncset.done $0x0  }
0x72: {  	[sflag:s30] =	ssyncadd.s32 $0xFFFFC000  }
0x73: {  	[spmem:s2] =	stream.indirect.scatter.add.f32 [tilespmem:s26], [sflag:$0x8], $0x80, s6, s23, $0xb8;
	[tilespmem:$0x1C000] =	vst v63  }
0x74: {  	_ =	swait.ge [sflag:s0], $0x4000  }
0x75: {  	[sflag:s0] =	ssyncset.done $0x0  }
0x76: {  	[sflag:s0] =	ssyncadd.s32 $0xFFFFC000  }
0x77: {  	_ =	swait.ge [sflag:s22], $0x100  }
.Ltmp3:
0x78: {  	[sflag:s22] =	ssyncset.done $0x0;
	(pc) =	sbr.rel .LBB2_2-.Ltmp3, $4  }
0x79: {  	[sflag:s22] =	ssyncadd.s32 $0xFFFFFF00  }
0x7a: {  	[tilespmem:s24], [sflag:$0x5] =	stream.indirect.gather [hbm4b:s4+s23], $0x80, s3, s23, $0xb8;
	[tilespmem:$0x1C000] =	vst v63  }
0x7b: {  	s25 =	sadd.s32 s12, s14;
	s12 =	sadd.s32 $0x80, s12  }
0x7c: {  	[tilespmem:s20], [sflag:$0x3] =	stream.linear.gather [hbm4b:s25+s3], $0x100, $0x38;
	[tilespmem:$0x1C000] =	vst v63  }
.LBB2_5:
0x7d: {  	_ =	sfence.sel $0x180000  }
0x7e: {  	[bflag:$0x0] =	sbarrier.arrive $0xFFFF  }
0x7f: {  	_ =	strace $0x9000004D  }
0x80: {  	s0 =	stileid.u32;
	[bflag:$0x2] =	sbarrier.arrive $0xFFFF  }
0x81: {  	p0 =	sne.s32 s0, $0x0;
	s0 =	rddreg [dreg:$0x2]  }
0x82: {  	s0 =	sadd.s32 @!p0 $0x100000, s0  }
0x83: {  	[sflag:s0] =	ssyncadd.tile.s32 @!p0 $0x1;
	_ =	shalt  }
.Lfunc_end2:
_tile_overlayer_lowered:
.L_overlay_start_2:
0x84: {  	(tag) =	ssettag $0x2  }
0x85: {  	s0 =	rddreg [dreg:$0x0];
	s2 =	stileid.u32  }
0x86: {  	s1 =	rddreg [dreg:$0x1];
	p0 =	sne.s32 s2, $0x0  }
0x87: {  	s3 =	rddreg [dreg:$0x2];
	[bflag:$0x3] =	sbarrier.arrive $0xFFFF;
	s2 =	simm.s32 @!p0 $0x1C0A  }
0x88: {  	[timem:s3], [sflag:s2] =	dma.local @!p0 [hbm:s0], s1  }
0x89: {  	s0 =	simm.s32 @!p0 $0xA  }
0x8a: {  	_ =	swait.ge @!p0 [sflag:s0], s1  }
0x8b: {  	s1 =	ssub.s32 @!p0 $0x0, s1;
	[sflag:s0] =	ssyncset.done @!p0 $0x0  }
0x8c: {  	[sflag:s0] =	ssyncadd.s32 @!p0 s1  }
0x8d: {  	[bflag:$0x3] =	sbarrier.arrive $0xFFFF  }
0x8e: {  	_ =	shalt  }

// kernel: kernel.8.cloned.1.call-start
scs
__scs_entry_jumppad:
0x0: {  	(pc) =	sbr.rel $0x88, $3  }
0x1: {  	(tag) =	ssettag $0x0;
	lr =	simm.s32 $0x1  }
0x2: {  	[smem:$0x3F82] =	sst lr;
	_ =	strace $0xD0000000  }
0x3: {  	_ = 	snop  }
0x4: {  	_ = 	snop  }
0x5: {  	_ = 	snop  }
0x6: {  	_ = 	snop  }
0x7: {  	_ = 	snop  }
__scs_overlays_trampoline_lowered:
0x8: {  	[smem:$0x3F91] =	sst s0  }
0x9: {  	[smem:$0x3F92] =	sst s1  }
0xa: {  	[smem:$0x3F93] =	sst s2  }
0xb: {  	[smem:$0x3F94] =	sst s3  }
0xc: {  	[smem:$0x3F95] =	sst s4  }
0xd: {  	[smem:$0x3F96] =	sst s5  }
0xe: {  	[smem:$0x3F97] =	sst s6  }
0xf: {  	[smem:$0x3F98] =	sst s7  }
0x10: {  	[smem:$0x3F99] =	sst s8  }
0x11: {  	[smem:$0x3F9A] =	sst s9;
	s0 =	simm.s32 @!p0 $0x0  }
0x12: {  	s1 =	sld [smem:$0x3F80];
	s0 =	simm.s32 @p0 $0x1  }
0x13: {  	[smem:$0x3F9B] =	sst s0;
	s0 =	simm.s32 @!p1 $0x0  }
0x14: {  	s2 =	sld [smem:$0x3F7F];
	s0 =	simm.s32 @p1 $0x1  }
0x15: {  	[smem:$0x3F9C] =	sst s0;
	s0 =	simm.s32 @!p2 $0x0  }
0x16: {  	s3 =	sld [smem:$0x3FDB];
	s0 =	simm.s32 @p2 $0x1  }
0x17: {  	s4 =	simm.s32 $0x1BF5;
	[smem:$0x3F9E] =	sst s0  }
0x18: {  	s0 =	sld [smem:$0x3F81];
	_ =	swait.ge [sflag:s4], $0x0  }
0x19: {  	s7 =	sld [smem:$0x3F82]  }
0x1a: {  	s8 =	sadd.s32 $0xFFFFE003, lr  }
0x1b: {  	s9 =	sadd.s32 $0xFFFFFEF7, lr;
	s5 =	simm.s32 $0xFFFFFFFF;
	p2 =	slt.u32 s8, $0xFFFFF086  }
0x1c: {  	p1 =	slt.u32 s9, $0xF7A;
	s5 =	simm.s32 @!p2 $0x0  }
0x1d: {  	s5 =	simm.s32 @p1 $0x1;
	p0 =	seq.s32 s7, s2  }
0x1e: {  	s7 =	smul.u32 @!p0 $0xF7A, s2;
	p2 =	seq.s32 @!p0 s5, $0x0  }
0x1f: {  	s9 =	smul.u32 $0xF7A, s1;
	s8 =	simm.s32 @!p0 $0x1BF5;
	p2 =	por !p2, p0  }
0x20: {  	[sflag:s8] =	ssyncset.s32 @!p0 $0xFFFFF086;
	s6 =	sadd.s32 @!p0 s3, s7;
	s7 =	simm.s32 @!p0 $0x108  }
0x21: {  	s3 =	sadd.s32 s3, s9;
	s6 =	sadd.s32 @!p0 $0x88, s6;
	s7 =	simm.s32 @p2 $0x1082  }
0x22: {  	[simem:s7], [sflag:s8] =	dma.local @!p0 [hbm:s6], $0xF7A  }
0x23: {  	s9 =	sor.u32 $0xD0000000, s2;
	s6 =	simm.s32 $0x108;
	_ =	swait.ge @!p0 [sflag:s8], $0x0  }
0x24: {  	s3 =	sadd.s32 $0x88, s3;
	s6 =	simm.s32 @!p1 $0x1082;
	[sflag:s4] =	ssyncset.s32 $0xFFFFF086  }
0x25: {  	[simem:s6], [sflag:s4] =	dma.local [hbm:s3], $0xF7A  }
0x26: {  	[smem:$0x3F82] =	sst s1;
	(tag) =	ssettag s2;
	_ =	strace s9  }
0x27: {  	s1 =	sld [smem:$0x3F92]  }
0x28: {  	s2 =	sld [smem:$0x3F93]  }
0x29: {  	s4 =	sld [smem:$0x3F95]  }
0x2a: {  	p0 =	seq.s32 s5, $0x0;
	s5 =	sld [smem:$0x3F96]  }
0x2b: {  	s6 =	sld [smem:$0x3F97]  }
0x2c: {  	s7 =	sld [smem:$0x3F98]  }
0x2d: {  	s3 =	simm.s32 $0x108;
	s8 =	sld [smem:$0x3F99]  }
0x2e: {  	s3 =	simm.s32 @!p0 $0x1082;
	s9 =	sld [smem:$0x3F9A]  }
0x2f: {  	lr =	sadd.s32 s0, s3;
	s0 =	sld [smem:$0x3F91]  }
0x30: {  	s3 =	sld [smem:$0x3F94]  }
0x31: {  	[smem:$0x3F9D] =	sst s10  }
0x32: {  	s10 =	sld [smem:$0x3F9B];
	_ =	sdelay $0x3  }
0x33: {  	p0 =	seq.s32 s10, $0x1;
	s10 =	sld [smem:$0x3F9D];
	_ =	sdelay $0x3  }
0x34: {  	[smem:$0x3F9D] =	sst s10  }
0x35: {  	s10 =	sld [smem:$0x3F9C];
	_ =	sdelay $0x3  }
0x36: {  	p1 =	seq.s32 s10, $0x1;
	s10 =	sld [smem:$0x3F9D];
	_ =	sdelay $0x3  }
0x37: {  	[smem:$0x3F9D] =	sst s10  }
0x38: {  	s10 =	sld [smem:$0x3F9E]  }
0x39: {  	_ = 	snop;
	(pc) =	sbr.ind lr, $3  }
0x3a: {  	_ = 	snop  }
0x3b: {  	_ = 	snop  }
0x3c: {  	p2 =	seq.s32 s10, $0x1;
	s10 =	sld [smem:$0x3F9D]  }
0x3d: {  	_ =	shalt  }
0x3e: {  	_ =	shalt  }
0x3f: {  	_ =	shalt  }
0x40: {  	_ =	shalt  }
0x41: {  	_ =	shalt  }
0x42: {  	_ =	shalt  }
0x43: {  	_ =	shalt  }
0x44: {  	_ =	shalt  }
0x45: {  	_ =	shalt  }
0x46: {  	_ =	shalt  }
0x47: {  	_ =	shalt  }
0x48: {  	_ =	shalt  }
0x49: {  	_ =	shalt  }
0x4a: {  	_ =	shalt  }
0x4b: {  	_ =	shalt  }
0x4c: {  	_ =	shalt  }
0x4d: {  	_ =	shalt  }
0x4e: {  	_ =	shalt  }
0x4f: {  	_ =	shalt  }
0x50: {  	_ =	shalt  }
0x51: {  	_ =	shalt  }
0x52: {  	_ =	shalt  }
0x53: {  	_ =	shalt  }
0x54: {  	_ =	shalt  }
0x55: {  	_ =	shalt  }
0x56: {  	_ =	shalt  }
0x57: {  	_ =	shalt  }
0x58: {  	_ =	shalt  }
0x59: {  	_ =	shalt  }
0x5a: {  	_ =	shalt  }
0x5b: {  	_ =	shalt  }
0x5c: {  	_ =	shalt  }
0x5d: {  	_ =	shalt  }
0x5e: {  	_ =	shalt  }
0x5f: {  	_ =	shalt  }
0x60: {  	_ =	shalt  }
0x61: {  	_ =	shalt  }
0x62: {  	_ =	shalt  }
0x63: {  	_ =	shalt  }
0x64: {  	_ =	shalt  }
0x65: {  	_ =	shalt  }
0x66: {  	_ =	shalt  }
0x67: {  	_ =	shalt  }
0x68: {  	_ =	shalt  }
0x69: {  	_ =	shalt  }
0x6a: {  	_ =	shalt  }
0x6b: {  	_ =	shalt  }
0x6c: {  	_ =	shalt  }
0x6d: {  	_ =	shalt  }
0x6e: {  	_ =	shalt  }
0x6f: {  	_ =	shalt  }
0x70: {  	_ =	shalt  }
0x71: {  	_ =	shalt  }
0x72: {  	_ =	shalt  }
0x73: {  	_ =	shalt  }
0x74: {  	_ =	shalt  }
0x75: {  	_ =	shalt  }
0x76: {  	_ =	shalt  }
0x77: {  	_ =	shalt  }
0x78: {  	_ =	shalt  }
0x79: {  	_ =	shalt  }
0x7a: {  	_ =	shalt  }
0x7b: {  	_ =	shalt  }
0x7c: {  	_ =	shalt  }
0x7d: {  	_ =	shalt  }
0x7e: {  	_ =	shalt  }
0x7f: {  	_ =	shalt  }
0x80: {  	_ =	shalt  }
0x81: {  	_ =	shalt  }
0x82: {  	_ =	shalt  }
0x83: {  	_ =	shalt  }
0x84: {  	_ =	shalt  }
0x85: {  	_ =	shalt  }
0x86: {  	_ =	shalt  }
0x87: {  	_ =	shalt  }
.Lfunc_end0:
.L_simem_size_0:
called_computation_lowered:
.L_overlay_start_0:
0x88: {  	s2 =	sld [smem:$0x3FD9]  }
0x89: {  	s3 =	sld [smem:$0x3FFE];
	_ =	sdelay $0x1  }
0x8a: {  	s1 =	srdreg.scid  }
0x8b: {  	s0 =	sand.u32 $0x1, s1  }
0x8c: {  	s17 =	sshll.u32 s0, $0xA;
	s2 =	sadd.s32 s3, s2  }
0x8d: {  	s2 =	sadd.s32 s2, s17  }
0x8e: {  	[smem:$0x3FA9] =	sst s2  }
0x8f: {  	_ = 	snop  }
0x90: {  	s2 =	sld [smem:$0x3FC9];
	(tm) =	ssettm $0x1  }
0x91: {  	s18 =	sld [smem:$0x3FFB];
	_ =	sdelay $0x3  }
0x92: {  	_ =	strace s18  }
0x93: {  	s3 =	sld [smem:$0x3FFC];
	_ =	sdelay $0x3  }
0x94: {  	_ =	strace s3  }
0x95: {  	s3 =	sld [smem:$0x3FFD];
	_ =	sdelay $0x3  }
0x96: {  	_ =	strace s3  }
0x97: {  	_ =	strace $0x8FFFFFFF  }
0x98: {  	s19 =	sld [smem:$0x3FDB];
	_ =	sdelay $0x1  }
0x99: {  	s4 =	simm.s32 $_scs_section_size  }
0x9a: {  	s5 =	simm.s32 $_size__tile_overlayer_lowered;
	s6 =	simm.s32 $_tile_overlayer_lowered  }
0x9b: {  	s22 =	simm.s32 $0x1BFF;
	s21 =	sshll.u32 s6, $0x1;
	s3 =	sadd.s32 s4, s19  }
0x9c: {  	s7 =	simm.s32 $0x0;
	s20 =	sshll.u32 s5, $0x1;
	s5 =	sadd.s32 s21, s3  }
0x9d: {  	[timem:s7], [sflag:s22] =	dma.local [hbm:s5], s20  }
0x9e: {  	_ =	swait.ge [sflag:s22], s20  }
0x9f: {  	s4 =	ssub.s32 $0x0, s20;
	[sflag:s22] =	ssyncset.done $0x0  }
0xa0: {  	[sflag:s22] =	ssyncadd.s32 s4;
	_ =	sdelay $0x1  }
0xa1: {  	s23 =	simm.s32 $0x1B8B  }
0xa2: {  	_ =	swait.ge [sflag:s23], $0x1  }
0xa3: {  	[sflag:s23] =	ssyncset.done $0x0  }
0xa4: {  	s25 =	simm.s32 $0x1B8E;
	s24 =	sld [smem:$0x3FFE];
	[sflag:s23] =	ssyncadd.s32 $0xFFFFFFFF  }
0xa5: {  	s26 =	simm.s32 $execute0_lowered;
	[smem:$0x3FD2] =	sst s25  }
0xa6: {  	s5 =	sshll.u32 s26, $0x1;
	_ =	strace $0x80000046;
	[dreg:$0x1] =	wrdreg $0xFFFFFFFF  }
0xa7: {  	s28 =	simm.s32 $_size_execute0_lowered;
	s3 =	sadd.s32 s3, s5;
	[dreg:$0x0] =	wrdreg $0x0  }
0xa8: {  	s5 =	sshll.u32 s28, $0x1;
	[dreg:$0x2] =	wrdreg s3  }
0xa9: {  	[dreg:$0x3] =	wrdreg s5  }
0xaa: {  	[dreg:$0x4] =	wrdreg $0xC0  }
0xab: {  	_ =	task [dreg:s7], $0x5FFFF  }
0xac: {  	[dreg:$0x1] =	wrdreg $0xFFFFFFFF  }
0xad: {  	[dreg:$0x0] =	wrdreg $0x60  }
0xae: {  	[dreg:$0x2] =	wrdreg s2  }
0xaf: {  	[dreg:$0x3] =	wrdreg s24  }
0xb0: {  	[dreg:$0x4] =	wrdreg $0x84000  }
0xb1: {  	[dreg:$0x5] =	wrdreg $0x9  }
0xb2: {  	_ =	task.clear_ibuf [dreg:s7], $0x6FFFF;
	_ =	strace $0x90000046  }
0xb3: {  	s29 =	simm.s32 $0x9;
	_ =	strace $0x80000048  }
0xb4: {  	_ =	swait.ge [sflag:s29], $0x1  }
0xb5: {  	[sflag:s29] =	ssyncadd.s32 $0xFFFFFFFF  }
0xb6: {  	_ =	strace $0x90000048  }
0xb7: {  	_ =	sfence  }
0xb8: {  	s30 =	sld [smem:$0x0];
	_ =	sdelay $0x2  }
0xb9: {  	s31 =	sshll.u32 s1, $0xD;
	s1 =	sshrl.u32 s1, $0x2  }
0xba: {  	s3 =	sand.u32 $0x4000, s31;
	s1 =	sadd.s32 s1, s30  }
0xbb: {  	s0 =	sor.u32 s3, s0;
	s1 =	sshll.u32 s1, $0x11  }
0xbc: {  	s0 =	sor.u32 s1, s0  }
0xbd: {  	s0 =	sadd.s32 $0x8F2B, s0  }
0xbe: {  	[sflag:s0] =	ssyncadd.remote.s32 $0x1  }
0xbf: {  	_ =	sfence.sel $0xFFFF  }
0xc0: {  	[dreg:$0x0] =	wrdreg $0xFFFFFFFF;
	(pc) =	sbr.abs _section_cstart, $3  }
0xc1: {  	[dreg:$0x1] =	wrdreg $0xFFFFFFFF  }
0xc2: {  	_ =	task.clear_ibuf [dreg:s7], $0x2FFFF;
	_ =	strace $0x9FFFFFFF  }
0xc3: {  	(tm) =	ssettm $0x7FFFFFFF  }
tec
execute0_lowered:
.L_overlay_start_1:
0x0: {  	(tag) =	ssettag $0x1  }
0x1: {  	s2 =	rddreg [dreg:$0x0]  }
0x2: {  	s0 =	rddreg [dreg:$0x1]  }
0x3: {  	s3 =	rddreg [dreg:$0x2]  }
0x4: {  	s12 =	stileid.u32;
	s4 =	simm.s32 $0x0;
	s5 =	srdreg.scid  }
0x5: {  	s28 =	simm.s32 $0x9;
	s29 =	simm.s32 $0x5;
	s30 =	simm.s32 $0x6  }
0x6: {  	s31 =	simm.s32 $0x180;
	s1 =	smul.u32 $0x13C00, s12;
	[smem:$0x7FF] =	sst s4  }
0x7: {  	s5 =	sand.u32 $0x1, s5;
	s8 =	sadd.s32 $0x7200, s0;
	s25 =	smul.u32 $0x4F000, s12  }
0x8: {  	s9 =	sshll.u32 s12, $0x1;
	s11 =	smul.u32 $0xA000, s12;
	s18 =	sshll.u32 s12, $0x6  }
0x9: {  	_ =	strace $0x80000047;
	s7 =	smul.u32 $0x13C000, s5;
	s9 =	sor.u32 s5, s9  }
0xa: {  	s10 =	ssub.s32 $0x2, s5;
	s5 =	smul.u32 $0x5000, s5;
	[dreg:$0x5] =	wrdreg s18  }
0xb: {  	s19 =	sor.u32 $0x1C09, s18;
	s6 =	sshrl.u32 s1, $0x3;
	s9 =	smul.u32 $0x5000, s9  }
0xc: {  	s26 =	sshrl.u32 s10, $0x1;
	[dreg:$0x7] =	wrdreg s19;
	s19 =	simm.s32 $0x100  }
0xd: {  	s6 =	sadd.s32 s6, s0;
	s1 =	sadd.s32 s1, s7;
	s7 =	sshrl.u32 s25, $0x2  }
0xe: {  	s5 =	sadd.s32 s5, s11;
	s11 =	simm.s32 $0x0;
	s1 =	sshrl.u32 s1, $0x3  }
0xf: {  	s13 =	sadd.s32 s7, s3;
	s6 =	sadd.s32 $0x1B200, s6;
	s17 =	sshrl.u32 s9, $0x3  }
0x10: {  	s21 =	sor.u32 $0x600, s5;
	s25 =	sor.u32 $0x500, s5;
	s0 =	sadd.s32 s1, s0  }
0x11: {  	s1 =	ssub.s32 s10, s26;
	[dreg:$0x4] =	wrdreg s6;
	s9 =	sadd.s32 s8, s17  }
0x12: {  	s6 =	sshrl.u32 s21, $0x3;
	s26 =	sor.u32 $0x400, s5;
	s5 =	sor.u32 $0x300, s5  }
0x13: {  	s18 =	sshrl.u32 s13, $0x3;
	s21 =	simm.s32 $0x300;
	s10 =	simm.s32 $0xA  }
0x14: {  	s20 =	sadd.s32 $0x20, s9;
	s22 =	sadd.s32 $0x40, s9;
	[dreg:$0x6] =	wrdreg s9  }
0x15: {  	s23 =	sadd.s32 $0x60, s9;
	s0 =	sadd.s32 $0x42A00, s0;
	[dreg:$0x8] =	wrdreg s20  }
0x16: {  	s24 =	smax.u32 s1, $0x1;
	s14 =	sadd.s32 s6, s8;
	[dreg:$0x9] =	wrdreg s22  }
0x17: {  	s1 =	sshrl.u32 s26, $0x3;
	s5 =	sshrl.u32 s5, $0x3;
	[dreg:$0xa] =	wrdreg s23  }
0x18: {  	s26 =	simm.s32 $0x4400;
	s9 =	simm.s32 $0x4;
	[dreg:$0xb] =	wrdreg s0  }
.Ltmp0:
0x19: {  	s6 =	simm.s32 $0x380;
	[dreg:$0xc] =	wrdreg s24;
	(pc) =	sbr.rel .LBB2_1-.Ltmp0, $4  }
0x1a: {  	s0 =	sshrl.u32 s25, $0x3;
	s16 =	sadd.s32 s1, s8;
	s17 =	sadd.s32 s5, s8  }
0x1b: {  	s20 =	simm.s32 $0x200;
	s22 =	simm.s32 $0x1;
	s23 =	simm.s32 $0x80  }
0x1c: {  	s24 =	simm.s32 $0x400;
	s1 =	simm.s32 $0x3;
	s5 =	simm.s32 $0x280  }
0x1d: {  	s15 =	sadd.s32 s0, s8;
	s0 =	simm.s32 $0x7;
	s8 =	simm.s32 $0x8  }
.LBB2_4:
0x1e: {  	_ =	swait.ge [sflag:s30], $0x4000  }
0x1f: {  	[sflag:s30] =	ssyncset.done $0x0  }
0x20: {  	[sflag:s30] =	ssyncadd.s32 $0xFFFFC000  }
0x21: {  	[spmem:s3] =	stream.indirect.scatter.add.f32 [tilespmem:s26], [sflag:$0x8], $0x80, s6, s23, $0xb8;
	[tilespmem:$0x1C000] =	vst v63  }
0x22: {  	_ =	swait.ge [sflag:s0], $0x4000  }
0x23: {  	[sflag:s0] =	ssyncset.done $0x0  }
0x24: {  	[sflag:s0] =	ssyncadd.s32 $0xFFFFC000  }
0x25: {  	_ =	swait.ge [sflag:s8], $0x4000  }
0x26: {  	[sflag:s8] =	ssyncset.done $0x0  }
0x27: {  	[sflag:s8] =	ssyncadd.s32 $0xFFFFC000  }
0x28: {  	[bflag:$0x0] =	sbarrier.arrive $0xFFFF  }
0x29: {  	s7 =	rddreg [dreg:$0x5]  }
0x2a: {  	s12 =	rddreg [dreg:$0xb];
	s7 =	sor.u32 $0x1C0A, s7  }
0x2b: {  	[hbm:s12], [sflag:s7] =	dma.local [spmem:s18], $0x2780  }
0x2c: {  	_ =	swait.ge [sflag:s10], $0x2780  }
0x2d: {  	s11 =	sadd.s32 $0x1, s11;
	s25 =	rddreg [dreg:$0xc]  }
0x2e: {  	p0 =	sne.s32 s11, s25  }
.Ltmp1:
0x2f: {  	_ = 	snop;
	(pc) =	sbr.rel @!p0 .LBB2_5-.Ltmp1, $3  }
0x30: {  	_ =	sdelay $0x1  }
0x31: {  	[sflag:s10] =	ssyncset.done $0x0  }
0x32: {  	[sflag:s10] =	ssyncadd.s32 $0xFFFFD880  }
.LBB2_1:
0x33: {  	s7 =	rddreg [dreg:$0x4]  }
0x34: {  	s12 =	rddreg [dreg:$0x7]  }
0x35: {  	[spmem:s18], [sflag:s12] =	dma.local [hbm:s7], $0x2780  }
0x36: {  	s7 =	rddreg [dreg:$0x6]  }
0x37: {  	[tilespmem:s4], [sflag:$0x1] =	stream.linear.gather [hbm4b:s7+s4], $0x100, $0x38;
	[tilespmem:$0x1C000] =	vst v63  }
0x38: {  	s25 =	rddreg [dreg:$0x8]  }
0x39: {  	[tilespmem:s19], [sflag:$0x2] =	stream.linear.gather [hbm4b:s25+s4], $0x100, $0x38;
	[tilespmem:$0x1C000] =	vst v63  }
0x3a: {  	s12 =	rddreg [dreg:$0x9]  }
0x3b: {  	[tilespmem:s20], [sflag:$0x3] =	stream.linear.gather [hbm4b:s12+s4], $0x100, $0x38;
	[tilespmem:$0x1C000] =	vst v63  }
0x3c: {  	s13 =	rddreg [dreg:$0xa]  }
0x3d: {  	[tilespmem:s21], [sflag:$0x4] =	stream.linear.gather [hbm4b:s13+s4], $0x100, $0x38;
	[tilespmem:$0x1C000] =	vst v63  }
0x3e: {  	_ =	swait.ge [sflag:s22], $0x100  }
0x3f: {  	[sflag:s22] =	ssyncset.done $0x0  }
0x40: {  	s25 =	simm.s32 $0x2;
	[sflag:s22] =	ssyncadd.s32 $0xFFFFFF00  }
0x41: {  	[tilespmem:s24], [sflag:$0x5] =	stream.indirect.gather [hbm4b:s2+s23], $0x80, s4, s23, $0xb8;
	[tilespmem:$0x1C000] =	vst v63  }
0x42: {  	_ =	swait.ge [sflag:s25], $0x100  }
0x43: {  	[sflag:s25] =	ssyncset.done $0x0  }
0x44: {  	[sflag:s25] =	ssyncadd.s32 $0xFFFFFF00  }
0x45: {  	[tilespmem:s26], [sflag:$0x6] =	stream.indirect.gather [hbm4b:s2+s23], $0x80, s19, s23, $0xb8;
	[tilespmem:$0x1C000] =	vst v63  }
0x46: {  	_ =	swait.ge [sflag:s28], $0x2780  }
0x47: {  	[sflag:s28] =	ssyncset.done $0x0  }
0x48: {  	[sflag:s28] =	ssyncadd.s32 $0xFFFFD880  }
0x49: {  	s12 =	simm.s32 $0x0;
	[bflag:$0x0] =	sbarrier.arrive $0xFFFF  }
.LBB2_2:
0x4a: {  	_ =	swait.ge [sflag:s29], $0x4000  }
0x4b: {  	p0 =	seq.s32 s12, $0x0;
	[sflag:s29] =	ssyncset.done $0x0  }
0x4c: {  	s13 =	simm.s32 @!p0 $0x8;
	[sflag:s29] =	ssyncadd.s32 $0xFFFFC000  }
0x4d: {  	[spmem:s3] =	stream.indirect.scatter.add.f32 [tilespmem:s24], [sflag:$0x7], $0x80, s23, s23, $0xb8;
	[tilespmem:$0x1C000] =	vst v63  }
0x4e: {  	_ =	swait.ge @!p0 [sflag:s13], $0x4000  }
0x4f: {  	[sflag:s13] =	ssyncset.done @!p0 $0x0  }
0x50: {  	[sflag:s13] =	ssyncadd.s32 @!p0 $0xFFFFC000;
	s13 =	simm.s32 @!p0 $0x2  }
0x51: {  	_ =	swait.ge @!p0 [sflag:s13], $0x100  }
0x52: {  	s7 =	simm.s32 @!p0 $0x100;
	[sflag:s13] =	ssyncset.done @!p0 $0x0  }
0x53: {  	s25 =	simm.s32 @!p0 $0x4400;
	[sflag:s13] =	ssyncadd.s32 @!p0 $0xFFFFFF00;
	s13 =	simm.s32 @!p0 $0x80  }
0x54: {  	[tilespmem:s25], [sflag:$0x6] =	stream.indirect.gather @!p0 [hbm4b:s2+s13], $0x80, s7, s13, $0xb8;
	[tilespmem:$0x1C000] =	vst v63  }
0x55: {  	s7 =	sadd.s32 @!p0 s12, s17;
	s13 =	simm.s32 @!p0 $0x0;
	s25 =	simm.s32 @!p0 $0x300  }
0x56: {  	[tilespmem:s25], [sflag:$0x4] =	stream.linear.gather @!p0 [hbm4b:s7+s13], $0x100, $0x38;
	[tilespmem:$0x1C000] =	vst v63  }
0x57: {  	_ =	swait.ge [sflag:s30], $0x4000  }
0x58: {  	[sflag:s30] =	ssyncset.done $0x0  }
0x59: {  	[sflag:s30] =	ssyncadd.s32 $0xFFFFC000  }
0x5a: {  	[spmem:s3] =	stream.indirect.scatter.add.f32 [tilespmem:s26], [sflag:$0x8], $0x80, s31, s23, $0xb8;
	[tilespmem:$0x1C000] =	vst v63  }
0x5b: {  	_ =	swait.ge [sflag:s0], $0x4000  }
0x5c: {  	[sflag:s0] =	ssyncset.done $0x0  }
0x5d: {  	[sflag:s0] =	ssyncadd.s32 $0xFFFFC000  }
0x5e: {  	_ =	swait.ge [sflag:s1], $0x100  }
0x5f: {  	[sflag:s1] =	ssyncset.done $0x0  }
0x60: {  	p0 =	seq.s32 s12, $0x980;
	[sflag:s1] =	ssyncadd.s32 $0xFFFFFF00  }
0x61: {  	[tilespmem:s24], [sflag:$0x5] =	stream.indirect.gather [hbm4b:s2+s23], $0x80, s20, s23, $0xb8;
	[tilespmem:$0x1C000] =	vst v63  }
0x62: {  	s7 =	sadd.s32 @!p0 s12, s16;
	s13 =	simm.s32 @!p0 $0x0  }
0x63: {  	[tilespmem:s13], [sflag:$0x1] =	stream.linear.gather @!p0 [hbm4b:s7+s13], $0x100, $0x38;
	[tilespmem:$0x1C000] =	vst v63  }
0x64: {  	_ =	swait.ge [sflag:s29], $0x4000  }
0x65: {  	[sflag:s29] =	ssyncset.done $0x0  }
0x66: {  	[sflag:s29] =	ssyncadd.s32 $0xFFFFC000  }
0x67: {  	[spmem:s3] =	stream.indirect.scatter.add.f32 [tilespmem:s24], [sflag:$0x7], $0x80, s5, s23, $0xb8;
	[tilespmem:$0x1C000] =	vst v63  }
0x68: {  	_ =	swait.ge [sflag:s8], $0x4000  }
0x69: {  	[sflag:s8] =	ssyncset.done $0x0  }
.Ltmp2:
0x6a: {  	[sflag:s8] =	ssyncadd.s32 $0xFFFFC000;
	(pc) =	sbr.rel @p0 .LBB2_4-.Ltmp2, $4  }
0x6b: {  	_ =	swait.ge [sflag:s9], $0x100  }
0x6c: {  	[sflag:s9] =	ssyncset.done $0x0  }
0x6d: {  	[sflag:s9] =	ssyncadd.s32 $0xFFFFFF00  }
0x6e: {  	[tilespmem:s26], [sflag:$0x6] =	stream.indirect.gather [hbm4b:s2+s23], $0x80, s21, s23, $0xb8;
	[tilespmem:$0x1C000] =	vst v63  }
0x6f: {  	s7 =	sadd.s32 s12, s15  }
0x70: {  	[tilespmem:s19], [sflag:$0x2] =	stream.linear.gather [hbm4b:s7+s4], $0x100, $0x38;
	[tilespmem:$0x1C000] =	vst v63  }
0x71: {  	_ =	swait.ge [sflag:s30], $0x4000  }
0x72: {  	[sflag:s30] =	ssyncset.done $0x0  }
0x73: {  	[sflag:s30] =	ssyncadd.s32 $0xFFFFC000  }
0x74: {  	[spmem:s3] =	stream.indirect.scatter.add.f32 [tilespmem:s26], [sflag:$0x8], $0x80, s6, s23, $0xb8;
	[tilespmem:$0x1C000] =	vst v63  }
0x75: {  	_ =	swait.ge [sflag:s0], $0x4000  }
0x76: {  	[sflag:s0] =	ssyncset.done $0x0  }
0x77: {  	[sflag:s0] =	ssyncadd.s32 $0xFFFFC000  }
0x78: {  	_ =	swait.ge [sflag:s22], $0x100  }
.Ltmp3:
0x79: {  	[sflag:s22] =	ssyncset.done $0x0;
	(pc) =	sbr.rel .LBB2_2-.Ltmp3, $4  }
0x7a: {  	[sflag:s22] =	ssyncadd.s32 $0xFFFFFF00  }
0x7b: {  	[tilespmem:s24], [sflag:$0x5] =	stream.indirect.gather [hbm4b:s2+s23], $0x80, s4, s23, $0xb8;
	[tilespmem:$0x1C000] =	vst v63  }
0x7c: {  	s25 =	sadd.s32 s12, s14;
	s12 =	sadd.s32 $0x80, s12  }
0x7d: {  	[tilespmem:s20], [sflag:$0x3] =	stream.linear.gather [hbm4b:s25+s4], $0x100, $0x38;
	[tilespmem:$0x1C000] =	vst v63  }
.LBB2_5:
0x7e: {  	_ =	sfence.sel $0x180000  }
0x7f: {  	[bflag:$0x0] =	sbarrier.arrive $0xFFFF  }
0x80: {  	_ =	strace $0x90000047  }
0x81: {  	s0 =	stileid.u32;
	[bflag:$0x2] =	sbarrier.arrive $0xFFFF  }
0x82: {  	p0 =	sne.s32 s0, $0x0;
	s0 =	rddreg [dreg:$0x3]  }
0x83: {  	s0 =	sadd.s32 @!p0 $0x100000, s0  }
0x84: {  	[sflag:s0] =	ssyncadd.tile.s32 @!p0 $0x1;
	_ =	shalt  }
.Lfunc_end2:
_tile_overlayer_lowered:
.L_overlay_start_2:
0x85: {  	(tag) =	ssettag $0x2  }
0x86: {  	s0 =	rddreg [dreg:$0x0];
	s2 =	stileid.u32  }
0x87: {  	s1 =	rddreg [dreg:$0x1];
	p0 =	sne.s32 s2, $0x0  }
0x88: {  	s3 =	rddreg [dreg:$0x2];
	[bflag:$0x3] =	sbarrier.arrive $0xFFFF;
	s2 =	simm.s32 @!p0 $0x1C0A  }
0x89: {  	[timem:s3], [sflag:s2] =	dma.local @!p0 [hbm:s0], s1  }
0x8a: {  	s0 =	simm.s32 @!p0 $0xA  }
0x8b: {  	_ =	swait.ge @!p0 [sflag:s0], s1  }
0x8c: {  	s1 =	ssub.s32 @!p0 $0x0, s1;
	[sflag:s0] =	ssyncset.done @!p0 $0x0  }
0x8d: {  	[sflag:s0] =	ssyncadd.s32 @!p0 s1  }
0x8e: {  	[bflag:$0x3] =	sbarrier.arrive $0xFFFF  }
0x8f: {  	_ =	shalt  }

</sc_bundles>
